<compile_context>
chip_gen: v7x
topology: tpu7x:2x2x1
jax: 0.10.2.dev20260603
libtpu: 0.0.44.dev20260713+nightly
codegen_flags: <defaults>
</compile_context>

<pallas_src>
import functools

import jax
import jax.numpy as jnp
from jax.experimental import pallas as pl

_G = 256
_K = 32


def _fps_body(xt_ref, lane_ref, glane_ref, out_ref, *, B, N, G):
    xs = xt_ref[:, 0, :]
    ys = xt_ref[:, 1, :]
    zs = xt_ref[:, 2, :]
    lane = lane_ref[...]
    glane = glane_ref[...]

    def step(i, carry):
        dist, far, sel = carry
        sel = jnp.where(glane == i, far, sel)
        oh = lane == far
        cx = jnp.sum(jnp.where(oh, xs, 0.0), axis=1, keepdims=True)
        cy = jnp.sum(jnp.where(oh, ys, 0.0), axis=1, keepdims=True)
        cz = jnp.sum(jnp.where(oh, zs, 0.0), axis=1, keepdims=True)
        dx = xs - cx
        dy = ys - cy
        dz = zs - cz
        d = (dx * dx + dy * dy) + dz * dz
        dist = jnp.minimum(dist, d)
        m = jnp.max(dist, axis=1, keepdims=True)
        far_new = jnp.min(jnp.where(dist == m, lane, N), axis=1, keepdims=True)
        return dist, far_new, sel

    dist0 = jnp.full((B, N), jnp.inf, dtype=jnp.float32)
    far0 = jnp.zeros((B, 1), dtype=jnp.int32)
    sel0 = jnp.zeros((B, G), dtype=jnp.int32)
    _, _, sel = jax.lax.fori_loop(0, G, step, (dist0, far0, sel0))
    out_ref[...] = sel


def _fps_pallas(xyz):
    B, N, _ = xyz.shape
    xt = jnp.transpose(xyz, (0, 2, 1))
    lane = jnp.broadcast_to(jnp.arange(N, dtype=jnp.int32)[None, :], (B, N))
    glane = jnp.broadcast_to(jnp.arange(_G, dtype=jnp.int32)[None, :], (B, _G))
    return pl.pallas_call(
        functools.partial(_fps_body, B=B, N=N, G=_G),
        out_shape=jax.ShapeDtypeStruct((B, _G), jnp.int32),
    )(xt, lane, glane)


def _chain_body(d_ref, glane_ref, out_ref, *, B, G):
    glane = glane_ref[...]

    def step(i, carry):
        visited, sel, *lasts = carry
        rows = jnp.concatenate(
            [d_ref[b, pl.ds(lasts[b], 1), :] for b in range(B)], axis=0)
        rows = jnp.where(visited != 0, jnp.inf, rows)
        m = jnp.min(rows, axis=1, keepdims=True)
        nxt = jnp.min(jnp.where(rows == m, glane, G), axis=1, keepdims=True)
        visited = visited | (glane == nxt).astype(jnp.int32)
        sel = jnp.where(glane == i, nxt, sel)
        new_lasts = [jnp.sum(nxt[b:b + 1, :]) for b in range(B)]
        return (visited, sel, *new_lasts)

    visited0 = jnp.zeros((B, G), dtype=jnp.int32)
    sel0 = jnp.zeros((B, G), dtype=jnp.int32)
    lasts0 = [jnp.int32(0)] * B
    out = jax.lax.fori_loop(1, G, step, (visited0, sel0, *lasts0))
    out_ref[...] = out[1]


def _chain_pallas(dcc):
    B, G, _ = dcc.shape
    glane = jnp.broadcast_to(jnp.arange(G, dtype=jnp.int32)[None, :], (B, G))
    return pl.pallas_call(
        functools.partial(_chain_body, B=B, G=G),
        out_shape=jax.ShapeDtypeStruct((B, G), jnp.int32),
    )(dcc, glane)


def _sqdist(a, b):
    a2 = jnp.sum(a * a, axis=-1)[:, :, None]
    b2 = jnp.sum(b * b, axis=-1)[:, None, :]
    return a2 + b2 - 2.0 * jnp.einsum('bmd,bnd->bmn', a, b)


def kernel(x, xyz):
    B, N, C = x.shape
    G, K = _G, _K

    fps_idx = _fps_pallas(xyz)
    center = jnp.take_along_axis(xyz, fps_idx[:, :, None], axis=1)
    new_points = jnp.take_along_axis(x, fps_idx[:, :, None], axis=1)

    d = _sqdist(center, xyz)
    d4 = d.reshape(B, G, N // 16, 16)
    m16 = jnp.min(d4, axis=-1)
    m256 = jnp.min(m16.reshape(B, G, N // 256, 16), axis=-1)
    _, gid = jax.lax.top_k(-m256, K)
    gid = jnp.sort(gid, axis=-1)
    mcand = jnp.take_along_axis(m16.reshape(B, G, N // 256, 16),
                                gid[..., None], axis=2)
    _, q = jax.lax.top_k(-mcand.reshape(B, G, 16 * K), K)
    cid = jnp.take_along_axis(gid, q // 16, axis=-1) * 16 + (q % 16)
    cid = jnp.sort(cid, axis=-1)
    cand = jnp.take_along_axis(d4, cid[..., None], axis=2)
    _, p = jax.lax.top_k(-cand.reshape(B, G, 16 * K), K)
    cidx = jnp.take_along_axis(cid, p // 16, axis=-1)
    idx = cidx * 16 + (p % 16)

    dcc = _sqdist(center, center)
    ar = jnp.arange(G)
    dcc = dcc.at[:, ar, ar].set(jnp.inf)
    dcc = dcc.at[:, :, 0].set(jnp.inf)
    sel = _chain_pallas(dcc)

    idx_p = jnp.take_along_axis(idx, sel[:, :, None], axis=1)
    np_p = jnp.take_along_axis(new_points, sel[:, :, None], axis=1)
    center_p = jnp.take_along_axis(center, sel[:, :, None], axis=1)
    bidx = jnp.arange(B)[:, None, None]
    neighborhood = x[bidx, idx_p]
    neighborhood = neighborhood - np_p[:, :, None, :]
    rep = jnp.broadcast_to(np_p[:, :, None, :], (B, G, K, C))
    neighborhood = jnp.concatenate([neighborhood, rep], axis=-1)
    return (neighborhood, center_p)

# --- scband reference (transcript-rebuilt; emitter-appended) ---
"""Pipeline reference for scband-group-89928025243693 (READ-ONLY COPY).

The authoritative reference and input builder live on the scoring server;
editing this copy changes nothing except your own understanding.
"""

import jax, jax.numpy as jnp
import numpy as np

NUM_GROUP = 256
GROUP_SIZE = 32


def _sqdist(a, b):
    # squared Euclidean distance [B,M,D] x [B,N,D] -> [B,M,N]
    a2 = jnp.sum(a * a, axis=-1)[:, :, None]
    b2 = jnp.sum(b * b, axis=-1)[:, None, :]
    return a2 + b2 - 2.0 * jnp.einsum('bmd,bnd->bmn', a, b)


def _fps(xyz, G):
    # furthest point sampling, seeded at index 0 per batch (matches pointnet2 CUDA)
    B, N, _ = xyz.shape

    def body(i, carry):
        distance, farthest, cent = carry
        cent = cent.at[:, i].set(farthest)
        c = jnp.take_along_axis(xyz, farthest[:, None, None], axis=1)  # [B,1,3]
        d = jnp.sum((xyz - c) ** 2, axis=-1)
        distance = jnp.minimum(distance, d)
        farthest = jnp.argmax(distance, axis=-1).astype(jnp.int32)
        return (distance, farthest, cent)

    init = (jnp.full((B, N), jnp.inf, dtype=xyz.dtype),
            jnp.zeros((B,), dtype=jnp.int32),
            jnp.zeros((B, G), dtype=jnp.int32))
    _, _, cent = jax.lax.fori_loop(0, G, body, init)
    return cent


def _morton_sort(center, G):
    # simplified morton sorting: greedy nearest-unvisited-patch chain starting at patch 0
    B = center.shape[0]
    d = _sqdist(center, center)  # squared dist; argmin order identical to cdist
    ar = jnp.arange(G)
    d = d.at[:, ar, ar].set(jnp.inf)
    d = d.at[:, :, 0].set(jnp.inf)  # patch 0 already selected

    def body(i, carry):
        dd, last, sel = carry
        row = jnp.take_along_axis(dd, last[:, None, None], axis=1)[:, 0, :]  # [B,G]
        nxt = jnp.argmin(row, axis=-1).astype(jnp.int32)
        sel = sel.at[:, i].set(nxt)
        dd = dd.at[jnp.arange(B), :, nxt].set(jnp.inf)
        return (dd, nxt, sel)

    sel0 = jnp.zeros((B, G), dtype=jnp.int32)
    _, _, sel = jax.lax.fori_loop(1, G, body, (d, jnp.zeros((B,), dtype=jnp.int32), sel0))
    return (jnp.arange(B)[:, None] * G + sel).reshape(-1)


def _group_forward(x, xyz, G, K):
    B, N, C = x.shape
    fps_idx = _fps(xyz, G)  # [B,G]
    center = jnp.take_along_axis(xyz, fps_idx[:, :, None], axis=1)      # [B,G,3]
    new_points = jnp.take_along_axis(x, fps_idx[:, :, None], axis=1)    # [B,G,C]
    # KNN: group_size nearest points in xyz for each center (sorted ascending)
    d = _sqdist(center, xyz)                                            # [B,G,N]
    _, idx = jax.lax.top_k(-d, K)                                       # [B,G,K]
    bidx = jnp.arange(B)[:, None, None]
    neighborhood = x[bidx, idx]                                         # [B,G,K,C]
    neighborhood = neighborhood - new_points[:, :, None, :]
    rep = jnp.broadcast_to(new_points[:, :, None, :], (B, G, K, C))
    neighborhood = jnp.concatenate([neighborhood, rep], axis=-1)        # [B,G,K,2C]
    si = _morton_sort(center, G)
    neighborhood = neighborhood.reshape(B * G, K, 2 * C)[si].reshape(B, G, K, 2 * C)
    center = center.reshape(B * G, 3)[si].reshape(B, G, 3)
    return (neighborhood, center)


def setup_inputs(seed: int = 0) -> dict:
    key = jax.random.key(seed)
    k1, k2 = jax.random.split(key)
    x = jax.random.normal(k1, (8, 16384, 16), dtype=jnp.float32)
    xyz = jax.random.uniform(k2, (8, 16384, 3), dtype=jnp.float32)
    return {"x": x, "xyz": xyz}


def reference(x, xyz):
    return _group_forward(x, xyz, NUM_GROUP, GROUP_SIZE)

if __name__ == "__main__":
    import jax
    _d = setup_inputs()
    print(jax.jit(kernel)(*tuple(_d.values())))

</pallas_src>

<mosaic_0001>
module attributes {stable_mosaic.version = 14 : i64} {
  func.func @_fps_body(%arg0: memref<8x3x16384xf32, #tpu.memory_space<vmem>>, %arg1: memref<8x16384xi32, #tpu.memory_space<vmem>>, %arg2: memref<8x256xi32, #tpu.memory_space<vmem>>, %arg3: memref<8x256xi32, #tpu.memory_space<vmem>>) attributes {dimension_semantics = [], scalar_prefetch = 0 : i64, scratch_operands = 0 : i64, tpu.core_type = #tpu.core_type<tc>} {
    %get3A = arith.constant 0 : index
    %get3A_0 = arith.constant 0 : index
    %get3A_1 = arith.constant 0 : index
    %get3A_2 = vector.load %arg0[%get3A, %get3A_0, %get3A_1] : memref<8x3x16384xf32, #tpu.memory_space<vmem>>, vector<8x1x16384xf32>
    %get3A_3 = vector.shape_cast %get3A_2 : vector<8x1x16384xf32> to vector<8x16384xf32>
    %get3A_4 = arith.constant 0 : index
    %get3A_5 = arith.constant 1 : index
    %get3A_6 = arith.constant 0 : index
    %get3A_7 = vector.load %arg0[%get3A_4, %get3A_5, %get3A_6] : memref<8x3x16384xf32, #tpu.memory_space<vmem>>, vector<8x1x16384xf32>
    %get3A_8 = vector.shape_cast %get3A_7 : vector<8x1x16384xf32> to vector<8x16384xf32>
    %get3A_9 = arith.constant 0 : index
    %get3A_10 = arith.constant 2 : index
    %get3A_11 = arith.constant 0 : index
    %get3A_12 = vector.load %arg0[%get3A_9, %get3A_10, %get3A_11] : memref<8x3x16384xf32, #tpu.memory_space<vmem>>, vector<8x1x16384xf32>
    %get3A_13 = vector.shape_cast %get3A_12 : vector<8x1x16384xf32> to vector<8x16384xf32>
    %get3A_14 = arith.constant 0 : index
    %get3A_15 = arith.constant 0 : index
    %get3A_16 = vector.load %arg1[%get3A_14, %get3A_15] : memref<8x16384xi32, #tpu.memory_space<vmem>>, vector<8x16384xi32>
    %get3A_17 = arith.constant 0 : index
    %get3A_18 = arith.constant 0 : index
    %get3A_19 = vector.load %arg2[%get3A_17, %get3A_18] : memref<8x256xi32, #tpu.memory_space<vmem>>, vector<8x256xi32>
    %broadcast_in_dim3A = arith.constant 0x7F800000 : f32
    %broadcast_in_dim3A_20 = vector.broadcast %broadcast_in_dim3A : f32 to vector<8x16384xf32>
    %broadcast_in_dim3A_21 = arith.constant 0 : i32
    %broadcast_in_dim3A_22 = vector.broadcast %broadcast_in_dim3A_21 : i32 to vector<8x1xi32>
    %broadcast_in_dim3A_23 = arith.constant 0 : i32
    %broadcast_in_dim3A_24 = vector.broadcast %broadcast_in_dim3A_23 : i32 to vector<8x256xi32>
    %scan3A = arith.constant 0 : i32
    %scan3A_25 = arith.constant 256 : i32
    %scan3A_26 = arith.addi %scan3A, %scan3A_25 : i32
    %scan3A_27 = arith.constant 1 : i32
    %scan3A_28:3 = scf.for %scan3A_32 = %scan3A to %scan3A_26 step %scan3A_27 iter_args(%scan3A_33 = %broadcast_in_dim3A_20, %scan3A_34 = %broadcast_in_dim3A_22, %scan3A_35 = %broadcast_in_dim3A_24) -> (vector<8x16384xf32>, vector<8x1xi32>, vector<8x256xi32>)  : i32 {
      %eq3A = vector.broadcast %scan3A_32 : i32 to vector<8x256xi32>
      %eq3A_36 = arith.cmpi eq, %get3A_19, %eq3A : vector<8x256xi32>
      %broadcast_in_dim3A_37 = vector.shape_cast %scan3A_34 : vector<8x1xi32> to vector<8x1xi32>
      %broadcast_in_dim3A_38 = vector.broadcast %broadcast_in_dim3A_37 : vector<8x1xi32> to vector<8x256xi32>
      %select_n3A = arith.select %eq3A_36, %broadcast_in_dim3A_38, %scan3A_35 : vector<8x256xi1>, vector<8x256xi32>
      %eq3A_39 = vector.broadcast %scan3A_34 : vector<8x1xi32> to vector<8x16384xi32>
      %eq3A_40 = arith.cmpi eq, %get3A_16, %eq3A_39 : vector<8x16384xi32>
      %jit3A = arith.constant 0.000000e+00 : f32
      %broadcast_in_dim3A_41 = vector.broadcast %jit3A : f32 to vector<8x16384xf32>
      %select_n3A_42 = arith.select %eq3A_40, %get3A_3, %broadcast_in_dim3A_41 : vector<8x16384xi1>, vector<8x16384xf32>
      %reduce_sum3A = arith.constant dense<0.000000e+00> : vector<8xf32>
      %reduce_sum3A_43 = vector.multi_reduction <add>, %select_n3A_42, %reduce_sum3A [1] : vector<8x16384xf32> to vector<8xf32>
      %broadcast_in_dim3A_44 = vector.shape_cast %reduce_sum3A_43 : vector<8xf32> to vector<8x1xf32>
      %jit3A_45 = arith.constant 0.000000e+00 : f32
      %broadcast_in_dim3A_46 = vector.broadcast %jit3A_45 : f32 to vector<8x16384xf32>
      %select_n3A_47 = arith.select %eq3A_40, %get3A_8, %broadcast_in_dim3A_46 : vector<8x16384xi1>, vector<8x16384xf32>
      %reduce_sum3A_48 = arith.constant dense<0.000000e+00> : vector<8xf32>
      %reduce_sum3A_49 = vector.multi_reduction <add>, %select_n3A_47, %reduce_sum3A_48 [1] : vector<8x16384xf32> to vector<8xf32>
      %broadcast_in_dim3A_50 = vector.shape_cast %reduce_sum3A_49 : vector<8xf32> to vector<8x1xf32>
      %jit3A_51 = arith.constant 0.000000e+00 : f32
      %broadcast_in_dim3A_52 = vector.broadcast %jit3A_51 : f32 to vector<8x16384xf32>
      %select_n3A_53 = arith.select %eq3A_40, %get3A_13, %broadcast_in_dim3A_52 : vector<8x16384xi1>, vector<8x16384xf32>
      %reduce_sum3A_54 = arith.constant dense<0.000000e+00> : vector<8xf32>
      %reduce_sum3A_55 = vector.multi_reduction <add>, %select_n3A_53, %reduce_sum3A_54 [1] : vector<8x16384xf32> to vector<8xf32>
      %broadcast_in_dim3A_56 = vector.shape_cast %reduce_sum3A_55 : vector<8xf32> to vector<8x1xf32>
      %sub3A = vector.broadcast %broadcast_in_dim3A_44 : vector<8x1xf32> to vector<8x16384xf32>
      %sub3A_57 = arith.subf %get3A_3, %sub3A : vector<8x16384xf32>
      %sub3A_58 = vector.broadcast %broadcast_in_dim3A_50 : vector<8x1xf32> to vector<8x16384xf32>
      %sub3A_59 = arith.subf %get3A_8, %sub3A_58 : vector<8x16384xf32>
      %sub3A_60 = vector.broadcast %broadcast_in_dim3A_56 : vector<8x1xf32> to vector<8x16384xf32>
      %sub3A_61 = arith.subf %get3A_13, %sub3A_60 : vector<8x16384xf32>
      %mul3A = arith.mulf %sub3A_57, %sub3A_57 : vector<8x16384xf32>
      %mul3A_62 = arith.mulf %sub3A_59, %sub3A_59 : vector<8x16384xf32>
      %add3A = arith.addf %mul3A, %mul3A_62 : vector<8x16384xf32>
      %mul3A_63 = arith.mulf %sub3A_61, %sub3A_61 : vector<8x16384xf32>
      %add3A_64 = arith.addf %add3A, %mul3A_63 : vector<8x16384xf32>
      %min3A = arith.minimumf %scan3A_33, %add3A_64 : vector<8x16384xf32>
      %reduce_max3A = arith.constant dense<0xFF800000> : vector<8xf32>
      %reduce_max3A_65 = vector.multi_reduction <maximumf>, %min3A, %reduce_max3A [1] : vector<8x16384xf32> to vector<8xf32>
      %broadcast_in_dim3A_66 = vector.shape_cast %reduce_max3A_65 : vector<8xf32> to vector<8x1xf32>
      %eq3A_67 = vector.broadcast %broadcast_in_dim3A_66 : vector<8x1xf32> to vector<8x16384xf32>
      %eq3A_68 = arith.cmpf oeq, %min3A, %eq3A_67 : vector<8x16384xf32>
      %jit3A_69 = arith.constant 16384 : i32
      %broadcast_in_dim3A_70 = vector.broadcast %jit3A_69 : i32 to vector<8x16384xi32>
      %select_n3A_71 = arith.select %eq3A_68, %get3A_16, %broadcast_in_dim3A_70 : vector<8x16384xi1>, vector<8x16384xi32>
      %reduce_min3A = arith.constant dense<2147483647> : vector<8xi32>
      %reduce_min3A_72 = vector.multi_reduction <minsi>, %select_n3A_71, %reduce_min3A [1] : vector<8x16384xi32> to vector<8xi32>
      %broadcast_in_dim3A_73 = vector.shape_cast %reduce_min3A_72 : vector<8xi32> to vector<8x1xi32>
      scf.yield %min3A, %broadcast_in_dim3A_73, %select_n3A : vector<8x16384xf32>, vector<8x1xi32>, vector<8x256xi32>
    }
    %scan3A_29 = arith.constant 256 : i32
    %swap3A = arith.constant 0 : index
    %swap3A_30 = arith.constant 0 : index
    %swap3A_31 = vector.load %arg3[%swap3A, %swap3A_30] : memref<8x256xi32, #tpu.memory_space<vmem>>, vector<8x256xi32>
    tpu.vector_store %arg3[%swap3A, %swap3A_30], %scan3A_28#2 {strides = array<i32>} : memref<8x256xi32, #tpu.memory_space<vmem>>, vector<8x256xi32>,
    return
  }
}

module attributes {stable_mosaic.version = 14 : i64} {
  func.func @_chain_body(%arg0: memref<8x256x256xf32, #tpu.memory_space<vmem>>, %arg1: memref<8x256xi32, #tpu.memory_space<vmem>>, %arg2: memref<8x256xi32, #tpu.memory_space<vmem>>) attributes {dimension_semantics = [], scalar_prefetch = 0 : i64, scratch_operands = 0 : i64, tpu.core_type = #tpu.core_type<tc>} {
    %get3A = arith.constant 0 : index
    %get3A_0 = arith.constant 0 : index
    %get3A_1 = vector.load %arg1[%get3A, %get3A_0] : memref<8x256xi32, #tpu.memory_space<vmem>>, vector<8x256xi32>
    %broadcast_in_dim3A = arith.constant 0 : i32
    %broadcast_in_dim3A_2 = vector.broadcast %broadcast_in_dim3A : i32 to vector<8x256xi32>
    %broadcast_in_dim3A_3 = arith.constant 0 : i32
    %broadcast_in_dim3A_4 = vector.broadcast %broadcast_in_dim3A_3 : i32 to vector<8x256xi32>
    %scan3A = arith.constant 0 : i32
    %scan3A_5 = arith.constant 0 : i32
    %scan3A_6 = arith.constant 0 : i32
    %scan3A_7 = arith.constant 0 : i32
    %scan3A_8 = arith.constant 0 : i32
    %scan3A_9 = arith.constant 0 : i32
    %scan3A_10 = arith.constant 0 : i32
    %scan3A_11 = arith.constant 0 : i32
    %scan3A_12 = arith.constant 1 : i32
    %scan3A_13 = arith.constant 255 : i32
    %scan3A_14 = arith.addi %scan3A_12, %scan3A_13 : i32
    %scan3A_15 = arith.constant 1 : i32
    %scan3A_16:10 = scf.for %scan3A_20 = %scan3A_12 to %scan3A_14 step %scan3A_15 iter_args(%scan3A_21 = %broadcast_in_dim3A_2, %scan3A_22 = %broadcast_in_dim3A_4, %scan3A_23 = %scan3A, %scan3A_24 = %scan3A_5, %scan3A_25 = %scan3A_6, %scan3A_26 = %scan3A_7, %scan3A_27 = %scan3A_8, %scan3A_28 = %scan3A_9, %scan3A_29 = %scan3A_10, %scan3A_30 = %scan3A_11) -> (vector<8x256xi32>, vector<8x256xi32>, i32, i32, i32, i32, i32, i32, i32, i32)  : i32 {
      %get3A_31 = arith.constant 0 : index
      %get3A_32 = arith.index_cast %scan3A_23 : i32 to index
      %get3A_33 = arith.constant 0 : index
      %get3A_34 = vector.load %arg0[%get3A_31, %get3A_32, %get3A_33] : memref<8x256x256xf32, #tpu.memory_space<vmem>>, vector<1x1x256xf32>
      %get3A_35 = vector.shape_cast %get3A_34 : vector<1x1x256xf32> to vector<1x256xf32>
      %get3A_36 = arith.constant 1 : index
      %get3A_37 = arith.index_cast %scan3A_24 : i32 to index
      %get3A_38 = arith.constant 0 : index
      %get3A_39 = vector.load %arg0[%get3A_36, %get3A_37, %get3A_38] : memref<8x256x256xf32, #tpu.memory_space<vmem>>, vector<1x1x256xf32>
      %get3A_40 = vector.shape_cast %get3A_39 : vector<1x1x256xf32> to vector<1x256xf32>
      %get3A_41 = arith.constant 2 : index
      %get3A_42 = arith.index_cast %scan3A_25 : i32 to index
      %get3A_43 = arith.constant 0 : index
      %get3A_44 = vector.load %arg0[%get3A_41, %get3A_42, %get3A_43] : memref<8x256x256xf32, #tpu.memory_space<vmem>>, vector<1x1x256xf32>
      %get3A_45 = vector.shape_cast %get3A_44 : vector<1x1x256xf32> to vector<1x256xf32>
      %get3A_46 = arith.constant 3 : index
      %get3A_47 = arith.index_cast %scan3A_26 : i32 to index
      %get3A_48 = arith.constant 0 : index
      %get3A_49 = vector.load %arg0[%get3A_46, %get3A_47, %get3A_48] : memref<8x256x256xf32, #tpu.memory_space<vmem>>, vector<1x1x256xf32>
      %get3A_50 = vector.shape_cast %get3A_49 : vector<1x1x256xf32> to vector<1x256xf32>
      %get3A_51 = arith.constant 4 : index
      %get3A_52 = arith.index_cast %scan3A_27 : i32 to index
      %get3A_53 = arith.constant 0 : index
      %get3A_54 = vector.load %arg0[%get3A_51, %get3A_52, %get3A_53] : memref<8x256x256xf32, #tpu.memory_space<vmem>>, vector<1x1x256xf32>
      %get3A_55 = vector.shape_cast %get3A_54 : vector<1x1x256xf32> to vector<1x256xf32>
      %get3A_56 = arith.constant 5 : index
      %get3A_57 = arith.index_cast %scan3A_28 : i32 to index
      %get3A_58 = arith.constant 0 : index
      %get3A_59 = vector.load %arg0[%get3A_56, %get3A_57, %get3A_58] : memref<8x256x256xf32, #tpu.memory_space<vmem>>, vector<1x1x256xf32>
      %get3A_60 = vector.shape_cast %get3A_59 : vector<1x1x256xf32> to vector<1x256xf32>
      %get3A_61 = arith.constant 6 : index
      %get3A_62 = arith.index_cast %scan3A_29 : i32 to index
      %get3A_63 = arith.constant 0 : index
      %get3A_64 = vector.load %arg0[%get3A_61, %get3A_62, %get3A_63] : memref<8x256x256xf32, #tpu.memory_space<vmem>>, vector<1x1x256xf32>
      %get3A_65 = vector.shape_cast %get3A_64 : vector<1x1x256xf32> to vector<1x256xf32>
      %get3A_66 = arith.constant 7 : index
      %get3A_67 = arith.index_cast %scan3A_30 : i32 to index
      %get3A_68 = arith.constant 0 : index
      %get3A_69 = vector.load %arg0[%get3A_66, %get3A_67, %get3A_68] : memref<8x256x256xf32, #tpu.memory_space<vmem>>, vector<1x1x256xf32>
      %get3A_70 = vector.shape_cast %get3A_69 : vector<1x1x256xf32> to vector<1x256xf32>
      %concatenate3A = tpu.concatenate %get3A_35, %get3A_40, %get3A_45, %get3A_50, %get3A_55, %get3A_60, %get3A_65, %get3A_70 in 0 : vector<1x256xf32>, vector<1x256xf32>, vector<1x256xf32>, vector<1x256xf32>, vector<1x256xf32>, vector<1x256xf32>, vector<1x256xf32>, vector<1x256xf32> -> vector<8x256xf32>
      %ne3A = arith.constant 0 : i32
      %ne3A_71 = vector.broadcast %ne3A : i32 to vector<8x256xi32>
      %ne3A_72 = arith.cmpi ne, %scan3A_21, %ne3A_71 : vector<8x256xi32>
      %jit3A = arith.constant 0x7F800000 : f32
      %broadcast_in_dim3A_73 = vector.broadcast %jit3A : f32 to vector<8x256xf32>
      %select_n3A = arith.select %ne3A_72, %broadcast_in_dim3A_73, %concatenate3A : vector<8x256xi1>, vector<8x256xf32>
      %reduce_min3A = arith.constant dense<0x7F800000> : vector<8xf32>
      %reduce_min3A_74 = vector.multi_reduction <minimumf>, %select_n3A, %reduce_min3A [1] : vector<8x256xf32> to vector<8xf32>
      %broadcast_in_dim3A_75 = vector.shape_cast %reduce_min3A_74 : vector<8xf32> to vector<8x1xf32>
      %eq3A = vector.broadcast %broadcast_in_dim3A_75 : vector<8x1xf32> to vector<8x256xf32>
      %eq3A_76 = arith.cmpf oeq, %select_n3A, %eq3A : vector<8x256xf32>
      %jit3A_77 = arith.constant 256 : i32
      %broadcast_in_dim3A_78 = vector.broadcast %jit3A_77 : i32 to vector<8x256xi32>
      %select_n3A_79 = arith.select %eq3A_76, %get3A_1, %broadcast_in_dim3A_78 : vector<8x256xi1>, vector<8x256xi32>
      %reduce_min3A_80 = arith.constant dense<2147483647> : vector<8xi32>
      %reduce_min3A_81 = vector.multi_reduction <minsi>, %select_n3A_79, %reduce_min3A_80 [1] : vector<8x256xi32> to vector<8xi32>
      %broadcast_in_dim3A_82 = vector.shape_cast %reduce_min3A_81 : vector<8xi32> to vector<8x1xi32>
      %eq3A_83 = vector.broadcast %broadcast_in_dim3A_82 : vector<8x1xi32> to vector<8x256xi32>
      %eq3A_84 = arith.cmpi eq, %get3A_1, %eq3A_83 : vector<8x256xi32>
      %convert_element_type3A = arith.extui %eq3A_84 : vector<8x256xi1> to vector<8x256xi32>
      %or3A = arith.ori %scan3A_21, %convert_element_type3A : vector<8x256xi32>
      %eq3A_85 = vector.broadcast %scan3A_20 : i32 to vector<8x256xi32>
      %eq3A_86 = arith.cmpi eq, %get3A_1, %eq3A_85 : vector<8x256xi32>
      %broadcast_in_dim3A_87 = vector.shape_cast %broadcast_in_dim3A_82 : vector<8x1xi32> to vector<8x1xi32>
      %broadcast_in_dim3A_88 = vector.broadcast %broadcast_in_dim3A_87 : vector<8x1xi32> to vector<8x256xi32>
      %select_n3A_89 = arith.select %eq3A_86, %broadcast_in_dim3A_88, %scan3A_22 : vector<8x256xi1>, vector<8x256xi32>
      %slice3A = vector.extract_strided_slice %broadcast_in_dim3A_82 {offsets = [0, 0], sizes = [1, 1], strides = [1, 1]} : vector<8x1xi32> to vector<1x1xi32>
      %reduce_sum3A = vector.shape_cast %slice3A : vector<1x1xi32> to vector<1x1x1xi32>
      %reduce_sum3A_90 = arith.constant dense<0> : vector<1xi32>
      %reduce_sum3A_91 = vector.multi_reduction <add>, %reduce_sum3A, %reduce_sum3A_90 [1, 2] : vector<1x1x1xi32> to vector<1xi32>
      %reduce_sum3A_92 = vector.shape_cast %reduce_sum3A_91 : vector<1xi32> to vector<1x1x1xi32>
      %reduce_sum3A_93 = vector.extract %reduce_sum3A_92[0, 0, 0] : i32 from vector<1x1x1xi32>
      %slice3A_94 = vector.extract_strided_slice %broadcast_in_dim3A_82 {offsets = [1, 0], sizes = [1, 1], strides = [1, 1]} : vector<8x1xi32> to vector<1x1xi32>
      %reduce_sum3A_95 = vector.shape_cast %slice3A_94 : vector<1x1xi32> to vector<1x1x1xi32>
      %reduce_sum3A_96 = arith.constant dense<0> : vector<1xi32>
      %reduce_sum3A_97 = vector.multi_reduction <add>, %reduce_sum3A_95, %reduce_sum3A_96 [1, 2] : vector<1x1x1xi32> to vector<1xi32>
      %reduce_sum3A_98 = vector.shape_cast %reduce_sum3A_97 : vector<1xi32> to vector<1x1x1xi32>
      %reduce_sum3A_99 = vector.extract %reduce_sum3A_98[0, 0, 0] : i32 from vector<1x1x1xi32>
      %slice3A_100 = vector.extract_strided_slice %broadcast_in_dim3A_82 {offsets = [2, 0], sizes = [1, 1], strides = [1, 1]} : vector<8x1xi32> to vector<1x1xi32>
      %reduce_sum3A_101 = vector.shape_cast %slice3A_100 : vector<1x1xi32> to vector<1x1x1xi32>
      %reduce_sum3A_102 = arith.constant dense<0> : vector<1xi32>
      %reduce_sum3A_103 = vector.multi_reduction <add>, %reduce_sum3A_101, %reduce_sum3A_102 [1, 2] : vector<1x1x1xi32> to vector<1xi32>
      %reduce_sum3A_104 = vector.shape_cast %reduce_sum3A_103 : vector<1xi32> to vector<1x1x1xi32>
      %reduce_sum3A_105 = vector.extract %reduce_sum3A_104[0, 0, 0] : i32 from vector<1x1x1xi32>
      %slice3A_106 = vector.extract_strided_slice %broadcast_in_dim3A_82 {offsets = [3, 0], sizes = [1, 1], strides = [1, 1]} : vector<8x1xi32> to vector<1x1xi32>
      %reduce_sum3A_107 = vector.shape_cast %slice3A_106 : vector<1x1xi32> to vector<1x1x1xi32>
      %reduce_sum3A_108 = arith.constant dense<0> : vector<1xi32>
      %reduce_sum3A_109 = vector.multi_reduction <add>, %reduce_sum3A_107, %reduce_sum3A_108 [1, 2] : vector<1x1x1xi32> to vector<1xi32>
      %reduce_sum3A_110 = vector.shape_cast %reduce_sum3A_109 : vector<1xi32> to vector<1x1x1xi32>
      %reduce_sum3A_111 = vector.extract %reduce_sum3A_110[0, 0, 0] : i32 from vector<1x1x1xi32>
      %slice3A_112 = vector.extract_strided_slice %broadcast_in_dim3A_82 {offsets = [4, 0], sizes = [1, 1], strides = [1, 1]} : vector<8x1xi32> to vector<1x1xi32>
      %reduce_sum3A_113 = vector.shape_cast %slice3A_112 : vector<1x1xi32> to vector<1x1x1xi32>
      %reduce_sum3A_114 = arith.constant dense<0> : vector<1xi32>
      %reduce_sum3A_115 = vector.multi_reduction <add>, %reduce_sum3A_113, %reduce_sum3A_114 [1, 2] : vector<1x1x1xi32> to vector<1xi32>
      %reduce_sum3A_116 = vector.shape_cast %reduce_sum3A_115 : vector<1xi32> to vector<1x1x1xi32>
      %reduce_sum3A_117 = vector.extract %reduce_sum3A_116[0, 0, 0] : i32 from vector<1x1x1xi32>
      %slice3A_118 = vector.extract_strided_slice %broadcast_in_dim3A_82 {offsets = [5, 0], sizes = [1, 1], strides = [1, 1]} : vector<8x1xi32> to vector<1x1xi32>
      %reduce_sum3A_119 = vector.shape_cast %slice3A_118 : vector<1x1xi32> to vector<1x1x1xi32>
      %reduce_sum3A_120 = arith.constant dense<0> : vector<1xi32>
      %reduce_sum3A_121 = vector.multi_reduction <add>, %reduce_sum3A_119, %reduce_sum3A_120 [1, 2] : vector<1x1x1xi32> to vector<1xi32>
      %reduce_sum3A_122 = vector.shape_cast %reduce_sum3A_121 : vector<1xi32> to vector<1x1x1xi32>
      %reduce_sum3A_123 = vector.extract %reduce_sum3A_122[0, 0, 0] : i32 from vector<1x1x1xi32>
      %slice3A_124 = vector.extract_strided_slice %broadcast_in_dim3A_82 {offsets = [6, 0], sizes = [1, 1], strides = [1, 1]} : vector<8x1xi32> to vector<1x1xi32>
      %reduce_sum3A_125 = vector.shape_cast %slice3A_124 : vector<1x1xi32> to vector<1x1x1xi32>
      %reduce_sum3A_126 = arith.constant dense<0> : vector<1xi32>
      %reduce_sum3A_127 = vector.multi_reduction <add>, %reduce_sum3A_125, %reduce_sum3A_126 [1, 2] : vector<1x1x1xi32> to vector<1xi32>
      %reduce_sum3A_128 = vector.shape_cast %reduce_sum3A_127 : vector<1xi32> to vector<1x1x1xi32>
      %reduce_sum3A_129 = vector.extract %reduce_sum3A_128[0, 0, 0] : i32 from vector<1x1x1xi32>
      %slice3A_130 = vector.extract_strided_slice %broadcast_in_dim3A_82 {offsets = [7, 0], sizes = [1, 1], strides = [1, 1]} : vector<8x1xi32> to vector<1x1xi32>
      %reduce_sum3A_131 = vector.shape_cast %slice3A_130 : vector<1x1xi32> to vector<1x1x1xi32>
      %reduce_sum3A_132 = arith.constant dense<0> : vector<1xi32>
      %reduce_sum3A_133 = vector.multi_reduction <add>, %reduce_sum3A_131, %reduce_sum3A_132 [1, 2] : vector<1x1x1xi32> to vector<1xi32>
      %reduce_sum3A_134 = vector.shape_cast %reduce_sum3A_133 : vector<1xi32> to vector<1x1x1xi32>
      %reduce_sum3A_135 = vector.extract %reduce_sum3A_134[0, 0, 0] : i32 from vector<1x1x1xi32>
      scf.yield %or3A, %select_n3A_89, %reduce_sum3A_93, %reduce_sum3A_99, %reduce_sum3A_105, %reduce_sum3A_111, %reduce_sum3A_117, %reduce_sum3A_123, %reduce_sum3A_129, %reduce_sum3A_135 : vector<8x256xi32>, vector<8x256xi32>, i32, i32, i32, i32, i32, i32, i32, i32
    }
    %scan3A_17 = arith.constant 255 : i32
    %swap3A = arith.constant 0 : index
    %swap3A_18 = arith.constant 0 : index
    %swap3A_19 = vector.load %arg2[%swap3A, %swap3A_18] : memref<8x256xi32, #tpu.memory_space<vmem>>, vector<8x256xi32>
    tpu.vector_store %arg2[%swap3A, %swap3A_18], %scan3A_16#1 {strides = array<i32>} : memref<8x256xi32, #tpu.memory_space<vmem>>, vector<8x256xi32>,
    return
  }
}

</mosaic_0001>

<sc_bundles>
// kernel: gather_offload_async_start.1
scs
__scs_entry_jumppad:
0x0: {  	(pc) =	sbr.rel $0x88, $3  }
0x1: {  	(tag) =	ssettag $0x0;
	lr =	simm.s32 $0x1  }
0x2: {  	[smem:$0x3F9F] =	sst lr;
	_ =	strace $0xD0000000  }
0x3: {  	_ = 	snop  }
0x4: {  	_ = 	snop  }
0x5: {  	_ = 	snop  }
0x6: {  	_ = 	snop  }
0x7: {  	_ = 	snop  }
__scs_overlays_trampoline_lowered:
0x8: {  	[smem:$0x3FAE] =	sst s0  }
0x9: {  	[smem:$0x3FAF] =	sst s1  }
0xa: {  	[smem:$0x3FB0] =	sst s2  }
0xb: {  	[smem:$0x3FB1] =	sst s3  }
0xc: {  	[smem:$0x3FB2] =	sst s4  }
0xd: {  	[smem:$0x3FB3] =	sst s5  }
0xe: {  	[smem:$0x3FB4] =	sst s6  }
0xf: {  	[smem:$0x3FB5] =	sst s7  }
0x10: {  	[smem:$0x3FB6] =	sst s8  }
0x11: {  	[smem:$0x3FB7] =	sst s9;
	s0 =	simm.s32 @!p0 $0x0  }
0x12: {  	s1 =	sld [smem:$0x3F9D];
	s0 =	simm.s32 @p0 $0x1  }
0x13: {  	[smem:$0x3FB8] =	sst s0;
	s0 =	simm.s32 @!p1 $0x0  }
0x14: {  	s2 =	sld [smem:$0x3F9C];
	s0 =	simm.s32 @p1 $0x1  }
0x15: {  	[smem:$0x3FB9] =	sst s0;
	s0 =	simm.s32 @!p2 $0x0  }
0x16: {  	s3 =	sld [smem:$0x3FDB];
	s0 =	simm.s32 @p2 $0x1  }
0x17: {  	s4 =	simm.s32 $0x1BF5;
	[smem:$0x3FBB] =	sst s0  }
0x18: {  	s0 =	sld [smem:$0x3F9E];
	_ =	swait.ge [sflag:s4], $0x0  }
0x19: {  	s7 =	sld [smem:$0x3F9F]  }
0x1a: {  	s8 =	sadd.s32 $0xFFFFE003, lr  }
0x1b: {  	s9 =	sadd.s32 $0xFFFFFEF7, lr;
	s5 =	simm.s32 $0xFFFFFFFF;
	p2 =	slt.u32 s8, $0xFFFFF086  }
0x1c: {  	p1 =	slt.u32 s9, $0xF7A;
	s5 =	simm.s32 @!p2 $0x0  }
0x1d: {  	s5 =	simm.s32 @p1 $0x1;
	p0 =	seq.s32 s7, s2  }
0x1e: {  	s7 =	smul.u32 @!p0 $0xF7A, s2;
	p2 =	seq.s32 @!p0 s5, $0x0  }
0x1f: {  	s9 =	smul.u32 $0xF7A, s1;
	s8 =	simm.s32 @!p0 $0x1BF5;
	p2 =	por !p2, p0  }
0x20: {  	[sflag:s8] =	ssyncset.s32 @!p0 $0xFFFFF086;
	s6 =	sadd.s32 @!p0 s3, s7;
	s7 =	simm.s32 @!p0 $0x108  }
0x21: {  	s3 =	sadd.s32 s3, s9;
	s6 =	sadd.s32 @!p0 $0x88, s6;
	s7 =	simm.s32 @p2 $0x1082  }
0x22: {  	[simem:s7], [sflag:s8] =	dma.local @!p0 [hbm:s6], $0xF7A  }
0x23: {  	s9 =	sor.u32 $0xD0000000, s2;
	s6 =	simm.s32 $0x108;
	_ =	swait.ge @!p0 [sflag:s8], $0x0  }
0x24: {  	s3 =	sadd.s32 $0x88, s3;
	s6 =	simm.s32 @!p1 $0x1082;
	[sflag:s4] =	ssyncset.s32 $0xFFFFF086  }
0x25: {  	[simem:s6], [sflag:s4] =	dma.local [hbm:s3], $0xF7A  }
0x26: {  	[smem:$0x3F9F] =	sst s1;
	(tag) =	ssettag s2;
	_ =	strace s9  }
0x27: {  	s1 =	sld [smem:$0x3FAF]  }
0x28: {  	s2 =	sld [smem:$0x3FB0]  }
0x29: {  	s4 =	sld [smem:$0x3FB2]  }
0x2a: {  	p0 =	seq.s32 s5, $0x0;
	s5 =	sld [smem:$0x3FB3]  }
0x2b: {  	s6 =	sld [smem:$0x3FB4]  }
0x2c: {  	s7 =	sld [smem:$0x3FB5]  }
0x2d: {  	s3 =	simm.s32 $0x108;
	s8 =	sld [smem:$0x3FB6]  }
0x2e: {  	s3 =	simm.s32 @!p0 $0x1082;
	s9 =	sld [smem:$0x3FB7]  }
0x2f: {  	lr =	sadd.s32 s0, s3;
	s0 =	sld [smem:$0x3FAE]  }
0x30: {  	s3 =	sld [smem:$0x3FB1]  }
0x31: {  	[smem:$0x3FBA] =	sst s10  }
0x32: {  	s10 =	sld [smem:$0x3FB8];
	_ =	sdelay $0x3  }
0x33: {  	p0 =	seq.s32 s10, $0x1;
	s10 =	sld [smem:$0x3FBA];
	_ =	sdelay $0x3  }
0x34: {  	[smem:$0x3FBA] =	sst s10  }
0x35: {  	s10 =	sld [smem:$0x3FB9];
	_ =	sdelay $0x3  }
0x36: {  	p1 =	seq.s32 s10, $0x1;
	s10 =	sld [smem:$0x3FBA];
	_ =	sdelay $0x3  }
0x37: {  	[smem:$0x3FBA] =	sst s10  }
0x38: {  	s10 =	sld [smem:$0x3FBB]  }
0x39: {  	_ = 	snop;
	(pc) =	sbr.ind lr, $3  }
0x3a: {  	_ = 	snop  }
0x3b: {  	_ = 	snop  }
0x3c: {  	p2 =	seq.s32 s10, $0x1;
	s10 =	sld [smem:$0x3FBA]  }
0x3d: {  	_ =	shalt  }
0x3e: {  	_ =	shalt  }
0x3f: {  	_ =	shalt  }
0x40: {  	_ =	shalt  }
0x41: {  	_ =	shalt  }
0x42: {  	_ =	shalt  }
0x43: {  	_ =	shalt  }
0x44: {  	_ =	shalt  }
0x45: {  	_ =	shalt  }
0x46: {  	_ =	shalt  }
0x47: {  	_ =	shalt  }
0x48: {  	_ =	shalt  }
0x49: {  	_ =	shalt  }
0x4a: {  	_ =	shalt  }
0x4b: {  	_ =	shalt  }
0x4c: {  	_ =	shalt  }
0x4d: {  	_ =	shalt  }
0x4e: {  	_ =	shalt  }
0x4f: {  	_ =	shalt  }
0x50: {  	_ =	shalt  }
0x51: {  	_ =	shalt  }
0x52: {  	_ =	shalt  }
0x53: {  	_ =	shalt  }
0x54: {  	_ =	shalt  }
0x55: {  	_ =	shalt  }
0x56: {  	_ =	shalt  }
0x57: {  	_ =	shalt  }
0x58: {  	_ =	shalt  }
0x59: {  	_ =	shalt  }
0x5a: {  	_ =	shalt  }
0x5b: {  	_ =	shalt  }
0x5c: {  	_ =	shalt  }
0x5d: {  	_ =	shalt  }
0x5e: {  	_ =	shalt  }
0x5f: {  	_ =	shalt  }
0x60: {  	_ =	shalt  }
0x61: {  	_ =	shalt  }
0x62: {  	_ =	shalt  }
0x63: {  	_ =	shalt  }
0x64: {  	_ =	shalt  }
0x65: {  	_ =	shalt  }
0x66: {  	_ =	shalt  }
0x67: {  	_ =	shalt  }
0x68: {  	_ =	shalt  }
0x69: {  	_ =	shalt  }
0x6a: {  	_ =	shalt  }
0x6b: {  	_ =	shalt  }
0x6c: {  	_ =	shalt  }
0x6d: {  	_ =	shalt  }
0x6e: {  	_ =	shalt  }
0x6f: {  	_ =	shalt  }
0x70: {  	_ =	shalt  }
0x71: {  	_ =	shalt  }
0x72: {  	_ =	shalt  }
0x73: {  	_ =	shalt  }
0x74: {  	_ =	shalt  }
0x75: {  	_ =	shalt  }
0x76: {  	_ =	shalt  }
0x77: {  	_ =	shalt  }
0x78: {  	_ =	shalt  }
0x79: {  	_ =	shalt  }
0x7a: {  	_ =	shalt  }
0x7b: {  	_ =	shalt  }
0x7c: {  	_ =	shalt  }
0x7d: {  	_ =	shalt  }
0x7e: {  	_ =	shalt  }
0x7f: {  	_ =	shalt  }
0x80: {  	_ =	shalt  }
0x81: {  	_ =	shalt  }
0x82: {  	_ =	shalt  }
0x83: {  	_ =	shalt  }
0x84: {  	_ =	shalt  }
0x85: {  	_ =	shalt  }
0x86: {  	_ =	shalt  }
0x87: {  	_ =	shalt  }
.Lfunc_end0:
.L_simem_size_0:
called_computation.3_lowered:
.L_overlay_start_0:
0x88: {  	s2 =	sld [smem:$0x3FD9]  }
0x89: {  	s3 =	sld [smem:$0x3FFE];
	_ =	sdelay $0x1  }
0x8a: {  	s1 =	srdreg.scid  }
0x8b: {  	s0 =	sand.u32 $0x1, s1  }
0x8c: {  	s14 =	sshll.u32 s0, $0xA;
	s2 =	sadd.s32 s3, s2  }
0x8d: {  	s2 =	sadd.s32 s2, s14  }
0x8e: {  	[smem:$0x3FC6] =	sst s2  }
0x8f: {  	_ = 	snop  }
0x90: {  	s2 =	sld [smem:$0x3FD0];
	_ =	sdelay $0x2  }
0x91: {  	s15 =	simm.s32 $0xC;
	s4 =	simm.s32 $0x10  }
0x92: {  	[smem:s4], [sflag:s15] =	dma.local [hbm:s2], $0x1  }
0x93: {  	_ =	swait.eq [sflag:s15], $0x1  }
0x94: {  	[sflag:s15] =	ssyncset.done $0x0  }
0x95: {  	s16 =	sld [smem:$0x10];
	[sflag:s15] =	ssyncadd.s32 $0xFFFFFFFF  }
0x96: {  	s17 =	sld [smem:$0x11];
	(tm) =	ssettm $0x1  }
0x97: {  	s18 =	sld [smem:$0x3FFB];
	_ =	sdelay $0x3  }
0x98: {  	_ =	strace s18  }
0x99: {  	s4 =	sld [smem:$0x3FFC];
	_ =	sdelay $0x3  }
0x9a: {  	_ =	strace s4  }
0x9b: {  	s4 =	sld [smem:$0x3FFD];
	_ =	sdelay $0x3  }
0x9c: {  	_ =	strace s4  }
0x9d: {  	_ =	strace $0x8FFFFFFF  }
0x9e: {  	s19 =	sld [smem:$0x3FDB];
	_ =	sdelay $0x1  }
0x9f: {  	s5 =	simm.s32 $_scs_section_size  }
0xa0: {  	s6 =	simm.s32 $_size__tile_overlayer_lowered;
	s7 =	simm.s32 $_tile_overlayer_lowered  }
0xa1: {  	s22 =	simm.s32 $0x1BFF;
	s21 =	sshll.u32 s7, $0x1;
	s4 =	sadd.s32 s5, s19  }
0xa2: {  	s8 =	simm.s32 $0x0;
	s20 =	sshll.u32 s6, $0x1;
	s6 =	sadd.s32 s21, s4  }
0xa3: {  	[timem:s8], [sflag:s22] =	dma.local [hbm:s6], s20  }
0xa4: {  	_ =	swait.ge [sflag:s22], s20  }
0xa5: {  	s5 =	ssub.s32 $0x0, s20;
	[sflag:s22] =	ssyncset.done $0x0  }
0xa6: {  	[sflag:s22] =	ssyncadd.s32 s5;
	_ =	sdelay $0x1  }
0xa7: {  	s23 =	simm.s32 $0x1B8B  }
0xa8: {  	_ =	swait.ge [sflag:s23], $0x1  }
0xa9: {  	[sflag:s23] =	ssyncset.done $0x0  }
0xaa: {  	s25 =	simm.s32 $0x1B8E;
	s24 =	sld [smem:$0x3FFE];
	[sflag:s23] =	ssyncadd.s32 $0xFFFFFFFF  }
0xab: {  	s26 =	simm.s32 $execute0_lowered;
	[smem:$0x3FD2] =	sst s25  }
0xac: {  	s6 =	sshll.u32 s26, $0x1;
	_ =	strace $0x80000046;
	[dreg:$0x1] =	wrdreg $0xFFFFFFFF  }
0xad: {  	s28 =	simm.s32 $_size_execute0_lowered;
	s4 =	sadd.s32 s4, s6;
	[dreg:$0x0] =	wrdreg $0x0  }
0xae: {  	s6 =	sshll.u32 s28, $0x1;
	[dreg:$0x2] =	wrdreg s4  }
0xaf: {  	[dreg:$0x3] =	wrdreg s6  }
0xb0: {  	[dreg:$0x4] =	wrdreg $0xC0  }
0xb1: {  	_ =	task [dreg:s8], $0x5FFFF  }
0xb2: {  	[dreg:$0x1] =	wrdreg $0xFFFFFFFF  }
0xb3: {  	[dreg:$0x0] =	wrdreg $0x60  }
0xb4: {  	[dreg:$0x2] =	wrdreg s24  }
0xb5: {  	[dreg:$0x3] =	wrdreg s17  }
0xb6: {  	[dreg:$0x4] =	wrdreg s16  }
0xb7: {  	[dreg:$0x5] =	wrdreg $0x9  }
0xb8: {  	_ =	task.clear_ibuf [dreg:s8], $0x6FFFF;
	_ =	strace $0x90000046  }
0xb9: {  	s29 =	simm.s32 $0x9;
	_ =	strace $0x80000048  }
0xba: {  	_ =	swait.ge [sflag:s29], $0x1  }
0xbb: {  	[sflag:s29] =	ssyncadd.s32 $0xFFFFFFFF  }
0xbc: {  	_ =	strace $0x90000048  }
0xbd: {  	_ =	sfence  }
0xbe: {  	s30 =	sld [smem:$0x0];
	_ =	sdelay $0x2  }
0xbf: {  	s31 =	sshll.u32 s1, $0xD;
	s1 =	sshrl.u32 s1, $0x2  }
0xc0: {  	s3 =	sand.u32 $0x4000, s31;
	s1 =	sadd.s32 s1, s30  }
0xc1: {  	s0 =	sor.u32 s3, s0;
	s1 =	sshll.u32 s1, $0x11  }
0xc2: {  	s0 =	sor.u32 s1, s0  }
0xc3: {  	s0 =	sadd.s32 $0x8F2B, s0  }
0xc4: {  	[sflag:s0] =	ssyncadd.remote.s32 $0x1  }
0xc5: {  	_ =	sfence.sel $0xFFFF  }
0xc6: {  	[dreg:$0x0] =	wrdreg $0xFFFFFFFF;
	(pc) =	sbr.abs _section_cstart, $3  }
0xc7: {  	[dreg:$0x1] =	wrdreg $0xFFFFFFFF  }
0xc8: {  	_ =	task.clear_ibuf [dreg:s8], $0x2FFFF;
	_ =	strace $0x9FFFFFFF  }
0xc9: {  	(tm) =	ssettm $0x7FFFFFFF  }
tec
execute0_lowered:
.L_overlay_start_1:
0x0: {  	(tag) =	ssettag $0x1  }
0x1: {  	s2 =	rddreg [dreg:$0x0]  }
0x2: {  	s3 =	rddreg [dreg:$0x1]  }
0x3: {  	s4 =	rddreg [dreg:$0x2]  }
0x4: {  	s0 =	rddreg [dreg:$0x3];
	s1 =	srdreg.scid  }
0x5: {  	_ =	strace $0x80000047;
	s5 =	simm.s32 $0x1;
	s6 =	sshll.u32 s1, $0x4  }
.Ltmp0:
0x6: {  	s1 =	stileid.u32;
	s6 =	sand.u32 $0x10, s6;
	(pc) =	sbr.rel .LBB2_1-.Ltmp0, $4  }
0x7: {  	s9 =	simm.s32 $0x3;
	s12 =	simm.s32 $0x0;
	s7 =	sor.u32 s1, s6  }
0x8: {  	[sflag:s5] =	ssyncpa.u1 $0x0;
	s6 =	simm.s32 $0x2;
	s7 =	sshll.u32 s7, $0x6  }
0x9: {  	s10 =	simm.s32 $0x0;
	[sflag:s6] =	ssyncpa.u1 $0x0;
	s8 =	sadd.s32 $0x40, s7  }
0xa: {  	vm0 =	vmmov $0xff;
	vm1 =	vcmask $0x3F20;
	[sflag:s9] =	ssyncpa.u1 $0x0;
	s9 =	simm.s32 $0x40;
	s11 =	smov.u32 s7  }
.LBB2_9:
0xb: {  	p0 =	seq.s32 s10, $0x2  }
.Ltmp1:
0xc: {  	_ = 	snop;
	(pc) =	sbr.rel @p0 .LBB2_11-.Ltmp1, $1  }
0xd: {  	_ =	sdelay $0x3  }
.LBB2_10:
0xe: {  	s12 =	sadd.s32 $0x40, s11  }
0xf: {  	s13 =	smov.u32 s7;
	p0 =	slt.s32 s12, s8  }
0x10: {  	s13 =	smov.u32 @p0 s12  }
0x11: {  	s10 =	sadd.s32 $0x1, s10;
	s12 =	smov.u32 s11;
	s11 =	smov.u32 s13  }
.LBB2_1:
0x12: {  	p0 =	sne.s32 s10, $0x0  }
.Ltmp2:
0x13: {  	_ = 	snop;
	(pc) =	sbr.rel @!p0 .LBB2_2-.Ltmp2, $1  }
0x14: {  	_ =	sdelay $0x3  }
0x15: {  	s13 =	sand.u32 $0x1, s10  }
0x16: {  	p0 =	seq.s32 s13, $0x0  }
.Ltmp3:
0x17: {  	_ = 	snop;
	(pc) =	sbr.rel @p0 .LBB2_9-.Ltmp3, $1  }
0x18: {  	_ =	sdelay $0x3  }
0x19: {  	_ =	swait.ge [sflag:s6], $0x40  }
0x1a: {  	[sflag:s6] =	ssyncset.done $0x0  }
0x1b: {  	s13 =	simm.s32 $0x0;
	[sflag:s6] =	ssyncadd.s32 $0xFFFFFFC0  }
0x1c: {  	v0 =	vld.msk [tilespmem:s13+$0x40 ss:$0x1], $0xffff;
	_ =	sdelay $0x4  }
0x1d: {  	v1 =	vshll.u32 v0, $0x4  }
0x1e: {  	vm2 =	veq.s32 v0, $0x80000000;
	v0 =	vshll.u32 v0, $0x15;
	v1 =	vand.u32 $0x1FFF80, v1  }
0x1f: {  	v0 =	vand.u32 $0xE00000, v0;
	v1 =	vsel vm2, $0xFFFFFF80, v1  }
0x20: {  	v0 =	vsel vm2, $0xFFE00000, v0;
	v2 =	vand.u32 $0xFFFFFC00, v1  }
0x21: {  	v1 =	vand.u32 $0x380, v1;
	v0 =	vadd.s32 v0, v2  }
0x22: {  	v0 =	vor.u32 v1, v0  }
0x23: {  	v0 =	vshrl.u32 v0, $0x3;
	_ =	sdelay $0x3  }
0x24: {  	s13 =	simm.s32 $0x2080  }
0x25: {  	[tilespmem:s13], [sflag:$0x1] =	stream.indirect_vreg.gather [hbm:s2], $0x80, v0, vm0, $0x38;
	[tilespmem:$0x4080] =	vst v63  }
0x26: {  	s14 =	simm.s32 $0x2480;
	s31 =	simm.s32 $0x10  }
0x27: {  	[tilespmem:s14], [sflag:$0x1] =	stream.indirect_vreg.gather [hbm:s2], $0x80, v0, vm1, $0x38;
	[tilespmem:$0x4080] =	vst v63  }
0x28: {  	s14 =	simm.s32 $0x80;
	v0 =	vld.msk [tilespmem:s31+$0x40 ss:$0x1], $0xffff  }
.LBB2_5:
0x29: {  	p0 =	sne.s32 s14, $0xC0;
	_ =	sdelay $0x4  }
0x2a: {  	v1 =	vshll.u32 v0, $0x4  }
0x2b: {  	vm2 =	veq.s32 v0, $0x80000000;
	v0 =	vshll.u32 v0, $0x15;
	v1 =	vand.u32 $0x1FFF80, v1  }
0x2c: {  	v0 =	vand.u32 $0xE00000, v0;
	v1 =	vsel vm2, $0xFFFFFF80, v1  }
0x2d: {  	v0 =	vsel vm2, $0xFFE00000, v0;
	v2 =	vand.u32 $0xFFFFFC00, v1  }
0x2e: {  	v1 =	vand.u32 $0x380, v1;
	v0 =	vadd.s32 v0, v2  }
0x2f: {  	v0 =	vor.u32 v1, v0  }
0x30: {  	v0 =	vshrl.u32 v0, $0x3;
	_ =	sdelay $0x3  }
.Ltmp4:
0x31: {  	s13 =	sadd.s32 $0x800, s13;
	(pc) =	sbr.rel @p0 .LBB2_5-.Ltmp4, $4  }
0x32: {  	[tilespmem:s13], [sflag:$0x1] =	stream.indirect_vreg.gather [hbm:s2], $0x80, v0, vm0, $0x38;
	[tilespmem:$0x4080] =	vst v63  }
0x33: {  	s15 =	sshra.s32 s14, $0x2;
	s16 =	sadd.s32 $0x400, s13  }
0x34: {  	[tilespmem:s16], [sflag:$0x1] =	stream.indirect_vreg.gather [hbm:s2], $0x80, v0, vm1, $0x38;
	[tilespmem:$0x4080] =	vst v63  }
0x35: {  	s14 =	sadd.s32 $0x40, s14;
	v0 =	vld.msk [tilespmem:s15+$0x40 ss:$0x1], $0xffff  }
0x36: {  	_ =	sdelay $0x3  }
0x37: {  	v1 =	vshll.u32 v0, $0x4  }
0x38: {  	vm2 =	veq.s32 v0, $0x80000000;
	v63 =	vshll.u32 v0, $0x15;
	v1 =	vand.u32 $0x1FFF80, v1  }
0x39: {  	v0 =	vand.u32 $0xE00000, v63;
	v1 =	vsel vm2, $0xFFFFFF80, v1  }
0x3a: {  	v0 =	vsel vm2, $0xFFE00000, v0;
	v2 =	vand.u32 $0xFFFFFC00, v1  }
0x3b: {  	v1 =	vand.u32 $0x380, v1;
	v0 =	vadd.s32 v0, v2  }
0x3c: {  	v0 =	vor.u32 v1, v0  }
0x3d: {  	v0 =	vshrl.u32 v0, $0x3;
	_ =	sdelay $0x3  }
0x3e: {  	s13 =	sadd.s32 $0x800, s13  }
0x3f: {  	[tilespmem:s13], [sflag:$0x1] =	stream.indirect_vreg.gather [hbm:s2], $0x80, v0, vm0, $0x38;
	[tilespmem:$0x4080] =	vst v63  }
0x40: {  	s13 =	sadd.s32 $0x400, s13  }
0x41: {  	[tilespmem:s13], [sflag:$0x1] =	stream.indirect_vreg.gather [hbm:s2], $0x80, v0, vm1, $0x38;
	[tilespmem:$0x4080] =	vst v63  }
0x42: {  	s12 =	sshll.u32 s12, $0x4;
	s14 =	simm.s32 $0x80;
	_ =	swait.ge [sflag:s5], $0x2000  }
0x43: {  	s15 =	simm.s32 $0x2480;
	s12 =	sadd.s32 s12, s4;
	[sflag:s5] =	ssyncset.done $0x0  }
0x44: {  	s16 =	sadd.s32 $0x0, s12;
	s13 =	simm.s32 $0x2080;
	[sflag:s5] =	ssyncadd.s32 $0xFFFFE000  }
.LBB2_7:
0x45: {  	[hbm:s16] =	stream.linear.scatter [tilespmem:s13], [sflag:$0x3], $0x400, $0x38;
	[tilespmem:$0x4080] =	vst v63  }
0x46: {  	s16 =	smov.u32 s14;
	s13 =	smov.u32 s15;
	p0 =	sne.s32 s14, $0x380  }
.Ltmp5:
0x47: {  	s14 =	sadd.s32 $0x80, s14;
	(pc) =	sbr.rel @p0 .LBB2_7-.Ltmp5, $2  }
0x48: {  	_ =	sdelay $0x2  }
0x49: {  	s15 =	sadd.s32 $0x400, s15;
	s16 =	sadd.s32 s16, s12  }
.Ltmp6:
0x4a: {  	(pc) =	sbr.rel .LBB2_9-.Ltmp6, $2  }
0x4b: {  	_ =	sdelay $0x2  }
0x4c: {  	[hbm:s16] =	stream.linear.scatter [tilespmem:s13], [sflag:$0x3], $0x400, $0x38;
	[tilespmem:$0x4080] =	vst v63  }
.LBB2_2:
.Ltmp7:
0x4d: {  	(pc) =	sbr.rel .LBB2_10-.Ltmp7, $4  }
0x4e: {  	_ = 	snop  }
0x4f: {  	s12 =	sshrl.u32 s11, $0x3  }
0x50: {  	s13 =	sand.u32 $0x7, s11;
	s12 =	sadd.s32 s3, s12  }
0x51: {  	[tilespmem:s9], [sflag:$0x2] =	stream.linear.gather [hbm4b:s12+s13], $0x40, $0x38;
	[tilespmem:$0x4080] =	vst v63  }
.LBB2_11:
0x52: {  	s2 =	simm.s32 $0x3  }
0x53: {  	_ =	swait.ge [sflag:s2], $0x2000  }
0x54: {  	[sflag:s2] =	ssyncset.done $0x0  }
0x55: {  	[sflag:s2] =	ssyncadd.s32 $0xFFFFE000  }
0x56: {  	_ =	sfence.sel $0x180000  }
0x57: {  	s3 =	simm.s32 $0x2;
	[bflag:$0x0] =	sbarrier.arrive $0xFFFF  }
0x58: {  	[sflag:s3] =	ssyncpa.u1 $0x1  }
0x59: {  	s31 =	simm.s32 $0x1;
	[sflag:s2] =	ssyncpa.u1 $0x1  }
0x5a: {  	[sflag:s31] =	ssyncpa.u1 $0x1  }
0x5b: {  	p0 =	sne.s32 s1, $0x0;
	_ =	strace $0x90000047  }
0x5c: {  	s0 =	sadd.s32 @!p0 $0x100000, s0;
	[bflag:$0x2] =	sbarrier.arrive $0xFFFF  }
0x5d: {  	[sflag:s0] =	ssyncadd.tile.s32 @!p0 $0x1;
	_ =	shalt  }
.Lfunc_end2:
_tile_overlayer_lowered:
.L_overlay_start_2:
0x5e: {  	(tag) =	ssettag $0x2  }
0x5f: {  	s0 =	rddreg [dreg:$0x0];
	s2 =	stileid.u32  }
0x60: {  	s1 =	rddreg [dreg:$0x1];
	p0 =	sne.s32 s2, $0x0  }
0x61: {  	s3 =	rddreg [dreg:$0x2];
	[bflag:$0x3] =	sbarrier.arrive $0xFFFF;
	s2 =	simm.s32 @!p0 $0x1C01  }
0x62: {  	[timem:s3], [sflag:s2] =	dma.local @!p0 [hbm:s0], s1  }
0x63: {  	s0 =	simm.s32 @!p0 $0x1  }
0x64: {  	_ =	swait.ge @!p0 [sflag:s0], s1  }
0x65: {  	s1 =	ssub.s32 @!p0 $0x0, s1;
	[sflag:s0] =	ssyncset.done @!p0 $0x0  }
0x66: {  	[sflag:s0] =	ssyncadd.s32 @!p0 s1  }
0x67: {  	[bflag:$0x3] =	sbarrier.arrive $0xFFFF  }
0x68: {  	_ =	shalt  }

// kernel: gather_offload_async_start.2
scs
__scs_entry_jumppad:
0x0: {  	(pc) =	sbr.rel $0x88, $3  }
0x1: {  	(tag) =	ssettag $0x0;
	lr =	simm.s32 $0x1  }
0x2: {  	[smem:$0x3F9F] =	sst lr;
	_ =	strace $0xD0000000  }
0x3: {  	_ = 	snop  }
0x4: {  	_ = 	snop  }
0x5: {  	_ = 	snop  }
0x6: {  	_ = 	snop  }
0x7: {  	_ = 	snop  }
__scs_overlays_trampoline_lowered:
0x8: {  	[smem:$0x3FAE] =	sst s0  }
0x9: {  	[smem:$0x3FAF] =	sst s1  }
0xa: {  	[smem:$0x3FB0] =	sst s2  }
0xb: {  	[smem:$0x3FB1] =	sst s3  }
0xc: {  	[smem:$0x3FB2] =	sst s4  }
0xd: {  	[smem:$0x3FB3] =	sst s5  }
0xe: {  	[smem:$0x3FB4] =	sst s6  }
0xf: {  	[smem:$0x3FB5] =	sst s7  }
0x10: {  	[smem:$0x3FB6] =	sst s8  }
0x11: {  	[smem:$0x3FB7] =	sst s9;
	s0 =	simm.s32 @!p0 $0x0  }
0x12: {  	s1 =	sld [smem:$0x3F9D];
	s0 =	simm.s32 @p0 $0x1  }
0x13: {  	[smem:$0x3FB8] =	sst s0;
	s0 =	simm.s32 @!p1 $0x0  }
0x14: {  	s2 =	sld [smem:$0x3F9C];
	s0 =	simm.s32 @p1 $0x1  }
0x15: {  	[smem:$0x3FB9] =	sst s0;
	s0 =	simm.s32 @!p2 $0x0  }
0x16: {  	s3 =	sld [smem:$0x3FDB];
	s0 =	simm.s32 @p2 $0x1  }
0x17: {  	s4 =	simm.s32 $0x1BF5;
	[smem:$0x3FBB] =	sst s0  }
0x18: {  	s0 =	sld [smem:$0x3F9E];
	_ =	swait.ge [sflag:s4], $0x0  }
0x19: {  	s7 =	sld [smem:$0x3F9F]  }
0x1a: {  	s8 =	sadd.s32 $0xFFFFE003, lr  }
0x1b: {  	s9 =	sadd.s32 $0xFFFFFEF7, lr;
	s5 =	simm.s32 $0xFFFFFFFF;
	p2 =	slt.u32 s8, $0xFFFFF086  }
0x1c: {  	p1 =	slt.u32 s9, $0xF7A;
	s5 =	simm.s32 @!p2 $0x0  }
0x1d: {  	s5 =	simm.s32 @p1 $0x1;
	p0 =	seq.s32 s7, s2  }
0x1e: {  	s7 =	smul.u32 @!p0 $0xF7A, s2;
	p2 =	seq.s32 @!p0 s5, $0x0  }
0x1f: {  	s9 =	smul.u32 $0xF7A, s1;
	s8 =	simm.s32 @!p0 $0x1BF5;
	p2 =	por !p2, p0  }
0x20: {  	[sflag:s8] =	ssyncset.s32 @!p0 $0xFFFFF086;
	s6 =	sadd.s32 @!p0 s3, s7;
	s7 =	simm.s32 @!p0 $0x108  }
0x21: {  	s3 =	sadd.s32 s3, s9;
	s6 =	sadd.s32 @!p0 $0x88, s6;
	s7 =	simm.s32 @p2 $0x1082  }
0x22: {  	[simem:s7], [sflag:s8] =	dma.local @!p0 [hbm:s6], $0xF7A  }
0x23: {  	s9 =	sor.u32 $0xD0000000, s2;
	s6 =	simm.s32 $0x108;
	_ =	swait.ge @!p0 [sflag:s8], $0x0  }
0x24: {  	s3 =	sadd.s32 $0x88, s3;
	s6 =	simm.s32 @!p1 $0x1082;
	[sflag:s4] =	ssyncset.s32 $0xFFFFF086  }
0x25: {  	[simem:s6], [sflag:s4] =	dma.local [hbm:s3], $0xF7A  }
0x26: {  	[smem:$0x3F9F] =	sst s1;
	(tag) =	ssettag s2;
	_ =	strace s9  }
0x27: {  	s1 =	sld [smem:$0x3FAF]  }
0x28: {  	s2 =	sld [smem:$0x3FB0]  }
0x29: {  	s4 =	sld [smem:$0x3FB2]  }
0x2a: {  	p0 =	seq.s32 s5, $0x0;
	s5 =	sld [smem:$0x3FB3]  }
0x2b: {  	s6 =	sld [smem:$0x3FB4]  }
0x2c: {  	s7 =	sld [smem:$0x3FB5]  }
0x2d: {  	s3 =	simm.s32 $0x108;
	s8 =	sld [smem:$0x3FB6]  }
0x2e: {  	s3 =	simm.s32 @!p0 $0x1082;
	s9 =	sld [smem:$0x3FB7]  }
0x2f: {  	lr =	sadd.s32 s0, s3;
	s0 =	sld [smem:$0x3FAE]  }
0x30: {  	s3 =	sld [smem:$0x3FB1]  }
0x31: {  	[smem:$0x3FBA] =	sst s10  }
0x32: {  	s10 =	sld [smem:$0x3FB8];
	_ =	sdelay $0x3  }
0x33: {  	p0 =	seq.s32 s10, $0x1;
	s10 =	sld [smem:$0x3FBA];
	_ =	sdelay $0x3  }
0x34: {  	[smem:$0x3FBA] =	sst s10  }
0x35: {  	s10 =	sld [smem:$0x3FB9];
	_ =	sdelay $0x3  }
0x36: {  	p1 =	seq.s32 s10, $0x1;
	s10 =	sld [smem:$0x3FBA];
	_ =	sdelay $0x3  }
0x37: {  	[smem:$0x3FBA] =	sst s10  }
0x38: {  	s10 =	sld [smem:$0x3FBB]  }
0x39: {  	_ = 	snop;
	(pc) =	sbr.ind lr, $3  }
0x3a: {  	_ = 	snop  }
0x3b: {  	_ = 	snop  }
0x3c: {  	p2 =	seq.s32 s10, $0x1;
	s10 =	sld [smem:$0x3FBA]  }
0x3d: {  	_ =	shalt  }
0x3e: {  	_ =	shalt  }
0x3f: {  	_ =	shalt  }
0x40: {  	_ =	shalt  }
0x41: {  	_ =	shalt  }
0x42: {  	_ =	shalt  }
0x43: {  	_ =	shalt  }
0x44: {  	_ =	shalt  }
0x45: {  	_ =	shalt  }
0x46: {  	_ =	shalt  }
0x47: {  	_ =	shalt  }
0x48: {  	_ =	shalt  }
0x49: {  	_ =	shalt  }
0x4a: {  	_ =	shalt  }
0x4b: {  	_ =	shalt  }
0x4c: {  	_ =	shalt  }
0x4d: {  	_ =	shalt  }
0x4e: {  	_ =	shalt  }
0x4f: {  	_ =	shalt  }
0x50: {  	_ =	shalt  }
0x51: {  	_ =	shalt  }
0x52: {  	_ =	shalt  }
0x53: {  	_ =	shalt  }
0x54: {  	_ =	shalt  }
0x55: {  	_ =	shalt  }
0x56: {  	_ =	shalt  }
0x57: {  	_ =	shalt  }
0x58: {  	_ =	shalt  }
0x59: {  	_ =	shalt  }
0x5a: {  	_ =	shalt  }
0x5b: {  	_ =	shalt  }
0x5c: {  	_ =	shalt  }
0x5d: {  	_ =	shalt  }
0x5e: {  	_ =	shalt  }
0x5f: {  	_ =	shalt  }
0x60: {  	_ =	shalt  }
0x61: {  	_ =	shalt  }
0x62: {  	_ =	shalt  }
0x63: {  	_ =	shalt  }
0x64: {  	_ =	shalt  }
0x65: {  	_ =	shalt  }
0x66: {  	_ =	shalt  }
0x67: {  	_ =	shalt  }
0x68: {  	_ =	shalt  }
0x69: {  	_ =	shalt  }
0x6a: {  	_ =	shalt  }
0x6b: {  	_ =	shalt  }
0x6c: {  	_ =	shalt  }
0x6d: {  	_ =	shalt  }
0x6e: {  	_ =	shalt  }
0x6f: {  	_ =	shalt  }
0x70: {  	_ =	shalt  }
0x71: {  	_ =	shalt  }
0x72: {  	_ =	shalt  }
0x73: {  	_ =	shalt  }
0x74: {  	_ =	shalt  }
0x75: {  	_ =	shalt  }
0x76: {  	_ =	shalt  }
0x77: {  	_ =	shalt  }
0x78: {  	_ =	shalt  }
0x79: {  	_ =	shalt  }
0x7a: {  	_ =	shalt  }
0x7b: {  	_ =	shalt  }
0x7c: {  	_ =	shalt  }
0x7d: {  	_ =	shalt  }
0x7e: {  	_ =	shalt  }
0x7f: {  	_ =	shalt  }
0x80: {  	_ =	shalt  }
0x81: {  	_ =	shalt  }
0x82: {  	_ =	shalt  }
0x83: {  	_ =	shalt  }
0x84: {  	_ =	shalt  }
0x85: {  	_ =	shalt  }
0x86: {  	_ =	shalt  }
0x87: {  	_ =	shalt  }
.Lfunc_end0:
.L_simem_size_0:
called_computation.4_lowered:
.L_overlay_start_0:
0x88: {  	s2 =	sld [smem:$0x3FD9]  }
0x89: {  	s3 =	sld [smem:$0x3FFE];
	_ =	sdelay $0x1  }
0x8a: {  	s1 =	srdreg.scid  }
0x8b: {  	s0 =	sand.u32 $0x1, s1  }
0x8c: {  	s16 =	sshll.u32 s0, $0xA;
	s2 =	sadd.s32 s3, s2  }
0x8d: {  	s2 =	sadd.s32 s2, s16  }
0x8e: {  	[smem:$0x3FC6] =	sst s2  }
0x8f: {  	_ = 	snop  }
0x90: {  	(tm) =	ssettm $0x1  }
0x91: {  	s17 =	sld [smem:$0x3FFB];
	_ =	sdelay $0x3  }
0x92: {  	_ =	strace s17  }
0x93: {  	s2 =	sld [smem:$0x3FFC];
	_ =	sdelay $0x3  }
0x94: {  	_ =	strace s2  }
0x95: {  	s2 =	sld [smem:$0x3FFD];
	_ =	sdelay $0x3  }
0x96: {  	_ =	strace s2  }
0x97: {  	_ =	strace $0x8FFFFFFF  }
0x98: {  	s18 =	sld [smem:$0x3FDB];
	_ =	sdelay $0x1  }
0x99: {  	s19 =	simm.s32 $_scs_section_size  }
0x9a: {  	s4 =	simm.s32 $_size__tile_overlayer_lowered;
	s5 =	simm.s32 $_tile_overlayer_lowered  }
0x9b: {  	s22 =	simm.s32 $0x1BFF;
	s21 =	sshll.u32 s5, $0x1;
	s2 =	sadd.s32 s19, s18  }
0x9c: {  	s6 =	simm.s32 $0x0;
	s20 =	sshll.u32 s4, $0x1;
	s4 =	sadd.s32 s21, s2  }
0x9d: {  	[timem:s6], [sflag:s22] =	dma.local [hbm:s4], s20  }
0x9e: {  	_ =	swait.ge [sflag:s22], s20  }
0x9f: {  	s3 =	ssub.s32 $0x0, s20;
	[sflag:s22] =	ssyncset.done $0x0  }
0xa0: {  	[sflag:s22] =	ssyncadd.s32 s3;
	_ =	sdelay $0x1  }
0xa1: {  	s23 =	simm.s32 $0x1B8B  }
0xa2: {  	_ =	swait.ge [sflag:s23], $0x1  }
0xa3: {  	[sflag:s23] =	ssyncset.done $0x0  }
0xa4: {  	s25 =	simm.s32 $0x1B8E;
	s24 =	sld [smem:$0x3FFE];
	[sflag:s23] =	ssyncadd.s32 $0xFFFFFFFF  }
0xa5: {  	s26 =	simm.s32 $execute0_lowered;
	[smem:$0x3FD2] =	sst s25  }
0xa6: {  	s4 =	sshll.u32 s26, $0x1;
	_ =	strace $0x8000004C;
	[dreg:$0x1] =	wrdreg $0xFFFFFFFF  }
0xa7: {  	s28 =	simm.s32 $_size_execute0_lowered;
	s2 =	sadd.s32 s2, s4;
	[dreg:$0x0] =	wrdreg $0x0  }
0xa8: {  	s4 =	sshll.u32 s28, $0x1;
	[dreg:$0x2] =	wrdreg s2  }
0xa9: {  	[dreg:$0x3] =	wrdreg s4  }
0xaa: {  	[dreg:$0x4] =	wrdreg $0xC0  }
0xab: {  	_ =	task [dreg:s6], $0x5FFFF  }
0xac: {  	[dreg:$0x1] =	wrdreg $0xFFFFFFFF  }
0xad: {  	[dreg:$0x0] =	wrdreg $0x60  }
0xae: {  	[dreg:$0x2] =	wrdreg s24  }
0xaf: {  	[dreg:$0x3] =	wrdreg $0x9  }
0xb0: {  	_ =	task.clear_ibuf [dreg:s6], $0x4FFFF;
	_ =	strace $0x9000004C  }
0xb1: {  	s29 =	simm.s32 $0x9;
	_ =	strace $0x8000004E  }
0xb2: {  	_ =	swait.ge [sflag:s29], $0x1  }
0xb3: {  	[sflag:s29] =	ssyncadd.s32 $0xFFFFFFFF  }
0xb4: {  	_ =	strace $0x9000004E  }
0xb5: {  	_ =	sfence  }
0xb6: {  	s30 =	sld [smem:$0x0];
	_ =	sdelay $0x2  }
0xb7: {  	s31 =	sshll.u32 s1, $0xD;
	s1 =	sshrl.u32 s1, $0x2  }
0xb8: {  	s3 =	sand.u32 $0x4000, s31;
	s1 =	sadd.s32 s1, s30  }
0xb9: {  	s0 =	sor.u32 s3, s0;
	s1 =	sshll.u32 s1, $0x11  }
0xba: {  	s0 =	sor.u32 s1, s0  }
0xbb: {  	s0 =	sadd.s32 $0x8F2B, s0  }
0xbc: {  	[sflag:s0] =	ssyncadd.remote.s32 $0x1  }
0xbd: {  	_ =	sfence.sel $0xFFFF  }
0xbe: {  	[dreg:$0x0] =	wrdreg $0xFFFFFFFF;
	(pc) =	sbr.abs _section_cstart, $3  }
0xbf: {  	[dreg:$0x1] =	wrdreg $0xFFFFFFFF  }
0xc0: {  	_ =	task.clear_ibuf [dreg:s6], $0x2FFFF;
	_ =	strace $0x9FFFFFFF  }
0xc1: {  	(tm) =	ssettm $0x7FFFFFFF  }
tec
execute0_lowered:
.L_overlay_start_1:
0x0: {  	(tag) =	ssettag $0x1  }
0x1: {  	s7 =	rddreg [dreg:$0x0]  }
0x2: {  	s0 =	rddreg [dreg:$0x1];
	_ =	strace $0x8000004D  }
0x3: {  	s1 =	srdreg.scid;
	s4 =	simm.s32 $0x1;
	s9 =	simm.s32 $0x3  }
0x4: {  	s11 =	simm.s32 $0x0;
	p0 =	por $0x0, $0x0;
	s5 =	sshll.u32 s1, $0x4  }
.Ltmp0:
0x5: {  	s1 =	stileid.u32;
	s5 =	sand.u32 $0x10, s5;
	(pc) =	sbr.rel .LBB2_1-.Ltmp0, $4  }
0x6: {  	s2 =	sadd.s32 $0x200400, s7;
	s3 =	sadd.s32 $0xA200, s7;
	s6 =	sor.u32 s1, s5  }
0x7: {  	[sflag:s4] =	ssyncpa.u1 $0x0;
	s5 =	simm.s32 $0x2;
	s6 =	sshll.u32 s6, $0xB  }
0x8: {  	s7 =	sadd.s32 $0xC200, s7;
	[sflag:s5] =	ssyncpa.u1 $0x0;
	s8 =	sadd.s32 $0x800, s6  }
0x9: {  	vm0 =	vmmov $0xff;
	vm1 =	vcmask $0x3F20;
	[sflag:s9] =	ssyncpa.u1 $0x0;
	s10 =	smov.u32 s6;
	s9 =	simm.s32 $0x0  }
.LBB2_7:
0xa: {  	p1 =	slt.u32 s9, $0x2;
	s11 =	sadd.s32 $0x100, s10  }
0xb: {  	s13 =	smov.u32 s6;
	s9 =	sadd.s32 $0x1, s9;
	p2 =	slt.s32 s11, s8  }
0xc: {  	s13 =	smov.u32 @p2 s11;
	p2 =	sne.s32 s9, $0xA  }
.Ltmp1:
0xd: {  	_ = 	snop;
	(pc) =	sbr.rel @!p2 .LBB2_8-.Ltmp1, $4  }
0xe: {  	s12 =	simm.s32 @!p1 $0x3  }
0xf: {  	_ =	swait.ge @!p1 [sflag:s12], $0x8000  }
0x10: {  	p0 =	por !p0, !p0;
	[sflag:s12] =	ssyncset.done @!p1 $0x0  }
0x11: {  	s11 =	smov.u32 s10;
	s10 =	smov.u32 s13;
	[sflag:s12] =	ssyncadd.s32 @!p1 $0xFFFF8000  }
.LBB2_1:
0x12: {  	p1 =	sgt.u32 s9, $0x7  }
0x13: {  	s12 =	sxor.u32 @!p1 $0xFFFFFFFF, s9  }
0x14: {  	s13 =	sshrl.u32 @!p1 s10, $0x3;
	s12 =	sshll.u32 @!p1 s12, $0x8  }
0x15: {  	s14 =	sand.u32 @!p1 $0x7, s10;
	s13 =	sadd.s32 @!p1 s3, s13;
	s12 =	sand.u32 @!p1 $0x100, s12  }
0x16: {  	[tilespmem:s12], [sflag:$0x2] =	stream.linear.gather @!p1 [hbm4b:s13+s14], $0x100, $0x38;
	[tilespmem:$0x10200] =	vst v63  }
0x17: {  	p1 =	seq.s32 s9, $0x0  }
0x18: {  	p2 =	seq.s32 @!p1 s9, $0x9  }
0x19: {  	p1 =	por p1, p2  }
.Ltmp2:
0x1a: {  	_ = 	snop;
	(pc) =	sbr.rel @p1 .LBB2_7-.Ltmp2, $1  }
0x1b: {  	_ =	sdelay $0x3  }
0x1c: {  	s12 =	simm.s32 $0x1  }
0x1d: {  	_ =	swait.ge [sflag:s5], $0x100;
	s12 =	simm.s32 @!p0 $0x0  }
0x1e: {  	[sflag:s5] =	ssyncset.done $0x0;
	s14 =	sshll.u32 s12, $0x8  }
0x1f: {  	[sflag:s5] =	ssyncadd.s32 $0xFFFFFF00;
	s13 =	sadd.s32 $0x0, s14  }
0x20: {  	v0 =	vld.msk [tilespmem:s13+$0x0 ss:$0x1], $0xffff;
	_ =	sdelay $0x4  }
0x21: {  	vm2 =	veq.s32 v0, $0x80000000  }
0x22: {  	v1 =	vshll.u32 v0, $0x15;
	v2 =	vshll.u32 v0, $0xA;
	v0 =	vshrl.u32 v0, $0x4  }
0x23: {  	v1 =	vand.u32 $0xE00000, v1;
	v2 =	vand.u32 $0x1FE000, v2;
	v0 =	vand.u32 $0x1F80, v0  }
0x24: {  	v1 =	vor.u32 v2, v1;
	v0 =	vsel vm2, $0xFFFFFF80, v0  }
0x25: {  	v1 =	vsel vm2, $0xFFDFE000, v1;
	v2 =	vand.u32 $0xFFFFFC00, v0  }
0x26: {  	v0 =	vand.u32 $0x380, v0;
	v1 =	vadd.s32 v2, v1  }
0x27: {  	v0 =	vor.u32 v0, v1  }
0x28: {  	v0 =	vshrl.u32 v0, $0x3;
	_ =	sdelay $0x2  }
0x29: {  	s12 =	sshll.u32 s12, $0xF  }
0x2a: {  	s12 =	sor.u32 $0x200, s12  }
0x2b: {  	[tilespmem:s12], [sflag:$0x1] =	stream.indirect_vreg.gather [hbm:s2], $0x80, v0, vm0, $0x38;
	[tilespmem:$0x10200] =	vst v63  }
0x2c: {  	s15 =	sadd.s32 $0x10, s14;
	s13 =	sadd.s32 $0x400, s12  }
0x2d: {  	[tilespmem:s13], [sflag:$0x1] =	stream.indirect_vreg.gather [hbm:s2], $0x80, v0, vm1, $0x38;
	[tilespmem:$0x10200] =	vst v63  }
0x2e: {  	s16 =	simm.s32 $0x80;
	v0 =	vld.msk [tilespmem:s15+$0x0 ss:$0x1], $0xffff;
	s15 =	smov.u32 s12  }
.LBB2_3:
0x2f: {  	p1 =	sne.s32 s16, $0x3C0;
	_ =	sdelay $0x4  }
0x30: {  	vm2 =	veq.s32 v0, $0x80000000  }
0x31: {  	v1 =	vshll.u32 v0, $0x15;
	v2 =	vshll.u32 v0, $0xA;
	v0 =	vshrl.u32 v0, $0x4  }
0x32: {  	v1 =	vand.u32 $0xE00000, v1;
	v2 =	vand.u32 $0x1FE000, v2;
	v0 =	vand.u32 $0x1F80, v0  }
0x33: {  	v1 =	vor.u32 v2, v1;
	v0 =	vsel vm2, $0xFFFFFF80, v0  }
0x34: {  	v1 =	vsel vm2, $0xFFDFE000, v1;
	v2 =	vand.u32 $0xFFFFFC00, v0  }
0x35: {  	v0 =	vand.u32 $0x380, v0;
	v1 =	vadd.s32 v2, v1  }
0x36: {  	v0 =	vor.u32 v0, v1  }
0x37: {  	v0 =	vshrl.u32 v0, $0x3;
	_ =	sdelay $0x3  }
.Ltmp3:
0x38: {  	s17 =	sshra.s32 s16, $0x2;
	s15 =	sadd.s32 $0x800, s15;
	(pc) =	sbr.rel @p1 .LBB2_3-.Ltmp3, $4  }
0x39: {  	[tilespmem:s15], [sflag:$0x1] =	stream.indirect_vreg.gather [hbm:s2], $0x80, v0, vm0, $0x38;
	[tilespmem:$0x10200] =	vst v63  }
0x3a: {  	s17 =	sadd.s32 s17, s14;
	s18 =	sadd.s32 $0x400, s15  }
0x3b: {  	[tilespmem:s18], [sflag:$0x1] =	stream.indirect_vreg.gather [hbm:s2], $0x80, v0, vm1, $0x38;
	[tilespmem:$0x10200] =	vst v63  }
0x3c: {  	s16 =	sadd.s32 $0x40, s16;
	v0 =	vld.msk [tilespmem:s17+$0x0 ss:$0x1], $0xffff  }
0x3d: {  	_ =	sdelay $0x3  }
0x3e: {  	vm2 =	veq.s32 v0, $0x80000000  }
0x3f: {  	v1 =	vshll.u32 v0, $0x15;
	v2 =	vshll.u32 v0, $0xA;
	v62 =	vshrl.u32 v0, $0x4  }
0x40: {  	v1 =	vand.u32 $0xE00000, v1;
	v2 =	vand.u32 $0x1FE000, v2;
	v0 =	vand.u32 $0x1F80, v62  }
0x41: {  	v1 =	vor.u32 v2, v1;
	v0 =	vsel vm2, $0xFFFFFF80, v0  }
0x42: {  	v1 =	vsel vm2, $0xFFDFE000, v1;
	v63 =	vand.u32 $0xFFFFFC00, v0  }
0x43: {  	v0 =	vand.u32 $0x380, v0;
	v1 =	vadd.s32 v63, v1  }
0x44: {  	v0 =	vor.u32 v0, v1  }
0x45: {  	v0 =	vshrl.u32 v0, $0x3;
	_ =	sdelay $0x3  }
0x46: {  	s14 =	sadd.s32 $0x800, s15  }
0x47: {  	[tilespmem:s14], [sflag:$0x1] =	stream.indirect_vreg.gather [hbm:s2], $0x80, v0, vm0, $0x38;
	[tilespmem:$0x10200] =	vst v63  }
0x48: {  	s14 =	sadd.s32 $0x400, s14  }
0x49: {  	[tilespmem:s14], [sflag:$0x1] =	stream.indirect_vreg.gather [hbm:s2], $0x80, v0, vm1, $0x38;
	[tilespmem:$0x10200] =	vst v63  }
0x4a: {  	s11 =	sshll.u32 s11, $0x4;
	_ =	swait.ge [sflag:s4], $0x8000  }
0x4b: {  	s11 =	sadd.s32 s11, s7;
	[sflag:s4] =	ssyncset.done $0x0  }
0x4c: {  	s15 =	sadd.s32 $0x0, s11;
	s14 =	simm.s32 $0x80;
	[sflag:s4] =	ssyncadd.s32 $0xFFFF8000  }
.LBB2_5:
0x4d: {  	[hbm:s15] =	stream.linear.scatter [tilespmem:s12], [sflag:$0x3], $0x400, $0x38;
	[tilespmem:$0x10200] =	vst v63  }
0x4e: {  	s15 =	smov.u32 s14;
	s12 =	smov.u32 s13;
	p1 =	sne.s32 s14, $0xF80  }
.Ltmp4:
0x4f: {  	s14 =	sadd.s32 $0x80, s14;
	(pc) =	sbr.rel @p1 .LBB2_5-.Ltmp4, $2  }
0x50: {  	_ =	sdelay $0x2  }
0x51: {  	s13 =	sadd.s32 $0x400, s13;
	s15 =	sadd.s32 s15, s11  }
.Ltmp5:
0x52: {  	(pc) =	sbr.rel .LBB2_7-.Ltmp5, $2  }
0x53: {  	_ =	sdelay $0x2  }
0x54: {  	[hbm:s15] =	stream.linear.scatter [tilespmem:s12], [sflag:$0x3], $0x400, $0x38;
	[tilespmem:$0x10200] =	vst v63  }
.LBB2_8:
0x55: {  	_ =	sfence.sel $0x180000  }
0x56: {  	s2 =	simm.s32 $0x2;
	[bflag:$0x0] =	sbarrier.arrive $0xFFFF  }
0x57: {  	s30 =	simm.s32 $0x3;
	[sflag:s2] =	ssyncpa.u1 $0x1  }
0x58: {  	s31 =	simm.s32 $0x1;
	[sflag:s30] =	ssyncpa.u1 $0x1  }
0x59: {  	[sflag:s31] =	ssyncpa.u1 $0x1  }
0x5a: {  	p0 =	sne.s32 s1, $0x0;
	_ =	strace $0x9000004D  }
0x5b: {  	s0 =	sadd.s32 @!p0 $0x100000, s0;
	[bflag:$0x2] =	sbarrier.arrive $0xFFFF  }
0x5c: {  	[sflag:s0] =	ssyncadd.tile.s32 @!p0 $0x1;
	_ =	shalt  }
.Lfunc_end2:
_tile_overlayer_lowered:
.L_overlay_start_2:
0x5d: {  	(tag) =	ssettag $0x2  }
0x5e: {  	s0 =	rddreg [dreg:$0x0];
	s2 =	stileid.u32  }
0x5f: {  	s1 =	rddreg [dreg:$0x1];
	p0 =	sne.s32 s2, $0x0  }
0x60: {  	s3 =	rddreg [dreg:$0x2];
	[bflag:$0x3] =	sbarrier.arrive $0xFFFF;
	s2 =	simm.s32 @!p0 $0x1C01  }
0x61: {  	[timem:s3], [sflag:s2] =	dma.local @!p0 [hbm:s0], s1  }
0x62: {  	s0 =	simm.s32 @!p0 $0x1  }
0x63: {  	_ =	swait.ge @!p0 [sflag:s0], s1  }
0x64: {  	s1 =	ssub.s32 @!p0 $0x0, s1;
	[sflag:s0] =	ssyncset.done @!p0 $0x0  }
0x65: {  	[sflag:s0] =	ssyncadd.s32 @!p0 s1  }
0x66: {  	[bflag:$0x3] =	sbarrier.arrive $0xFFFF  }
0x67: {  	_ =	shalt  }

// kernel: gather_offload_async_start.3
scs
__scs_entry_jumppad:
0x0: {  	(pc) =	sbr.rel $0x88, $3  }
0x1: {  	(tag) =	ssettag $0x0;
	lr =	simm.s32 $0x1  }
0x2: {  	[smem:$0x3F9F] =	sst lr;
	_ =	strace $0xD0000000  }
0x3: {  	_ = 	snop  }
0x4: {  	_ = 	snop  }
0x5: {  	_ = 	snop  }
0x6: {  	_ = 	snop  }
0x7: {  	_ = 	snop  }
__scs_overlays_trampoline_lowered:
0x8: {  	[smem:$0x3FAE] =	sst s0  }
0x9: {  	[smem:$0x3FAF] =	sst s1  }
0xa: {  	[smem:$0x3FB0] =	sst s2  }
0xb: {  	[smem:$0x3FB1] =	sst s3  }
0xc: {  	[smem:$0x3FB2] =	sst s4  }
0xd: {  	[smem:$0x3FB3] =	sst s5  }
0xe: {  	[smem:$0x3FB4] =	sst s6  }
0xf: {  	[smem:$0x3FB5] =	sst s7  }
0x10: {  	[smem:$0x3FB6] =	sst s8  }
0x11: {  	[smem:$0x3FB7] =	sst s9;
	s0 =	simm.s32 @!p0 $0x0  }
0x12: {  	s1 =	sld [smem:$0x3F9D];
	s0 =	simm.s32 @p0 $0x1  }
0x13: {  	[smem:$0x3FB8] =	sst s0;
	s0 =	simm.s32 @!p1 $0x0  }
0x14: {  	s2 =	sld [smem:$0x3F9C];
	s0 =	simm.s32 @p1 $0x1  }
0x15: {  	[smem:$0x3FB9] =	sst s0;
	s0 =	simm.s32 @!p2 $0x0  }
0x16: {  	s3 =	sld [smem:$0x3FDB];
	s0 =	simm.s32 @p2 $0x1  }
0x17: {  	s4 =	simm.s32 $0x1BF5;
	[smem:$0x3FBB] =	sst s0  }
0x18: {  	s0 =	sld [smem:$0x3F9E];
	_ =	swait.ge [sflag:s4], $0x0  }
0x19: {  	s7 =	sld [smem:$0x3F9F]  }
0x1a: {  	s8 =	sadd.s32 $0xFFFFE003, lr  }
0x1b: {  	s9 =	sadd.s32 $0xFFFFFEF7, lr;
	s5 =	simm.s32 $0xFFFFFFFF;
	p2 =	slt.u32 s8, $0xFFFFF086  }
0x1c: {  	p1 =	slt.u32 s9, $0xF7A;
	s5 =	simm.s32 @!p2 $0x0  }
0x1d: {  	s5 =	simm.s32 @p1 $0x1;
	p0 =	seq.s32 s7, s2  }
0x1e: {  	s7 =	smul.u32 @!p0 $0xF7A, s2;
	p2 =	seq.s32 @!p0 s5, $0x0  }
0x1f: {  	s9 =	smul.u32 $0xF7A, s1;
	s8 =	simm.s32 @!p0 $0x1BF5;
	p2 =	por !p2, p0  }
0x20: {  	[sflag:s8] =	ssyncset.s32 @!p0 $0xFFFFF086;
	s6 =	sadd.s32 @!p0 s3, s7;
	s7 =	simm.s32 @!p0 $0x108  }
0x21: {  	s3 =	sadd.s32 s3, s9;
	s6 =	sadd.s32 @!p0 $0x88, s6;
	s7 =	simm.s32 @p2 $0x1082  }
0x22: {  	[simem:s7], [sflag:s8] =	dma.local @!p0 [hbm:s6], $0xF7A  }
0x23: {  	s9 =	sor.u32 $0xD0000000, s2;
	s6 =	simm.s32 $0x108;
	_ =	swait.ge @!p0 [sflag:s8], $0x0  }
0x24: {  	s3 =	sadd.s32 $0x88, s3;
	s6 =	simm.s32 @!p1 $0x1082;
	[sflag:s4] =	ssyncset.s32 $0xFFFFF086  }
0x25: {  	[simem:s6], [sflag:s4] =	dma.local [hbm:s3], $0xF7A  }
0x26: {  	[smem:$0x3F9F] =	sst s1;
	(tag) =	ssettag s2;
	_ =	strace s9  }
0x27: {  	s1 =	sld [smem:$0x3FAF]  }
0x28: {  	s2 =	sld [smem:$0x3FB0]  }
0x29: {  	s4 =	sld [smem:$0x3FB2]  }
0x2a: {  	p0 =	seq.s32 s5, $0x0;
	s5 =	sld [smem:$0x3FB3]  }
0x2b: {  	s6 =	sld [smem:$0x3FB4]  }
0x2c: {  	s7 =	sld [smem:$0x3FB5]  }
0x2d: {  	s3 =	simm.s32 $0x108;
	s8 =	sld [smem:$0x3FB6]  }
0x2e: {  	s3 =	simm.s32 @!p0 $0x1082;
	s9 =	sld [smem:$0x3FB7]  }
0x2f: {  	lr =	sadd.s32 s0, s3;
	s0 =	sld [smem:$0x3FAE]  }
0x30: {  	s3 =	sld [smem:$0x3FB1]  }
0x31: {  	[smem:$0x3FBA] =	sst s10  }
0x32: {  	s10 =	sld [smem:$0x3FB8];
	_ =	sdelay $0x3  }
0x33: {  	p0 =	seq.s32 s10, $0x1;
	s10 =	sld [smem:$0x3FBA];
	_ =	sdelay $0x3  }
0x34: {  	[smem:$0x3FBA] =	sst s10  }
0x35: {  	s10 =	sld [smem:$0x3FB9];
	_ =	sdelay $0x3  }
0x36: {  	p1 =	seq.s32 s10, $0x1;
	s10 =	sld [smem:$0x3FBA];
	_ =	sdelay $0x3  }
0x37: {  	[smem:$0x3FBA] =	sst s10  }
0x38: {  	s10 =	sld [smem:$0x3FBB]  }
0x39: {  	_ = 	snop;
	(pc) =	sbr.ind lr, $3  }
0x3a: {  	_ = 	snop  }
0x3b: {  	_ = 	snop  }
0x3c: {  	p2 =	seq.s32 s10, $0x1;
	s10 =	sld [smem:$0x3FBA]  }
0x3d: {  	_ =	shalt  }
0x3e: {  	_ =	shalt  }
0x3f: {  	_ =	shalt  }
0x40: {  	_ =	shalt  }
0x41: {  	_ =	shalt  }
0x42: {  	_ =	shalt  }
0x43: {  	_ =	shalt  }
0x44: {  	_ =	shalt  }
0x45: {  	_ =	shalt  }
0x46: {  	_ =	shalt  }
0x47: {  	_ =	shalt  }
0x48: {  	_ =	shalt  }
0x49: {  	_ =	shalt  }
0x4a: {  	_ =	shalt  }
0x4b: {  	_ =	shalt  }
0x4c: {  	_ =	shalt  }
0x4d: {  	_ =	shalt  }
0x4e: {  	_ =	shalt  }
0x4f: {  	_ =	shalt  }
0x50: {  	_ =	shalt  }
0x51: {  	_ =	shalt  }
0x52: {  	_ =	shalt  }
0x53: {  	_ =	shalt  }
0x54: {  	_ =	shalt  }
0x55: {  	_ =	shalt  }
0x56: {  	_ =	shalt  }
0x57: {  	_ =	shalt  }
0x58: {  	_ =	shalt  }
0x59: {  	_ =	shalt  }
0x5a: {  	_ =	shalt  }
0x5b: {  	_ =	shalt  }
0x5c: {  	_ =	shalt  }
0x5d: {  	_ =	shalt  }
0x5e: {  	_ =	shalt  }
0x5f: {  	_ =	shalt  }
0x60: {  	_ =	shalt  }
0x61: {  	_ =	shalt  }
0x62: {  	_ =	shalt  }
0x63: {  	_ =	shalt  }
0x64: {  	_ =	shalt  }
0x65: {  	_ =	shalt  }
0x66: {  	_ =	shalt  }
0x67: {  	_ =	shalt  }
0x68: {  	_ =	shalt  }
0x69: {  	_ =	shalt  }
0x6a: {  	_ =	shalt  }
0x6b: {  	_ =	shalt  }
0x6c: {  	_ =	shalt  }
0x6d: {  	_ =	shalt  }
0x6e: {  	_ =	shalt  }
0x6f: {  	_ =	shalt  }
0x70: {  	_ =	shalt  }
0x71: {  	_ =	shalt  }
0x72: {  	_ =	shalt  }
0x73: {  	_ =	shalt  }
0x74: {  	_ =	shalt  }
0x75: {  	_ =	shalt  }
0x76: {  	_ =	shalt  }
0x77: {  	_ =	shalt  }
0x78: {  	_ =	shalt  }
0x79: {  	_ =	shalt  }
0x7a: {  	_ =	shalt  }
0x7b: {  	_ =	shalt  }
0x7c: {  	_ =	shalt  }
0x7d: {  	_ =	shalt  }
0x7e: {  	_ =	shalt  }
0x7f: {  	_ =	shalt  }
0x80: {  	_ =	shalt  }
0x81: {  	_ =	shalt  }
0x82: {  	_ =	shalt  }
0x83: {  	_ =	shalt  }
0x84: {  	_ =	shalt  }
0x85: {  	_ =	shalt  }
0x86: {  	_ =	shalt  }
0x87: {  	_ =	shalt  }
.Lfunc_end0:
.L_simem_size_0:
called_computation.5_lowered:
.L_overlay_start_0:
0x88: {  	s2 =	sld [smem:$0x3FD9]  }
0x89: {  	s3 =	sld [smem:$0x3FFE];
	_ =	sdelay $0x1  }
0x8a: {  	s1 =	srdreg.scid  }
0x8b: {  	s0 =	sand.u32 $0x1, s1  }
0x8c: {  	s14 =	sshll.u32 s0, $0xA;
	s2 =	sadd.s32 s3, s2  }
0x8d: {  	s2 =	sadd.s32 s2, s14  }
0x8e: {  	[smem:$0x3FC6] =	sst s2  }
0x8f: {  	_ = 	snop  }
0x90: {  	s2 =	sld [smem:$0x3FD0];
	_ =	sdelay $0x2  }
0x91: {  	s15 =	simm.s32 $0xC;
	s4 =	simm.s32 $0x10  }
0x92: {  	[smem:s4], [sflag:s15] =	dma.local [hbm:s2], $0x1  }
0x93: {  	_ =	swait.eq [sflag:s15], $0x1  }
0x94: {  	[sflag:s15] =	ssyncset.done $0x0  }
0x95: {  	[sflag:s15] =	ssyncadd.s32 $0xFFFFFFFF  }
0x96: {  	s16 =	sld [smem:$0x10];
	(tm) =	ssettm $0x1  }
0x97: {  	s17 =	sld [smem:$0x3FFB];
	_ =	sdelay $0x3  }
0x98: {  	_ =	strace s17  }
0x99: {  	s3 =	sld [smem:$0x3FFC];
	_ =	sdelay $0x3  }
0x9a: {  	_ =	strace s3  }
0x9b: {  	s3 =	sld [smem:$0x3FFD];
	_ =	sdelay $0x3  }
0x9c: {  	_ =	strace s3  }
0x9d: {  	_ =	strace $0x8FFFFFFF  }
0x9e: {  	s18 =	sld [smem:$0x3FDB];
	_ =	sdelay $0x1  }
0x9f: {  	s19 =	simm.s32 $_scs_section_size  }
0xa0: {  	s5 =	simm.s32 $_size__tile_overlayer_lowered;
	s6 =	simm.s32 $_tile_overlayer_lowered  }
0xa1: {  	s22 =	simm.s32 $0x1BFF;
	s21 =	sshll.u32 s6, $0x1;
	s3 =	sadd.s32 s19, s18  }
0xa2: {  	s7 =	simm.s32 $0x0;
	s20 =	sshll.u32 s5, $0x1;
	s5 =	sadd.s32 s21, s3  }
0xa3: {  	[timem:s7], [sflag:s22] =	dma.local [hbm:s5], s20  }
0xa4: {  	_ =	swait.ge [sflag:s22], s20  }
0xa5: {  	s4 =	ssub.s32 $0x0, s20;
	[sflag:s22] =	ssyncset.done $0x0  }
0xa6: {  	[sflag:s22] =	ssyncadd.s32 s4;
	_ =	sdelay $0x1  }
0xa7: {  	s23 =	simm.s32 $0x1B8B  }
0xa8: {  	_ =	swait.ge [sflag:s23], $0x1  }
0xa9: {  	[sflag:s23] =	ssyncset.done $0x0  }
0xaa: {  	s25 =	simm.s32 $0x1B8E;
	s24 =	sld [smem:$0x3FFE];
	[sflag:s23] =	ssyncadd.s32 $0xFFFFFFFF  }
0xab: {  	s26 =	simm.s32 $execute0_lowered;
	[smem:$0x3FD2] =	sst s25  }
0xac: {  	s5 =	sshll.u32 s26, $0x1;
	_ =	strace $0x80000055;
	[dreg:$0x1] =	wrdreg $0xFFFFFFFF  }
0xad: {  	s28 =	simm.s32 $_size_execute0_lowered;
	s3 =	sadd.s32 s3, s5;
	[dreg:$0x0] =	wrdreg $0x0  }
0xae: {  	s5 =	sshll.u32 s28, $0x1;
	[dreg:$0x2] =	wrdreg s3  }
0xaf: {  	[dreg:$0x3] =	wrdreg s5  }
0xb0: {  	[dreg:$0x4] =	wrdreg $0xC0  }
0xb1: {  	_ =	task [dreg:s7], $0x5FFFF  }
0xb2: {  	[dreg:$0x1] =	wrdreg $0xFFFFFFFF  }
0xb3: {  	[dreg:$0x0] =	wrdreg $0x60  }
0xb4: {  	[dreg:$0x2] =	wrdreg s24  }
0xb5: {  	[dreg:$0x3] =	wrdreg s16  }
0xb6: {  	[dreg:$0x4] =	wrdreg $0x9  }
0xb7: {  	_ =	task.clear_ibuf [dreg:s7], $0x5FFFF;
	_ =	strace $0x90000055  }
0xb8: {  	s29 =	simm.s32 $0x9;
	_ =	strace $0x80000057  }
0xb9: {  	_ =	swait.ge [sflag:s29], $0x1  }
0xba: {  	[sflag:s29] =	ssyncadd.s32 $0xFFFFFFFF  }
0xbb: {  	_ =	strace $0x90000057  }
0xbc: {  	_ =	sfence  }
0xbd: {  	s30 =	sld [smem:$0x0];
	_ =	sdelay $0x2  }
0xbe: {  	s31 =	sshll.u32 s1, $0xD;
	s1 =	sshrl.u32 s1, $0x2  }
0xbf: {  	s3 =	sand.u32 $0x4000, s31;
	s1 =	sadd.s32 s1, s30  }
0xc0: {  	s0 =	sor.u32 s3, s0;
	s1 =	sshll.u32 s1, $0x11  }
0xc1: {  	s0 =	sor.u32 s1, s0  }
0xc2: {  	s0 =	sadd.s32 $0x8F2B, s0  }
0xc3: {  	[sflag:s0] =	ssyncadd.remote.s32 $0x1  }
0xc4: {  	_ =	sfence.sel $0xFFFF  }
0xc5: {  	[dreg:$0x0] =	wrdreg $0xFFFFFFFF;
	(pc) =	sbr.abs _section_cstart, $3  }
0xc6: {  	[dreg:$0x1] =	wrdreg $0xFFFFFFFF  }
0xc7: {  	_ =	task.clear_ibuf [dreg:s7], $0x2FFFF;
	_ =	strace $0x9FFFFFFF  }
0xc8: {  	(tm) =	ssettm $0x7FFFFFFF  }
0xc9: {  	_ =	shalt  }
tec
execute0_lowered:
.L_overlay_start_1:
0x0: {  	(tag) =	ssettag $0x1  }
0x1: {  	s1 =	srdreg.scid;
	s5 =	rddreg [dreg:$0x0]  }
0x2: {  	s0 =	stileid.u32;
	s2 =	rddreg [dreg:$0x1]  }
0x3: {  	s10 =	simm.s32 $0x3;
	s11 =	simm.s32 $0x0;
	s1 =	sshll.u32 s1, $0xB  }
0x4: {  	s13 =	simm.s32 $0x0;
	s3 =	sshll.u32 s0, $0xC;
	s4 =	sand.u32 $0x800, s1  }
0x5: {  	s12 =	simm.s32 $0x0;
	s1 =	rddreg [dreg:$0x2];
	s3 =	sor.u32 s3, s4  }
0x6: {  	_ =	strace $0x80000056;
	s4 =	sadd.s32 $0x200400, s5;
	s6 =	sshrl.u32 s3, $0x3  }
0x7: {  	s7 =	ssub.s32 $0x10000, s3;
	s8 =	sadd.s32 s6, s5;
	s5 =	simm.s32 $0x1  }
.Ltmp0:
0x8: {  	s6 =	simm.s32 $0x2;
	s9 =	sand.u32 $0xF800, s7;
	(pc) =	sbr.rel .LBB2_1-.Ltmp0, $4  }
0x9: {  	s7 =	sshrl.u32 s7, $0x10;
	p0 =	sne.s32 s9, $0x0;
	s9 =	simm.s32 $0x1  }
0xa: {  	[sflag:s5] =	ssyncpa.u1 $0x0;
	s8 =	sadd.s32 $0x32200, s8;
	s9 =	simm.s32 @!p0 $0x0  }
0xb: {  	[sflag:s6] =	ssyncpa.u1 $0x0;
	p0 =	por $0x0, $0x0;
	s7 =	sadd.s32 s9, s7  }
0xc: {  	vm0 =	vmmov $0xffff;
	[sflag:s10] =	ssyncpa.u1 $0x0;
	s9 =	sadd.s32 $0x10000, s2;
	s10 =	sadd.s32 $0x1, s7  }
.LBB2_4:
0xd: {  	_ =	sdelay $0x2  }
0xe: {  	(ifvalue) =	ssetifvalue $0x7FFFFFFF  }
0xf: {  	[tilespmem:s20], [sflag:$0x1] =	stream.indirect_vreg.gather [hbm4b:s4+s11], $0x1, v0, vm0, $0x4038;
	[tilespmem:$0x11000] =	vst v63  }
0x10: {  	s16 =	sshll.u32 s13, $0x3  }
0x11: {  	s30 =	sand.u32 $0x78, s13;
	s16 =	sand.u32 $0x7FFFFC00, s16  }
0x12: {  	_ =	swait.ge [sflag:s5], $0x8000;
	s13 =	sor.u32 s30, s16  }
0x13: {  	[sflag:s5] =	ssyncset.done $0x0;
	s13 =	sshrl.u32 s13, $0x3  }
0x14: {  	[sflag:s5] =	ssyncadd.s32 $0xFFFF8000;
	s31 =	sadd.s32 s2, s13  }
0x15: {  	[hbm:s31] =	stream.linear.scatter [tilespmem:s15], [sflag:$0x3], $0x4000, $0x38;
	[tilespmem:$0x11000] =	vst v63  }
0x16: {  	s14 =	sadd.s32 $0x5000, s14;
	s13 =	sadd.s32 s13, s9  }
0x17: {  	[hbm:s13] =	stream.linear.scatter [tilespmem:s14], [sflag:$0x3], $0x4000, $0x38;
	[tilespmem:$0x11000] =	vst v63  }
.LBB2_5:
0x18: {  	p2 =	sne.s32 s12, s10  }
.Ltmp1:
0x19: {  	p1 =	slt.u32 s12, $0x2;
	(pc) =	sbr.rel @!p2 .LBB2_6-.Ltmp1, $4  }
0x1a: {  	s13 =	simm.s32 @!p1 $0x3  }
0x1b: {  	_ =	swait.ge @!p1 [sflag:s13], $0x8000  }
0x1c: {  	s14 =	sadd.s32 $0x1, s12;
	p0 =	por !p0, !p0;
	[sflag:s13] =	ssyncset.done @!p1 $0x0  }
0x1d: {  	s12 =	smov.u32 s14;
	[sflag:s13] =	ssyncadd.s32 @!p1 $0xFFFF8000;
	s13 =	smov.u32 s3  }
.LBB2_1:
0x1e: {  	p1 =	sge.u32 s12, s7  }
0x1f: {  	s14 =	sxor.u32 @!p1 $0xFFFFFFFF, s12  }
0x20: {  	s14 =	sshll.u32 @!p1 s14, $0xB  }
0x21: {  	s31 =	sadd.s32 $0xFFFFFFFF, s12;
	s15 =	simm.s32 @!p1 $0x0;
	s14 =	sand.u32 @!p1 $0x800, s14  }
0x22: {  	[tilespmem:s14], [sflag:$0x2] =	stream.linear.gather @!p1 [hbm4b:s8+s15], $0x800, $0x38;
	[tilespmem:$0x11000] =	vst v63  }
0x23: {  	p1 =	sge.u32 s31, s7  }
.Ltmp2:
0x24: {  	_ = 	snop;
	(pc) =	sbr.rel @p1 .LBB2_5-.Ltmp2, $1  }
0x25: {  	_ =	sdelay $0x3  }
0x26: {  	s14 =	simm.s32 $0x1;
	_ =	swait.ge [sflag:s6], $0x800  }
0x27: {  	s14 =	simm.s32 @!p0 $0x0;
	[sflag:s6] =	ssyncset.done $0x0  }
0x28: {  	s18 =	sshll.u32 s14, $0xB;
	[sflag:s6] =	ssyncadd.s32 $0xFFFFF800  }
0x29: {  	v0 =	vld.msk [tilespmem:s18+$0x0 ss:$0x1], $0xffff;
	_ =	sdelay $0x4  }
0x2a: {  	v1 =	vshrl.u32 v0, $0xB;
	v2 =	vshll.u32 v0, $0x16  }
0x2b: {  	v3 =	vshll.u32 v0, $0xB;
	vm1 =	veq.s32 v0, $0x80000000;
	v0 =	vand.u32 $0x3FF, v1  }
0x2c: {  	v1 =	vand.u32 $0x1C00000, v2;
	v2 =	vand.u32 $0x3FC000, v3;
	v0 =	vsel vm1, $0xFFFFFFFF, v0  }
0x2d: {  	v1 =	vor.u32 v2, v1;
	v2 =	vshll.u32 v0, $0x3  }
0x2e: {  	v1 =	vsel vm1, $0xFFBFC000, v1;
	v2 =	vand.u32 $0xFFFFFC00, v2  }
0x2f: {  	v0 =	vand.u32 $0x7F, v0;
	v1 =	vadd.s32 v1, v2  }
0x30: {  	s30 =	sshll.u32 s12, $0xF;
	v0 =	vor.u32 v0, v1  }
0x31: {  	s16 =	simm.s32 $0x0;
	s14 =	sand.u32 $0x8000, s30  }
0x32: {  	s17 =	sand.u32 $0x3C00, s16;
	s15 =	sor.u32 $0x1000, s14  }
0x33: {  	s19 =	sand.u32 $0x70, s16;
	(ifvalue) =	ssetifvalue $0x7FFFFFFF;
	s17 =	sadd.s32 s17, s15;
	v1 =	vor.u32 $0x80, v0  }
0x34: {  	(ifvalue) =	ssetifvalue $0x7FFFFFFF;
	s19 =	sadd.s32 s19, s17  }
0x35: {  	[tilespmem:s19], [sflag:$0x1] =	stream.indirect_vreg.gather [hbm4b:s4+s11], $0x1, v0, vm0, $0x4038;
	[tilespmem:$0x11000] =	vst v63  }
0x36: {  	v2 =	vor.u32 $0x100, v0;
	(ifvalue) =	ssetifvalue $0x7FFFFFFF  }
0x37: {  	s17 =	sadd.s32 $0x80, s19;
	(ifvalue) =	ssetifvalue $0x7FFFFFFF  }
0x38: {  	[tilespmem:s17], [sflag:$0x1] =	stream.indirect_vreg.gather [hbm4b:s4+s11], $0x1, v1, vm0, $0x4038;
	[tilespmem:$0x11000] =	vst v63  }
0x39: {  	v1 =	vor.u32 $0x180, v0;
	(ifvalue) =	ssetifvalue $0x7FFFFFFF  }
0x3a: {  	s31 =	sadd.s32 $0x100, s19;
	(ifvalue) =	ssetifvalue $0x7FFFFFFF  }
0x3b: {  	[tilespmem:s31], [sflag:$0x1] =	stream.indirect_vreg.gather [hbm4b:s4+s11], $0x1, v2, vm0, $0x4038;
	[tilespmem:$0x11000] =	vst v63  }
0x3c: {  	v2 =	vor.u32 $0x200, v0;
	(ifvalue) =	ssetifvalue $0x7FFFFFFF  }
0x3d: {  	s20 =	sadd.s32 $0x180, s19;
	(ifvalue) =	ssetifvalue $0x7FFFFFFF  }
0x3e: {  	[tilespmem:s20], [sflag:$0x1] =	stream.indirect_vreg.gather [hbm4b:s4+s11], $0x1, v1, vm0, $0x4038;
	[tilespmem:$0x11000] =	vst v63  }
0x3f: {  	(ifvalue) =	ssetifvalue $0x7FFFFFFF;
	v1 =	vor.u32 $0x280, v0  }
0x40: {  	s21 =	sadd.s32 $0x200, s19;
	(ifvalue) =	ssetifvalue $0x7FFFFFFF  }
0x41: {  	[tilespmem:s21], [sflag:$0x1] =	stream.indirect_vreg.gather [hbm4b:s4+s11], $0x1, v2, vm0, $0x4038;
	[tilespmem:$0x11000] =	vst v63  }
0x42: {  	(ifvalue) =	ssetifvalue $0x7FFFFFFF;
	v2 =	vor.u32 $0x300, v0  }
0x43: {  	s23 =	sand.u32 $0x7, s16;
	s22 =	sadd.s32 $0x280, s19;
	(ifvalue) =	ssetifvalue $0x7FFFFFFF  }
0x44: {  	[tilespmem:s22], [sflag:$0x1] =	stream.indirect_vreg.gather [hbm4b:s4+s11], $0x1, v1, vm0, $0x4038;
	[tilespmem:$0x11000] =	vst v63  }
0x45: {  	s17 =	sshll.u32 s23, $0x4;
	(ifvalue) =	ssetifvalue $0x7FFFFFFF;
	v1 =	vor.u32 $0x380, v0  }
0x46: {  	s17 =	sadd.s32 $0x0, s17;
	s20 =	sadd.s32 $0x300, s19;
	(ifvalue) =	ssetifvalue $0x7FFFFFFF  }
0x47: {  	[tilespmem:s20], [sflag:$0x1] =	stream.indirect_vreg.gather [hbm4b:s4+s11], $0x1, v2, vm0, $0x4038;
	[tilespmem:$0x11000] =	vst v63  }
0x48: {  	s17 =	sor.u32 $0x380, s17;
	(ifvalue) =	ssetifvalue $0x7FFFFFFF;
	v2 =	vadd.s32 $0x2000, v0  }
0x49: {  	s17 =	sadd.s32 s17, s15;
	(ifvalue) =	ssetifvalue $0x7FFFFFFF  }
0x4a: {  	[tilespmem:s17], [sflag:$0x1] =	stream.indirect_vreg.gather [hbm4b:s4+s11], $0x1, v1, vm0, $0x4038;
	[tilespmem:$0x11000] =	vst v63  }
0x4b: {  	v1 =	vadd.s32 $0x2080, v0;
	(ifvalue) =	ssetifvalue $0x7FFFFFFF  }
0x4c: {  	s24 =	sadd.s32 $0x4000, s19;
	(ifvalue) =	ssetifvalue $0x7FFFFFFF  }
0x4d: {  	[tilespmem:s24], [sflag:$0x1] =	stream.indirect_vreg.gather [hbm4b:s4+s11], $0x1, v2, vm0, $0x4038;
	[tilespmem:$0x11000] =	vst v63  }
0x4e: {  	v2 =	vadd.s32 $0x2100, v0;
	(ifvalue) =	ssetifvalue $0x7FFFFFFF  }
0x4f: {  	s25 =	sadd.s32 $0x4080, s19;
	(ifvalue) =	ssetifvalue $0x7FFFFFFF  }
0x50: {  	[tilespmem:s25], [sflag:$0x1] =	stream.indirect_vreg.gather [hbm4b:s4+s11], $0x1, v1, vm0, $0x4038;
	[tilespmem:$0x11000] =	vst v63  }
0x51: {  	v1 =	vadd.s32 $0x2180, v0;
	(ifvalue) =	ssetifvalue $0x7FFFFFFF  }
0x52: {  	s26 =	sadd.s32 $0x4100, s19;
	(ifvalue) =	ssetifvalue $0x7FFFFFFF  }
0x53: {  	[tilespmem:s26], [sflag:$0x1] =	stream.indirect_vreg.gather [hbm4b:s4+s11], $0x1, v2, vm0, $0x4038;
	[tilespmem:$0x11000] =	vst v63  }
0x54: {  	v2 =	vadd.s32 $0x2200, v0;
	(ifvalue) =	ssetifvalue $0x7FFFFFFF  }
0x55: {  	s28 =	sadd.s32 $0x4180, s19;
	(ifvalue) =	ssetifvalue $0x7FFFFFFF  }
0x56: {  	[tilespmem:s28], [sflag:$0x1] =	stream.indirect_vreg.gather [hbm4b:s4+s11], $0x1, v1, vm0, $0x4038;
	[tilespmem:$0x11000] =	vst v63  }
0x57: {  	v1 =	vadd.s32 $0x2280, v0;
	(ifvalue) =	ssetifvalue $0x7FFFFFFF  }
0x58: {  	s29 =	sadd.s32 $0x4200, s19;
	(ifvalue) =	ssetifvalue $0x7FFFFFFF  }
0x59: {  	[tilespmem:s29], [sflag:$0x1] =	stream.indirect_vreg.gather [hbm4b:s4+s11], $0x1, v2, vm0, $0x4038;
	[tilespmem:$0x11000] =	vst v63  }
0x5a: {  	v2 =	vadd.s32 $0x2300, v0;
	(ifvalue) =	ssetifvalue $0x7FFFFFFF  }
0x5b: {  	s30 =	sadd.s32 $0x4280, s19;
	(ifvalue) =	ssetifvalue $0x7FFFFFFF  }
0x5c: {  	[tilespmem:s30], [sflag:$0x1] =	stream.indirect_vreg.gather [hbm4b:s4+s11], $0x1, v1, vm0, $0x4038;
	[tilespmem:$0x11000] =	vst v63  }
0x5d: {  	s18 =	sadd.s32 $0x10, s18;
	v0 =	vadd.s32 $0x2380, v0;
	(ifvalue) =	ssetifvalue $0x7FFFFFFF  }
0x5e: {  	s31 =	sadd.s32 $0x4300, s19;
	s20 =	sadd.s32 $0x4380, s19;
	(ifvalue) =	ssetifvalue $0x7FFFFFFF  }
0x5f: {  	[tilespmem:s31], [sflag:$0x1] =	stream.indirect_vreg.gather [hbm4b:s4+s11], $0x1, v2, vm0, $0x4038;
	[tilespmem:$0x11000] =	vst v63  }
0x60: {  	s19 =	simm.s32 $0x0;
	s17 =	simm.s32 $0x10;
	(ifvalue) =	ssetifvalue $0x7FFFFFFF  }
.LBB2_3:
0x61: {  	(ifvalue) =	ssetifvalue $0x7FFFFFFF;
	s16 =	sadd.s32 $0x80, s16;
	s19 =	sadd.s32 $0x1, s19  }
0x62: {  	[tilespmem:s20], [sflag:$0x1] =	stream.indirect_vreg.gather [hbm4b:s4+s11], $0x1, v0, vm0, $0x4038;
	[tilespmem:$0x11000] =	vst v63  }
0x63: {  	p1 =	sne.s32 s17, $0x7F0;
	s20 =	smov.u32 s17;
	s17 =	sadd.s32 $0x10, s17;
	v0 =	vld.msk [tilespmem:s18+$0x0 ss:$0x1], $0xffff  }
0x64: {  	(ifvalue) =	ssetifvalue $0x7FFFFFFF;
	_ =	sdelay $0x4  }
0x65: {  	v1 =	vshrl.u32 v0, $0xB;
	v2 =	vshll.u32 v0, $0x16;
	v3 =	vshll.u32 v0, $0xB  }
0x66: {  	vm1 =	veq.s32 v0, $0x80000000;
	v0 =	vand.u32 $0x3FF, v1;
	v1 =	vand.u32 $0x1C00000, v2  }
0x67: {  	v2 =	vand.u32 $0x3FC000, v3;
	v0 =	vsel vm1, $0xFFFFFFFF, v0  }
0x68: {  	v1 =	vor.u32 v2, v1;
	v2 =	vshll.u32 v0, $0x3  }
0x69: {  	v1 =	vsel vm1, $0xFFBFC000, v1;
	v2 =	vand.u32 $0xFFFFFC00, v2  }
0x6a: {  	v0 =	vand.u32 $0x7F, v0;
	v1 =	vadd.s32 v1, v2  }
0x6b: {  	v0 =	vor.u32 v0, v1;
	_ =	sdelay $0x1  }
0x6c: {  	s21 =	sand.u32 $0x3C00, s16  }
0x6d: {  	s20 =	sand.u32 $0x70, s20;
	s21 =	sadd.s32 s21, s15;
	v1 =	vor.u32 $0x80, v0  }
0x6e: {  	s20 =	sadd.s32 s20, s21;
	(ifvalue) =	ssetifvalue $0x7FFFFFFF  }
0x6f: {  	[tilespmem:s20], [sflag:$0x1] =	stream.indirect_vreg.gather [hbm4b:s4+s11], $0x1, v0, vm0, $0x4038;
	[tilespmem:$0x11000] =	vst v63  }
0x70: {  	v2 =	vor.u32 $0x100, v0;
	(ifvalue) =	ssetifvalue $0x7FFFFFFF  }
0x71: {  	s21 =	sadd.s32 $0x80, s20;
	(ifvalue) =	ssetifvalue $0x7FFFFFFF  }
0x72: {  	[tilespmem:s21], [sflag:$0x1] =	stream.indirect_vreg.gather [hbm4b:s4+s11], $0x1, v1, vm0, $0x4038;
	[tilespmem:$0x11000] =	vst v63  }
0x73: {  	v1 =	vor.u32 $0x180, v0;
	(ifvalue) =	ssetifvalue $0x7FFFFFFF  }
0x74: {  	s21 =	sadd.s32 $0x100, s20;
	(ifvalue) =	ssetifvalue $0x7FFFFFFF  }
0x75: {  	[tilespmem:s21], [sflag:$0x1] =	stream.indirect_vreg.gather [hbm4b:s4+s11], $0x1, v2, vm0, $0x4038;
	[tilespmem:$0x11000] =	vst v63  }
0x76: {  	v2 =	vor.u32 $0x200, v0;
	(ifvalue) =	ssetifvalue $0x7FFFFFFF  }
0x77: {  	s21 =	sadd.s32 $0x180, s20;
	(ifvalue) =	ssetifvalue $0x7FFFFFFF  }
0x78: {  	[tilespmem:s21], [sflag:$0x1] =	stream.indirect_vreg.gather [hbm4b:s4+s11], $0x1, v1, vm0, $0x4038;
	[tilespmem:$0x11000] =	vst v63  }
0x79: {  	v1 =	vor.u32 $0x280, v0;
	(ifvalue) =	ssetifvalue $0x7FFFFFFF  }
0x7a: {  	s21 =	sadd.s32 $0x200, s20;
	(ifvalue) =	ssetifvalue $0x7FFFFFFF  }
0x7b: {  	[tilespmem:s21], [sflag:$0x1] =	stream.indirect_vreg.gather [hbm4b:s4+s11], $0x1, v2, vm0, $0x4038;
	[tilespmem:$0x11000] =	vst v63  }
0x7c: {  	v2 =	vor.u32 $0x300, v0;
	(ifvalue) =	ssetifvalue $0x7FFFFFFF  }
0x7d: {  	s21 =	sadd.s32 $0x280, s20;
	(ifvalue) =	ssetifvalue $0x7FFFFFFF  }
0x7e: {  	[tilespmem:s21], [sflag:$0x1] =	stream.indirect_vreg.gather [hbm4b:s4+s11], $0x1, v1, vm0, $0x4038;
	[tilespmem:$0x11000] =	vst v63  }
0x7f: {  	s21 =	sand.u32 $0x7, s19;
	v1 =	vor.u32 $0x380, v0;
	(ifvalue) =	ssetifvalue $0x7FFFFFFF  }
0x80: {  	s22 =	sadd.s32 $0x300, s20;
	s21 =	sshll.u32 s21, $0x4;
	(ifvalue) =	ssetifvalue $0x7FFFFFFF  }
0x81: {  	[tilespmem:s22], [sflag:$0x1] =	stream.indirect_vreg.gather [hbm4b:s4+s11], $0x1, v2, vm0, $0x4038;
	[tilespmem:$0x11000] =	vst v63  }
0x82: {  	s21 =	sadd.s32 s21, s16;
	v2 =	vadd.s32 $0x2000, v0;
	(ifvalue) =	ssetifvalue $0x7FFFFFFF  }
0x83: {  	s21 =	sor.u32 $0x380, s21;
	(ifvalue) =	ssetifvalue $0x7FFFFFFF  }
0x84: {  	s21 =	sadd.s32 s21, s15  }
0x85: {  	[tilespmem:s21], [sflag:$0x1] =	stream.indirect_vreg.gather [hbm4b:s4+s11], $0x1, v1, vm0, $0x4038;
	v1 =	vadd.s32 $0x2080, v0;
	[tilespmem:$0x11000] =	vst v63  }
0x86: {  	s21 =	sadd.s32 $0x4000, s20;
	(ifvalue) =	ssetifvalue $0x7FFFFFFF  }
0x87: {  	(ifvalue) =	ssetifvalue $0x7FFFFFFF  }
0x88: {  	[tilespmem:s21], [sflag:$0x1] =	stream.indirect_vreg.gather [hbm4b:s4+s11], $0x1, v2, vm0, $0x4038;
	v2 =	vadd.s32 $0x2100, v0;
	[tilespmem:$0x11000] =	vst v63  }
0x89: {  	s21 =	sadd.s32 $0x4080, s20;
	(ifvalue) =	ssetifvalue $0x7FFFFFFF  }
0x8a: {  	(ifvalue) =	ssetifvalue $0x7FFFFFFF  }
0x8b: {  	[tilespmem:s21], [sflag:$0x1] =	stream.indirect_vreg.gather [hbm4b:s4+s11], $0x1, v1, vm0, $0x4038;
	v1 =	vadd.s32 $0x2180, v0;
	[tilespmem:$0x11000] =	vst v63  }
0x8c: {  	s21 =	sadd.s32 $0x4100, s20;
	(ifvalue) =	ssetifvalue $0x7FFFFFFF  }
0x8d: {  	(ifvalue) =	ssetifvalue $0x7FFFFFFF  }
0x8e: {  	[tilespmem:s21], [sflag:$0x1] =	stream.indirect_vreg.gather [hbm4b:s4+s11], $0x1, v2, vm0, $0x4038;
	v2 =	vadd.s32 $0x2200, v0;
	[tilespmem:$0x11000] =	vst v63  }
0x8f: {  	s21 =	sadd.s32 $0x4180, s20;
	(ifvalue) =	ssetifvalue $0x7FFFFFFF  }
0x90: {  	(ifvalue) =	ssetifvalue $0x7FFFFFFF  }
0x91: {  	[tilespmem:s21], [sflag:$0x1] =	stream.indirect_vreg.gather [hbm4b:s4+s11], $0x1, v1, vm0, $0x4038;
	v1 =	vadd.s32 $0x2280, v0;
	[tilespmem:$0x11000] =	vst v63  }
0x92: {  	s21 =	sadd.s32 $0x4200, s20;
	(ifvalue) =	ssetifvalue $0x7FFFFFFF  }
0x93: {  	(ifvalue) =	ssetifvalue $0x7FFFFFFF  }
0x94: {  	[tilespmem:s21], [sflag:$0x1] =	stream.indirect_vreg.gather [hbm4b:s4+s11], $0x1, v2, vm0, $0x4038;
	v2 =	vadd.s32 $0x2300, v0;
	[tilespmem:$0x11000] =	vst v63  }
0x95: {  	s21 =	sadd.s32 $0x4280, s20;
	(ifvalue) =	ssetifvalue $0x7FFFFFFF  }
0x96: {  	(ifvalue) =	ssetifvalue $0x7FFFFFFF  }
0x97: {  	[tilespmem:s21], [sflag:$0x1] =	stream.indirect_vreg.gather [hbm4b:s4+s11], $0x1, v1, vm0, $0x4038;
	[tilespmem:$0x11000] =	vst v63  }
.Ltmp3:
0x98: {  	v0 =	vadd.s32 $0x2380, v0;
	(pc) =	sbr.rel @p1 .LBB2_3-.Ltmp3, $4  }
0x99: {  	s21 =	sadd.s32 $0x4300, s20;
	(ifvalue) =	ssetifvalue $0x7FFFFFFF  }
0x9a: {  	(ifvalue) =	ssetifvalue $0x7FFFFFFF  }
0x9b: {  	[tilespmem:s21], [sflag:$0x1] =	stream.indirect_vreg.gather [hbm4b:s4+s11], $0x1, v2, vm0, $0x4038;
	[tilespmem:$0x11000] =	vst v63  }
0x9c: {  	s18 =	sadd.s32 $0x10, s18;
	s20 =	sadd.s32 $0x4380, s20;
	(ifvalue) =	ssetifvalue $0x7FFFFFFF  }
.Ltmp4:
0x9d: {  	_ = 	snop;
	(pc) =	sbr.rel .LBB2_4-.Ltmp4, $1  }
0x9e: {  	_ =	sdelay $0x3  }
.LBB2_6:
0x9f: {  	_ =	sfence.sel $0x180000  }
0xa0: {  	s2 =	simm.s32 $0x2;
	[bflag:$0x0] =	sbarrier.arrive $0xFFFF  }
0xa1: {  	s30 =	simm.s32 $0x3;
	[sflag:s2] =	ssyncpa.u1 $0x1  }
0xa2: {  	s31 =	simm.s32 $0x1;
	[sflag:s30] =	ssyncpa.u1 $0x1  }
0xa3: {  	[sflag:s31] =	ssyncpa.u1 $0x1  }
0xa4: {  	p0 =	sne.s32 s0, $0x0;
	_ =	strace $0x90000056  }
0xa5: {  	s0 =	sadd.s32 @!p0 $0x100000, s1;
	[bflag:$0x2] =	sbarrier.arrive $0xFFFF  }
0xa6: {  	[sflag:s0] =	ssyncadd.tile.s32 @!p0 $0x1;
	_ =	shalt  }
.Lfunc_end2:
_tile_overlayer_lowered:
.L_overlay_start_2:
0xa7: {  	(tag) =	ssettag $0x2  }
0xa8: {  	s0 =	rddreg [dreg:$0x0];
	s2 =	stileid.u32  }
0xa9: {  	s1 =	rddreg [dreg:$0x1];
	p0 =	sne.s32 s2, $0x0  }
0xaa: {  	s3 =	rddreg [dreg:$0x2];
	[bflag:$0x3] =	sbarrier.arrive $0xFFFF;
	s2 =	simm.s32 @!p0 $0x1C01  }
0xab: {  	[timem:s3], [sflag:s2] =	dma.local @!p0 [hbm:s0], s1  }
0xac: {  	s0 =	simm.s32 @!p0 $0x1  }
0xad: {  	_ =	swait.ge @!p0 [sflag:s0], s1  }
0xae: {  	s1 =	ssub.s32 @!p0 $0x0, s1;
	[sflag:s0] =	ssyncset.done @!p0 $0x0  }
0xaf: {  	[sflag:s0] =	ssyncadd.s32 @!p0 s1  }
0xb0: {  	[bflag:$0x3] =	sbarrier.arrive $0xFFFF  }
0xb1: {  	_ =	shalt  }

// kernel: gather_offload_async_start.4
scs
__scs_entry_jumppad:
0x0: {  	(pc) =	sbr.rel $0x88, $3  }
0x1: {  	(tag) =	ssettag $0x0;
	lr =	simm.s32 $0x1  }
0x2: {  	[smem:$0x3F9F] =	sst lr;
	_ =	strace $0xD0000000  }
0x3: {  	_ = 	snop  }
0x4: {  	_ = 	snop  }
0x5: {  	_ = 	snop  }
0x6: {  	_ = 	snop  }
0x7: {  	_ = 	snop  }
__scs_overlays_trampoline_lowered:
0x8: {  	[smem:$0x3FAE] =	sst s0  }
0x9: {  	[smem:$0x3FAF] =	sst s1  }
0xa: {  	[smem:$0x3FB0] =	sst s2  }
0xb: {  	[smem:$0x3FB1] =	sst s3  }
0xc: {  	[smem:$0x3FB2] =	sst s4  }
0xd: {  	[smem:$0x3FB3] =	sst s5  }
0xe: {  	[smem:$0x3FB4] =	sst s6  }
0xf: {  	[smem:$0x3FB5] =	sst s7  }
0x10: {  	[smem:$0x3FB6] =	sst s8  }
0x11: {  	[smem:$0x3FB7] =	sst s9;
	s0 =	simm.s32 @!p0 $0x0  }
0x12: {  	s1 =	sld [smem:$0x3F9D];
	s0 =	simm.s32 @p0 $0x1  }
0x13: {  	[smem:$0x3FB8] =	sst s0;
	s0 =	simm.s32 @!p1 $0x0  }
0x14: {  	s2 =	sld [smem:$0x3F9C];
	s0 =	simm.s32 @p1 $0x1  }
0x15: {  	[smem:$0x3FB9] =	sst s0;
	s0 =	simm.s32 @!p2 $0x0  }
0x16: {  	s3 =	sld [smem:$0x3FDB];
	s0 =	simm.s32 @p2 $0x1  }
0x17: {  	s4 =	simm.s32 $0x1BF5;
	[smem:$0x3FBB] =	sst s0  }
0x18: {  	s0 =	sld [smem:$0x3F9E];
	_ =	swait.ge [sflag:s4], $0x0  }
0x19: {  	s7 =	sld [smem:$0x3F9F]  }
0x1a: {  	s8 =	sadd.s32 $0xFFFFE003, lr  }
0x1b: {  	s9 =	sadd.s32 $0xFFFFFEF7, lr;
	s5 =	simm.s32 $0xFFFFFFFF;
	p2 =	slt.u32 s8, $0xFFFFF086  }
0x1c: {  	p1 =	slt.u32 s9, $0xF7A;
	s5 =	simm.s32 @!p2 $0x0  }
0x1d: {  	s5 =	simm.s32 @p1 $0x1;
	p0 =	seq.s32 s7, s2  }
0x1e: {  	s7 =	smul.u32 @!p0 $0xF7A, s2;
	p2 =	seq.s32 @!p0 s5, $0x0  }
0x1f: {  	s9 =	smul.u32 $0xF7A, s1;
	s8 =	simm.s32 @!p0 $0x1BF5;
	p2 =	por !p2, p0  }
0x20: {  	[sflag:s8] =	ssyncset.s32 @!p0 $0xFFFFF086;
	s6 =	sadd.s32 @!p0 s3, s7;
	s7 =	simm.s32 @!p0 $0x108  }
0x21: {  	s3 =	sadd.s32 s3, s9;
	s6 =	sadd.s32 @!p0 $0x88, s6;
	s7 =	simm.s32 @p2 $0x1082  }
0x22: {  	[simem:s7], [sflag:s8] =	dma.local @!p0 [hbm:s6], $0xF7A  }
0x23: {  	s9 =	sor.u32 $0xD0000000, s2;
	s6 =	simm.s32 $0x108;
	_ =	swait.ge @!p0 [sflag:s8], $0x0  }
0x24: {  	s3 =	sadd.s32 $0x88, s3;
	s6 =	simm.s32 @!p1 $0x1082;
	[sflag:s4] =	ssyncset.s32 $0xFFFFF086  }
0x25: {  	[simem:s6], [sflag:s4] =	dma.local [hbm:s3], $0xF7A  }
0x26: {  	[smem:$0x3F9F] =	sst s1;
	(tag) =	ssettag s2;
	_ =	strace s9  }
0x27: {  	s1 =	sld [smem:$0x3FAF]  }
0x28: {  	s2 =	sld [smem:$0x3FB0]  }
0x29: {  	s4 =	sld [smem:$0x3FB2]  }
0x2a: {  	p0 =	seq.s32 s5, $0x0;
	s5 =	sld [smem:$0x3FB3]  }
0x2b: {  	s6 =	sld [smem:$0x3FB4]  }
0x2c: {  	s7 =	sld [smem:$0x3FB5]  }
0x2d: {  	s3 =	simm.s32 $0x108;
	s8 =	sld [smem:$0x3FB6]  }
0x2e: {  	s3 =	simm.s32 @!p0 $0x1082;
	s9 =	sld [smem:$0x3FB7]  }
0x2f: {  	lr =	sadd.s32 s0, s3;
	s0 =	sld [smem:$0x3FAE]  }
0x30: {  	s3 =	sld [smem:$0x3FB1]  }
0x31: {  	[smem:$0x3FBA] =	sst s10  }
0x32: {  	s10 =	sld [smem:$0x3FB8];
	_ =	sdelay $0x3  }
0x33: {  	p0 =	seq.s32 s10, $0x1;
	s10 =	sld [smem:$0x3FBA];
	_ =	sdelay $0x3  }
0x34: {  	[smem:$0x3FBA] =	sst s10  }
0x35: {  	s10 =	sld [smem:$0x3FB9];
	_ =	sdelay $0x3  }
0x36: {  	p1 =	seq.s32 s10, $0x1;
	s10 =	sld [smem:$0x3FBA];
	_ =	sdelay $0x3  }
0x37: {  	[smem:$0x3FBA] =	sst s10  }
0x38: {  	s10 =	sld [smem:$0x3FBB]  }
0x39: {  	_ = 	snop;
	(pc) =	sbr.ind lr, $3  }
0x3a: {  	_ = 	snop  }
0x3b: {  	_ = 	snop  }
0x3c: {  	p2 =	seq.s32 s10, $0x1;
	s10 =	sld [smem:$0x3FBA]  }
0x3d: {  	_ =	shalt  }
0x3e: {  	_ =	shalt  }
0x3f: {  	_ =	shalt  }
0x40: {  	_ =	shalt  }
0x41: {  	_ =	shalt  }
0x42: {  	_ =	shalt  }
0x43: {  	_ =	shalt  }
0x44: {  	_ =	shalt  }
0x45: {  	_ =	shalt  }
0x46: {  	_ =	shalt  }
0x47: {  	_ =	shalt  }
0x48: {  	_ =	shalt  }
0x49: {  	_ =	shalt  }
0x4a: {  	_ =	shalt  }
0x4b: {  	_ =	shalt  }
0x4c: {  	_ =	shalt  }
0x4d: {  	_ =	shalt  }
0x4e: {  	_ =	shalt  }
0x4f: {  	_ =	shalt  }
0x50: {  	_ =	shalt  }
0x51: {  	_ =	shalt  }
0x52: {  	_ =	shalt  }
0x53: {  	_ =	shalt  }
0x54: {  	_ =	shalt  }
0x55: {  	_ =	shalt  }
0x56: {  	_ =	shalt  }
0x57: {  	_ =	shalt  }
0x58: {  	_ =	shalt  }
0x59: {  	_ =	shalt  }
0x5a: {  	_ =	shalt  }
0x5b: {  	_ =	shalt  }
0x5c: {  	_ =	shalt  }
0x5d: {  	_ =	shalt  }
0x5e: {  	_ =	shalt  }
0x5f: {  	_ =	shalt  }
0x60: {  	_ =	shalt  }
0x61: {  	_ =	shalt  }
0x62: {  	_ =	shalt  }
0x63: {  	_ =	shalt  }
0x64: {  	_ =	shalt  }
0x65: {  	_ =	shalt  }
0x66: {  	_ =	shalt  }
0x67: {  	_ =	shalt  }
0x68: {  	_ =	shalt  }
0x69: {  	_ =	shalt  }
0x6a: {  	_ =	shalt  }
0x6b: {  	_ =	shalt  }
0x6c: {  	_ =	shalt  }
0x6d: {  	_ =	shalt  }
0x6e: {  	_ =	shalt  }
0x6f: {  	_ =	shalt  }
0x70: {  	_ =	shalt  }
0x71: {  	_ =	shalt  }
0x72: {  	_ =	shalt  }
0x73: {  	_ =	shalt  }
0x74: {  	_ =	shalt  }
0x75: {  	_ =	shalt  }
0x76: {  	_ =	shalt  }
0x77: {  	_ =	shalt  }
0x78: {  	_ =	shalt  }
0x79: {  	_ =	shalt  }
0x7a: {  	_ =	shalt  }
0x7b: {  	_ =	shalt  }
0x7c: {  	_ =	shalt  }
0x7d: {  	_ =	shalt  }
0x7e: {  	_ =	shalt  }
0x7f: {  	_ =	shalt  }
0x80: {  	_ =	shalt  }
0x81: {  	_ =	shalt  }
0x82: {  	_ =	shalt  }
0x83: {  	_ =	shalt  }
0x84: {  	_ =	shalt  }
0x85: {  	_ =	shalt  }
0x86: {  	_ =	shalt  }
0x87: {  	_ =	shalt  }
.Lfunc_end0:
.L_simem_size_0:
called_computation.6_lowered:
.L_overlay_start_0:
0x88: {  	s2 =	sld [smem:$0x3FD9]  }
0x89: {  	s3 =	sld [smem:$0x3FFE];
	_ =	sdelay $0x1  }
0x8a: {  	s1 =	srdreg.scid  }
0x8b: {  	s0 =	sand.u32 $0x1, s1  }
0x8c: {  	s17 =	sshll.u32 s0, $0xA;
	s2 =	sadd.s32 s3, s2  }
0x8d: {  	s2 =	sadd.s32 s2, s17  }
0x8e: {  	[smem:$0x3FC6] =	sst s2  }
0x8f: {  	_ = 	snop  }
0x90: {  	(tm) =	ssettm $0x1  }
0x91: {  	s18 =	sld [smem:$0x3FFB];
	_ =	sdelay $0x3  }
0x92: {  	_ =	strace s18  }
0x93: {  	s2 =	sld [smem:$0x3FFC];
	_ =	sdelay $0x3  }
0x94: {  	_ =	strace s2  }
0x95: {  	s2 =	sld [smem:$0x3FFD];
	_ =	sdelay $0x3  }
0x96: {  	_ =	strace s2  }
0x97: {  	_ =	strace $0x8FFFFFFF  }
0x98: {  	s19 =	sld [smem:$0x3FDB];
	_ =	sdelay $0x1  }
0x99: {  	s20 =	simm.s32 $_scs_section_size  }
0x9a: {  	s4 =	simm.s32 $_size__tile_overlayer_lowered;
	s5 =	simm.s32 $_tile_overlayer_lowered  }
0x9b: {  	s6 =	simm.s32 $0x1BFF;
	s21 =	sshll.u32 s5, $0x1;
	s3 =	sadd.s32 s20, s19  }
0x9c: {  	s22 =	simm.s32 $0x0;
	s4 =	sshll.u32 s4, $0x1;
	s5 =	sadd.s32 s21, s3  }
0x9d: {  	[timem:s22], [sflag:s6] =	dma.local [hbm:s5], s4  }
0x9e: {  	_ =	swait.ge [sflag:s6], s4  }
0x9f: {  	s4 =	ssub.s32 $0x0, s4;
	[sflag:s6] =	ssyncset.done $0x0  }
0xa0: {  	[sflag:s6] =	ssyncadd.s32 s4;
	_ =	sdelay $0x1  }
0xa1: {  	s23 =	simm.s32 $0x1B8B  }
0xa2: {  	_ =	swait.ge [sflag:s23], $0x1  }
0xa3: {  	[sflag:s23] =	ssyncset.done $0x0  }
0xa4: {  	[sflag:s23] =	ssyncadd.s32 $0xFFFFFFFF  }
0xa5: {  	s4 =	sld [smem:$0x0]  }
0xa6: {  	s5 =	sand.u32 $0xFFFFFFFE, s1  }
0xa7: {  	p0 =	sne.s32 s1, s5  }
0xa8: {  	s5 =	sshll.u32 @p0 s5, $0xE  }
0xa9: {  	s5 =	sadd.s32 @p0 $0x11B8D, s5;
	s6 =	sshll.u32 @p0 s4, $0x11  }
0xaa: {  	s5 =	sor.u32 @p0 s6, s5  }
0xab: {  	[sflag:s5] =	ssyncadd.remote.s32 @p0 $0x1;
	_ =	sdelay $0x1  }
0xac: {  	s5 =	simm.s32 @p0 $0x1B8D  }
0xad: {  	_ =	swait.eq @p0 [sflag:s5], $0x1  }
0xae: {  	[sflag:s5] =	ssyncadd.s32 @p0 $0xFFFFFFFF  }
0xaf: {  	s6 =	sshll.u32 @!p0 s1, $0xE  }
0xb0: {  	s6 =	sor.u32 @!p0 $0x4000, s6;
	s5 =	simm.s32 @!p0 $0x1B8D  }
0xb1: {  	s4 =	sshll.u32 @!p0 s4, $0x11;
	s6 =	sadd.s32 @!p0 $0x11B8D, s6;
	_ =	swait.eq @!p0 [sflag:s5], $0x1  }
0xb2: {  	s4 =	sor.u32 @!p0 s4, s6;
	[sflag:s5] =	ssyncadd.s32 @!p0 $0xFFFFFFFF  }
0xb3: {  	s25 =	simm.s32 $0x1B8E;
	s24 =	sld [smem:$0x3FFE];
	[sflag:s4] =	ssyncadd.remote.s32 @!p0 $0x1  }
0xb4: {  	s26 =	simm.s32 $execute0_lowered;
	[smem:$0x3FD2] =	sst s25  }
0xb5: {  	s5 =	sshll.u32 s26, $0x1;
	_ =	strace $0x8000005E;
	[dreg:$0x1] =	wrdreg $0xFFFFFFFF  }
0xb6: {  	s28 =	simm.s32 $_size_execute0_lowered;
	s3 =	sadd.s32 s3, s5;
	[dreg:$0x0] =	wrdreg $0x0  }
0xb7: {  	s5 =	sshll.u32 s28, $0x1;
	[dreg:$0x2] =	wrdreg s3  }
0xb8: {  	[dreg:$0x3] =	wrdreg s5  }
0xb9: {  	[dreg:$0x4] =	wrdreg $0xC0  }
0xba: {  	_ =	task [dreg:s22], $0x5FFFF  }
0xbb: {  	[dreg:$0x1] =	wrdreg $0xFFFFFFFF  }
0xbc: {  	[dreg:$0x0] =	wrdreg $0x60  }
0xbd: {  	[dreg:$0x2] =	wrdreg s24  }
0xbe: {  	[dreg:$0x3] =	wrdreg $0xA  }
0xbf: {  	_ =	task.clear_ibuf [dreg:s22], $0x4FFFF;
	_ =	strace $0x9000005E  }
0xc0: {  	s29 =	simm.s32 $0xA;
	_ =	strace $0x80000060  }
0xc1: {  	_ =	swait.ge [sflag:s29], $0x1  }
0xc2: {  	[sflag:s29] =	ssyncadd.s32 $0xFFFFFFFF  }
0xc3: {  	_ =	strace $0x90000060  }
0xc4: {  	_ =	sfence  }
0xc5: {  	s30 =	sld [smem:$0x0];
	_ =	sdelay $0x2  }
0xc6: {  	s31 =	sshll.u32 s1, $0xD;
	s1 =	sshrl.u32 s1, $0x2  }
0xc7: {  	s4 =	sand.u32 $0x4000, s31;
	s1 =	sadd.s32 s1, s30  }
0xc8: {  	s0 =	sor.u32 s4, s0;
	s1 =	sshll.u32 s1, $0x11  }
0xc9: {  	s0 =	sor.u32 s1, s0  }
0xca: {  	s0 =	sadd.s32 $0x8F2B, s0  }
0xcb: {  	[sflag:s0] =	ssyncadd.remote.s32 $0x1  }
0xcc: {  	_ =	sfence.sel $0xFFFF  }
0xcd: {  	[dreg:$0x0] =	wrdreg $0xFFFFFFFF;
	(pc) =	sbr.abs _section_cstart, $3  }
0xce: {  	[dreg:$0x1] =	wrdreg $0xFFFFFFFF  }
0xcf: {  	_ =	task.clear_ibuf [dreg:s22], $0x2FFFF;
	_ =	strace $0x9FFFFFFF  }
0xd0: {  	(tm) =	ssettm $0x7FFFFFFF  }
0xd1: {  	_ =	shalt  }
tec
execute0_lowered:
.L_overlay_start_1:
0x0: {  	(tag) =	ssettag $0x1  }
0x1: {  	s7 =	rddreg [dreg:$0x0]  }
0x2: {  	s0 =	rddreg [dreg:$0x1];
	_ =	strace $0x8000005F  }
0x3: {  	s1 =	srdreg.scid;
	s4 =	simm.s32 $0x1;
	s9 =	simm.s32 $0x3  }
0x4: {  	s12 =	simm.s32 $0x0;
	s10 =	simm.s32 $0x0;
	s5 =	sshll.u32 s1, $0x4  }
.Ltmp0:
0x5: {  	s1 =	stileid.u32;
	s5 =	sand.u32 $0x10, s5;
	(pc) =	sbr.rel .LBB2_1-.Ltmp0, $4  }
0x6: {  	s2 =	sadd.s32 $0x14200, s7;
	s3 =	sadd.s32 $0x34200, s7;
	s6 =	sor.u32 s1, s5  }
0x7: {  	[sflag:s4] =	ssyncpa.u1 $0x0;
	s5 =	simm.s32 $0x2;
	s6 =	sshll.u32 s6, $0x6  }
0x8: {  	s7 =	sadd.s32 $0x1C200, s7;
	[sflag:s5] =	ssyncpa.u1 $0x0;
	s8 =	sadd.s32 $0x40, s6  }
0x9: {  	vm0 =	vmmov $0xff;
	vm1 =	vcmask $0x3F20;
	[sflag:s9] =	ssyncpa.u1 $0x0;
	s9 =	simm.s32 $0x40;
	s11 =	smov.u32 s6  }
.LBB2_9:
0xa: {  	p0 =	seq.s32 s10, $0x2  }
.Ltmp1:
0xb: {  	_ = 	snop;
	(pc) =	sbr.rel @p0 .LBB2_11-.Ltmp1, $1  }
0xc: {  	_ =	sdelay $0x3  }
.LBB2_10:
0xd: {  	s12 =	sadd.s32 $0x40, s11  }
0xe: {  	s13 =	smov.u32 s6;
	p0 =	slt.s32 s12, s8  }
0xf: {  	s13 =	smov.u32 @p0 s12  }
0x10: {  	s10 =	sadd.s32 $0x1, s10;
	s12 =	smov.u32 s11;
	s11 =	smov.u32 s13  }
.LBB2_1:
0x11: {  	p0 =	sne.s32 s10, $0x0  }
.Ltmp2:
0x12: {  	_ = 	snop;
	(pc) =	sbr.rel @!p0 .LBB2_2-.Ltmp2, $1  }
0x13: {  	_ =	sdelay $0x3  }
0x14: {  	s13 =	sand.u32 $0x1, s10  }
0x15: {  	p0 =	seq.s32 s13, $0x0  }
.Ltmp3:
0x16: {  	_ = 	snop;
	(pc) =	sbr.rel @p0 .LBB2_9-.Ltmp3, $1  }
0x17: {  	_ =	sdelay $0x3  }
0x18: {  	_ =	swait.ge [sflag:s5], $0x40  }
0x19: {  	[sflag:s5] =	ssyncset.done $0x0  }
0x1a: {  	s13 =	simm.s32 $0x0;
	[sflag:s5] =	ssyncadd.s32 $0xFFFFFFC0  }
0x1b: {  	v0 =	vld.msk [tilespmem:s13+$0x40 ss:$0x1], $0xffff;
	_ =	sdelay $0x4  }
0x1c: {  	v1 =	vshll.u32 v0, $0x4  }
0x1d: {  	vm2 =	veq.s32 v0, $0x80000000;
	v0 =	vshll.u32 v0, $0xF;
	v1 =	vand.u32 $0x7F80, v1  }
0x1e: {  	v0 =	vand.u32 $0x38000, v0;
	v1 =	vsel vm2, $0xFFFFFF80, v1  }
0x1f: {  	v0 =	vsel vm2, $0xFFFF8000, v0;
	v2 =	vand.u32 $0xFFFFFC00, v1  }
0x20: {  	v1 =	vand.u32 $0x380, v1;
	v0 =	vadd.s32 v0, v2  }
0x21: {  	v0 =	vor.u32 v1, v0  }
0x22: {  	v0 =	vshrl.u32 v0, $0x3;
	_ =	sdelay $0x3  }
0x23: {  	s13 =	simm.s32 $0x2080  }
0x24: {  	[tilespmem:s13], [sflag:$0x1] =	stream.indirect_vreg.gather [hbm:s2], $0x80, v0, vm0, $0x38;
	[tilespmem:$0x4080] =	vst v63  }
0x25: {  	s14 =	simm.s32 $0x2480;
	s31 =	simm.s32 $0x10  }
0x26: {  	[tilespmem:s14], [sflag:$0x1] =	stream.indirect_vreg.gather [hbm:s2], $0x80, v0, vm1, $0x38;
	[tilespmem:$0x4080] =	vst v63  }
0x27: {  	s14 =	simm.s32 $0x80;
	v0 =	vld.msk [tilespmem:s31+$0x40 ss:$0x1], $0xffff  }
.LBB2_5:
0x28: {  	p0 =	sne.s32 s14, $0xC0;
	_ =	sdelay $0x4  }
0x29: {  	v1 =	vshll.u32 v0, $0x4  }
0x2a: {  	vm2 =	veq.s32 v0, $0x80000000;
	v0 =	vshll.u32 v0, $0xF;
	v1 =	vand.u32 $0x7F80, v1  }
0x2b: {  	v0 =	vand.u32 $0x38000, v0;
	v1 =	vsel vm2, $0xFFFFFF80, v1  }
0x2c: {  	v0 =	vsel vm2, $0xFFFF8000, v0;
	v2 =	vand.u32 $0xFFFFFC00, v1  }
0x2d: {  	v1 =	vand.u32 $0x380, v1;
	v0 =	vadd.s32 v0, v2  }
0x2e: {  	v0 =	vor.u32 v1, v0  }
0x2f: {  	v0 =	vshrl.u32 v0, $0x3;
	_ =	sdelay $0x3  }
.Ltmp4:
0x30: {  	s13 =	sadd.s32 $0x800, s13;
	(pc) =	sbr.rel @p0 .LBB2_5-.Ltmp4, $4  }
0x31: {  	[tilespmem:s13], [sflag:$0x1] =	stream.indirect_vreg.gather [hbm:s2], $0x80, v0, vm0, $0x38;
	[tilespmem:$0x4080] =	vst v63  }
0x32: {  	s15 =	sshra.s32 s14, $0x2;
	s16 =	sadd.s32 $0x400, s13  }
0x33: {  	[tilespmem:s16], [sflag:$0x1] =	stream.indirect_vreg.gather [hbm:s2], $0x80, v0, vm1, $0x38;
	[tilespmem:$0x4080] =	vst v63  }
0x34: {  	s14 =	sadd.s32 $0x40, s14;
	v0 =	vld.msk [tilespmem:s15+$0x40 ss:$0x1], $0xffff  }
0x35: {  	_ =	sdelay $0x3  }
0x36: {  	v1 =	vshll.u32 v0, $0x4  }
0x37: {  	vm2 =	veq.s32 v0, $0x80000000;
	v63 =	vshll.u32 v0, $0xF;
	v1 =	vand.u32 $0x7F80, v1  }
0x38: {  	v0 =	vand.u32 $0x38000, v63;
	v1 =	vsel vm2, $0xFFFFFF80, v1  }
0x39: {  	v0 =	vsel vm2, $0xFFFF8000, v0;
	v2 =	vand.u32 $0xFFFFFC00, v1  }
0x3a: {  	v1 =	vand.u32 $0x380, v1;
	v0 =	vadd.s32 v0, v2  }
0x3b: {  	v0 =	vor.u32 v1, v0  }
0x3c: {  	v0 =	vshrl.u32 v0, $0x3;
	_ =	sdelay $0x3  }
0x3d: {  	s13 =	sadd.s32 $0x800, s13  }
0x3e: {  	[tilespmem:s13], [sflag:$0x1] =	stream.indirect_vreg.gather [hbm:s2], $0x80, v0, vm0, $0x38;
	[tilespmem:$0x4080] =	vst v63  }
0x3f: {  	s13 =	sadd.s32 $0x400, s13  }
0x40: {  	[tilespmem:s13], [sflag:$0x1] =	stream.indirect_vreg.gather [hbm:s2], $0x80, v0, vm1, $0x38;
	[tilespmem:$0x4080] =	vst v63  }
0x41: {  	s12 =	sshll.u32 s12, $0x4;
	s14 =	simm.s32 $0x80;
	_ =	swait.ge [sflag:s4], $0x2000  }
0x42: {  	s15 =	simm.s32 $0x2480;
	s12 =	sadd.s32 s12, s7;
	[sflag:s4] =	ssyncset.done $0x0  }
0x43: {  	s16 =	sadd.s32 $0x0, s12;
	s13 =	simm.s32 $0x2080;
	[sflag:s4] =	ssyncadd.s32 $0xFFFFE000  }
.LBB2_7:
0x44: {  	[hbm:s16] =	stream.linear.scatter [tilespmem:s13], [sflag:$0x3], $0x400, $0x38;
	[tilespmem:$0x4080] =	vst v63  }
0x45: {  	s16 =	smov.u32 s14;
	s13 =	smov.u32 s15;
	p0 =	sne.s32 s14, $0x380  }
.Ltmp5:
0x46: {  	s14 =	sadd.s32 $0x80, s14;
	(pc) =	sbr.rel @p0 .LBB2_7-.Ltmp5, $2  }
0x47: {  	_ =	sdelay $0x2  }
0x48: {  	s15 =	sadd.s32 $0x400, s15;
	s16 =	sadd.s32 s16, s12  }
.Ltmp6:
0x49: {  	(pc) =	sbr.rel .LBB2_9-.Ltmp6, $2  }
0x4a: {  	_ =	sdelay $0x2  }
0x4b: {  	[hbm:s16] =	stream.linear.scatter [tilespmem:s13], [sflag:$0x3], $0x400, $0x38;
	[tilespmem:$0x4080] =	vst v63  }
.LBB2_2:
.Ltmp7:
0x4c: {  	(pc) =	sbr.rel .LBB2_10-.Ltmp7, $4  }
0x4d: {  	_ = 	snop  }
0x4e: {  	s12 =	sshrl.u32 s11, $0x3  }
0x4f: {  	s13 =	sand.u32 $0x7, s11;
	s12 =	sadd.s32 s3, s12  }
0x50: {  	[tilespmem:s9], [sflag:$0x2] =	stream.linear.gather [hbm4b:s12+s13], $0x40, $0x38;
	[tilespmem:$0x4080] =	vst v63  }
.LBB2_11:
0x51: {  	s2 =	simm.s32 $0x3  }
0x52: {  	_ =	swait.ge [sflag:s2], $0x2000  }
0x53: {  	[sflag:s2] =	ssyncset.done $0x0  }
0x54: {  	[sflag:s2] =	ssyncadd.s32 $0xFFFFE000  }
0x55: {  	_ =	sfence.sel $0x180000  }
0x56: {  	s3 =	simm.s32 $0x2;
	[bflag:$0x0] =	sbarrier.arrive $0xFFFF  }
0x57: {  	[sflag:s3] =	ssyncpa.u1 $0x1  }
0x58: {  	s31 =	simm.s32 $0x1;
	[sflag:s2] =	ssyncpa.u1 $0x1  }
0x59: {  	[sflag:s31] =	ssyncpa.u1 $0x1  }
0x5a: {  	p0 =	sne.s32 s1, $0x0;
	_ =	strace $0x9000005F  }
0x5b: {  	s0 =	sadd.s32 @!p0 $0x100000, s0;
	[bflag:$0x2] =	sbarrier.arrive $0xFFFF  }
0x5c: {  	[sflag:s0] =	ssyncadd.tile.s32 @!p0 $0x1;
	_ =	shalt  }
.Lfunc_end2:
_tile_overlayer_lowered:
.L_overlay_start_2:
0x5d: {  	(tag) =	ssettag $0x2  }
0x5e: {  	s0 =	rddreg [dreg:$0x0];
	s2 =	stileid.u32  }
0x5f: {  	s1 =	rddreg [dreg:$0x1];
	p0 =	sne.s32 s2, $0x0  }
0x60: {  	s3 =	rddreg [dreg:$0x2];
	[bflag:$0x3] =	sbarrier.arrive $0xFFFF;
	s2 =	simm.s32 @!p0 $0x1C01  }
0x61: {  	[timem:s3], [sflag:s2] =	dma.local @!p0 [hbm:s0], s1  }
0x62: {  	s0 =	simm.s32 @!p0 $0x1  }
0x63: {  	_ =	swait.ge @!p0 [sflag:s0], s1  }
0x64: {  	s1 =	ssub.s32 @!p0 $0x0, s1;
	[sflag:s0] =	ssyncset.done @!p0 $0x0  }
0x65: {  	[sflag:s0] =	ssyncadd.s32 @!p0 s1  }
0x66: {  	[bflag:$0x3] =	sbarrier.arrive $0xFFFF  }
0x67: {  	_ =	shalt  }

// kernel: gather_offload_async_start.5
scs
__scs_entry_jumppad:
0x0: {  	(pc) =	sbr.rel $0x88, $3  }
0x1: {  	(tag) =	ssettag $0x0;
	lr =	simm.s32 $0x1  }
0x2: {  	[smem:$0x3F9F] =	sst lr;
	_ =	strace $0xD0000000  }
0x3: {  	_ = 	snop  }
0x4: {  	_ = 	snop  }
0x5: {  	_ = 	snop  }
0x6: {  	_ = 	snop  }
0x7: {  	_ = 	snop  }
__scs_overlays_trampoline_lowered:
0x8: {  	[smem:$0x3FAE] =	sst s0  }
0x9: {  	[smem:$0x3FAF] =	sst s1  }
0xa: {  	[smem:$0x3FB0] =	sst s2  }
0xb: {  	[smem:$0x3FB1] =	sst s3  }
0xc: {  	[smem:$0x3FB2] =	sst s4  }
0xd: {  	[smem:$0x3FB3] =	sst s5  }
0xe: {  	[smem:$0x3FB4] =	sst s6  }
0xf: {  	[smem:$0x3FB5] =	sst s7  }
0x10: {  	[smem:$0x3FB6] =	sst s8  }
0x11: {  	[smem:$0x3FB7] =	sst s9;
	s0 =	simm.s32 @!p0 $0x0  }
0x12: {  	s1 =	sld [smem:$0x3F9D];
	s0 =	simm.s32 @p0 $0x1  }
0x13: {  	[smem:$0x3FB8] =	sst s0;
	s0 =	simm.s32 @!p1 $0x0  }
0x14: {  	s2 =	sld [smem:$0x3F9C];
	s0 =	simm.s32 @p1 $0x1  }
0x15: {  	[smem:$0x3FB9] =	sst s0;
	s0 =	simm.s32 @!p2 $0x0  }
0x16: {  	s3 =	sld [smem:$0x3FDB];
	s0 =	simm.s32 @p2 $0x1  }
0x17: {  	s4 =	simm.s32 $0x1BF5;
	[smem:$0x3FBB] =	sst s0  }
0x18: {  	s0 =	sld [smem:$0x3F9E];
	_ =	swait.ge [sflag:s4], $0x0  }
0x19: {  	s7 =	sld [smem:$0x3F9F]  }
0x1a: {  	s8 =	sadd.s32 $0xFFFFE003, lr  }
0x1b: {  	s9 =	sadd.s32 $0xFFFFFEF7, lr;
	s5 =	simm.s32 $0xFFFFFFFF;
	p2 =	slt.u32 s8, $0xFFFFF086  }
0x1c: {  	p1 =	slt.u32 s9, $0xF7A;
	s5 =	simm.s32 @!p2 $0x0  }
0x1d: {  	s5 =	simm.s32 @p1 $0x1;
	p0 =	seq.s32 s7, s2  }
0x1e: {  	s7 =	smul.u32 @!p0 $0xF7A, s2;
	p2 =	seq.s32 @!p0 s5, $0x0  }
0x1f: {  	s9 =	smul.u32 $0xF7A, s1;
	s8 =	simm.s32 @!p0 $0x1BF5;
	p2 =	por !p2, p0  }
0x20: {  	[sflag:s8] =	ssyncset.s32 @!p0 $0xFFFFF086;
	s6 =	sadd.s32 @!p0 s3, s7;
	s7 =	simm.s32 @!p0 $0x108  }
0x21: {  	s3 =	sadd.s32 s3, s9;
	s6 =	sadd.s32 @!p0 $0x88, s6;
	s7 =	simm.s32 @p2 $0x1082  }
0x22: {  	[simem:s7], [sflag:s8] =	dma.local @!p0 [hbm:s6], $0xF7A  }
0x23: {  	s9 =	sor.u32 $0xD0000000, s2;
	s6 =	simm.s32 $0x108;
	_ =	swait.ge @!p0 [sflag:s8], $0x0  }
0x24: {  	s3 =	sadd.s32 $0x88, s3;
	s6 =	simm.s32 @!p1 $0x1082;
	[sflag:s4] =	ssyncset.s32 $0xFFFFF086  }
0x25: {  	[simem:s6], [sflag:s4] =	dma.local [hbm:s3], $0xF7A  }
0x26: {  	[smem:$0x3F9F] =	sst s1;
	(tag) =	ssettag s2;
	_ =	strace s9  }
0x27: {  	s1 =	sld [smem:$0x3FAF]  }
0x28: {  	s2 =	sld [smem:$0x3FB0]  }
0x29: {  	s4 =	sld [smem:$0x3FB2]  }
0x2a: {  	p0 =	seq.s32 s5, $0x0;
	s5 =	sld [smem:$0x3FB3]  }
0x2b: {  	s6 =	sld [smem:$0x3FB4]  }
0x2c: {  	s7 =	sld [smem:$0x3FB5]  }
0x2d: {  	s3 =	simm.s32 $0x108;
	s8 =	sld [smem:$0x3FB6]  }
0x2e: {  	s3 =	simm.s32 @!p0 $0x1082;
	s9 =	sld [smem:$0x3FB7]  }
0x2f: {  	lr =	sadd.s32 s0, s3;
	s0 =	sld [smem:$0x3FAE]  }
0x30: {  	s3 =	sld [smem:$0x3FB1]  }
0x31: {  	[smem:$0x3FBA] =	sst s10  }
0x32: {  	s10 =	sld [smem:$0x3FB8];
	_ =	sdelay $0x3  }
0x33: {  	p0 =	seq.s32 s10, $0x1;
	s10 =	sld [smem:$0x3FBA];
	_ =	sdelay $0x3  }
0x34: {  	[smem:$0x3FBA] =	sst s10  }
0x35: {  	s10 =	sld [smem:$0x3FB9];
	_ =	sdelay $0x3  }
0x36: {  	p1 =	seq.s32 s10, $0x1;
	s10 =	sld [smem:$0x3FBA];
	_ =	sdelay $0x3  }
0x37: {  	[smem:$0x3FBA] =	sst s10  }
0x38: {  	s10 =	sld [smem:$0x3FBB]  }
0x39: {  	_ = 	snop;
	(pc) =	sbr.ind lr, $3  }
0x3a: {  	_ = 	snop  }
0x3b: {  	_ = 	snop  }
0x3c: {  	p2 =	seq.s32 s10, $0x1;
	s10 =	sld [smem:$0x3FBA]  }
0x3d: {  	_ =	shalt  }
0x3e: {  	_ =	shalt  }
0x3f: {  	_ =	shalt  }
0x40: {  	_ =	shalt  }
0x41: {  	_ =	shalt  }
0x42: {  	_ =	shalt  }
0x43: {  	_ =	shalt  }
0x44: {  	_ =	shalt  }
0x45: {  	_ =	shalt  }
0x46: {  	_ =	shalt  }
0x47: {  	_ =	shalt  }
0x48: {  	_ =	shalt  }
0x49: {  	_ =	shalt  }
0x4a: {  	_ =	shalt  }
0x4b: {  	_ =	shalt  }
0x4c: {  	_ =	shalt  }
0x4d: {  	_ =	shalt  }
0x4e: {  	_ =	shalt  }
0x4f: {  	_ =	shalt  }
0x50: {  	_ =	shalt  }
0x51: {  	_ =	shalt  }
0x52: {  	_ =	shalt  }
0x53: {  	_ =	shalt  }
0x54: {  	_ =	shalt  }
0x55: {  	_ =	shalt  }
0x56: {  	_ =	shalt  }
0x57: {  	_ =	shalt  }
0x58: {  	_ =	shalt  }
0x59: {  	_ =	shalt  }
0x5a: {  	_ =	shalt  }
0x5b: {  	_ =	shalt  }
0x5c: {  	_ =	shalt  }
0x5d: {  	_ =	shalt  }
0x5e: {  	_ =	shalt  }
0x5f: {  	_ =	shalt  }
0x60: {  	_ =	shalt  }
0x61: {  	_ =	shalt  }
0x62: {  	_ =	shalt  }
0x63: {  	_ =	shalt  }
0x64: {  	_ =	shalt  }
0x65: {  	_ =	shalt  }
0x66: {  	_ =	shalt  }
0x67: {  	_ =	shalt  }
0x68: {  	_ =	shalt  }
0x69: {  	_ =	shalt  }
0x6a: {  	_ =	shalt  }
0x6b: {  	_ =	shalt  }
0x6c: {  	_ =	shalt  }
0x6d: {  	_ =	shalt  }
0x6e: {  	_ =	shalt  }
0x6f: {  	_ =	shalt  }
0x70: {  	_ =	shalt  }
0x71: {  	_ =	shalt  }
0x72: {  	_ =	shalt  }
0x73: {  	_ =	shalt  }
0x74: {  	_ =	shalt  }
0x75: {  	_ =	shalt  }
0x76: {  	_ =	shalt  }
0x77: {  	_ =	shalt  }
0x78: {  	_ =	shalt  }
0x79: {  	_ =	shalt  }
0x7a: {  	_ =	shalt  }
0x7b: {  	_ =	shalt  }
0x7c: {  	_ =	shalt  }
0x7d: {  	_ =	shalt  }
0x7e: {  	_ =	shalt  }
0x7f: {  	_ =	shalt  }
0x80: {  	_ =	shalt  }
0x81: {  	_ =	shalt  }
0x82: {  	_ =	shalt  }
0x83: {  	_ =	shalt  }
0x84: {  	_ =	shalt  }
0x85: {  	_ =	shalt  }
0x86: {  	_ =	shalt  }
0x87: {  	_ =	shalt  }
.Lfunc_end0:
.L_simem_size_0:
called_computation.7_lowered:
.L_overlay_start_0:
0x88: {  	s2 =	sld [smem:$0x3FD9]  }
0x89: {  	s3 =	sld [smem:$0x3FFE];
	_ =	sdelay $0x1  }
0x8a: {  	s1 =	srdreg.scid  }
0x8b: {  	s0 =	sand.u32 $0x1, s1  }
0x8c: {  	s14 =	sshll.u32 s0, $0xA;
	s2 =	sadd.s32 s3, s2  }
0x8d: {  	s2 =	sadd.s32 s2, s14  }
0x8e: {  	[smem:$0x3FC6] =	sst s2  }
0x8f: {  	_ = 	snop  }
0x90: {  	s2 =	sld [smem:$0x3FD0];
	_ =	sdelay $0x2  }
0x91: {  	s15 =	simm.s32 $0xC;
	s4 =	simm.s32 $0x10  }
0x92: {  	[smem:s4], [sflag:s15] =	dma.local [hbm:s2], $0x1  }
0x93: {  	_ =	swait.eq [sflag:s15], $0x1  }
0x94: {  	[sflag:s15] =	ssyncset.done $0x0  }
0x95: {  	[sflag:s15] =	ssyncadd.s32 $0xFFFFFFFF  }
0x96: {  	s16 =	sld [smem:$0x11];
	(tm) =	ssettm $0x1  }
0x97: {  	s17 =	sld [smem:$0x3FFB];
	_ =	sdelay $0x3  }
0x98: {  	_ =	strace s17  }
0x99: {  	s3 =	sld [smem:$0x3FFC];
	_ =	sdelay $0x3  }
0x9a: {  	_ =	strace s3  }
0x9b: {  	s3 =	sld [smem:$0x3FFD];
	_ =	sdelay $0x3  }
0x9c: {  	_ =	strace s3  }
0x9d: {  	_ =	strace $0x8FFFFFFF  }
0x9e: {  	s18 =	sld [smem:$0x3FDB];
	_ =	sdelay $0x1  }
0x9f: {  	s19 =	simm.s32 $_scs_section_size  }
0xa0: {  	s5 =	simm.s32 $_size__tile_overlayer_lowered;
	s6 =	simm.s32 $_tile_overlayer_lowered  }
0xa1: {  	s22 =	simm.s32 $0x1BFF;
	s21 =	sshll.u32 s6, $0x1;
	s3 =	sadd.s32 s19, s18  }
0xa2: {  	s7 =	simm.s32 $0x0;
	s20 =	sshll.u32 s5, $0x1;
	s5 =	sadd.s32 s21, s3  }
0xa3: {  	[timem:s7], [sflag:s22] =	dma.local [hbm:s5], s20  }
0xa4: {  	_ =	swait.ge [sflag:s22], s20  }
0xa5: {  	s4 =	ssub.s32 $0x0, s20;
	[sflag:s22] =	ssyncset.done $0x0  }
0xa6: {  	[sflag:s22] =	ssyncadd.s32 s4;
	_ =	sdelay $0x1  }
0xa7: {  	s23 =	simm.s32 $0x1B8B  }
0xa8: {  	_ =	swait.ge [sflag:s23], $0x1  }
0xa9: {  	[sflag:s23] =	ssyncset.done $0x0  }
0xaa: {  	s25 =	simm.s32 $0x1B8E;
	s24 =	sld [smem:$0x3FFE];
	[sflag:s23] =	ssyncadd.s32 $0xFFFFFFFF  }
0xab: {  	s26 =	simm.s32 $execute0_lowered;
	[smem:$0x3FD2] =	sst s25  }
0xac: {  	s5 =	sshll.u32 s26, $0x1;
	_ =	strace $0x8000005B;
	[dreg:$0x1] =	wrdreg $0xFFFFFFFF  }
0xad: {  	s28 =	simm.s32 $_size_execute0_lowered;
	s3 =	sadd.s32 s3, s5;
	[dreg:$0x0] =	wrdreg $0x0  }
0xae: {  	s5 =	sshll.u32 s28, $0x1;
	[dreg:$0x2] =	wrdreg s3  }
0xaf: {  	[dreg:$0x3] =	wrdreg s5  }
0xb0: {  	[dreg:$0x4] =	wrdreg $0xC0  }
0xb1: {  	_ =	task [dreg:s7], $0x5FFFF  }
0xb2: {  	[dreg:$0x1] =	wrdreg $0xFFFFFFFF  }
0xb3: {  	[dreg:$0x0] =	wrdreg $0x60  }
0xb4: {  	[dreg:$0x2] =	wrdreg s24  }
0xb5: {  	[dreg:$0x3] =	wrdreg s16  }
0xb6: {  	[dreg:$0x4] =	wrdreg $0xB  }
0xb7: {  	_ =	task.clear_ibuf [dreg:s7], $0x5FFFF;
	_ =	strace $0x9000005B  }
0xb8: {  	s29 =	simm.s32 $0xB;
	_ =	strace $0x8000005D  }
0xb9: {  	_ =	swait.ge [sflag:s29], $0x1  }
0xba: {  	[sflag:s29] =	ssyncadd.s32 $0xFFFFFFFF  }
0xbb: {  	_ =	strace $0x9000005D  }
0xbc: {  	_ =	sfence  }
0xbd: {  	s30 =	sld [smem:$0x0];
	_ =	sdelay $0x2  }
0xbe: {  	s31 =	sshll.u32 s1, $0xD;
	s1 =	sshrl.u32 s1, $0x2  }
0xbf: {  	s3 =	sand.u32 $0x4000, s31;
	s1 =	sadd.s32 s1, s30  }
0xc0: {  	s0 =	sor.u32 s3, s0;
	s1 =	sshll.u32 s1, $0x11  }
0xc1: {  	s0 =	sor.u32 s1, s0  }
0xc2: {  	s0 =	sadd.s32 $0x8F2B, s0  }
0xc3: {  	[sflag:s0] =	ssyncadd.remote.s32 $0x1  }
0xc4: {  	_ =	sfence.sel $0xFFFF  }
0xc5: {  	[dreg:$0x0] =	wrdreg $0xFFFFFFFF;
	(pc) =	sbr.abs _section_cstart, $3  }
0xc6: {  	[dreg:$0x1] =	wrdreg $0xFFFFFFFF  }
0xc7: {  	_ =	task.clear_ibuf [dreg:s7], $0x2FFFF;
	_ =	strace $0x9FFFFFFF  }
0xc8: {  	(tm) =	ssettm $0x7FFFFFFF  }
0xc9: {  	_ =	shalt  }
tec
execute0_lowered:
.L_overlay_start_1:
0x0: {  	(tag) =	ssettag $0x1  }
0x1: {  	s7 =	rddreg [dreg:$0x0]  }
0x2: {  	s2 =	rddreg [dreg:$0x1]  }
0x3: {  	s0 =	rddreg [dreg:$0x2]  }
0x4: {  	s1 =	srdreg.scid;
	_ =	strace $0x8000005C;
	s4 =	simm.s32 $0x1  }
0x5: {  	s9 =	simm.s32 $0x3;
	s12 =	simm.s32 $0x0;
	s5 =	sshll.u32 s1, $0x4  }
.Ltmp0:
0x6: {  	s1 =	stileid.u32;
	s5 =	sand.u32 $0x10, s5;
	(pc) =	sbr.rel .LBB2_1-.Ltmp0, $4  }
0x7: {  	s10 =	simm.s32 $0x0;
	s3 =	sadd.s32 $0x600400, s7;
	s6 =	sor.u32 s1, s5  }
0x8: {  	[sflag:s4] =	ssyncpa.u1 $0x0;
	s5 =	simm.s32 $0x2;
	s6 =	sshll.u32 s6, $0x6  }
0x9: {  	s7 =	sadd.s32 $0xC200, s7;
	[sflag:s5] =	ssyncpa.u1 $0x0;
	s8 =	sadd.s32 $0x40, s6  }
0xa: {  	vm0 =	vmmov $0xff;
	vm1 =	vcmask $0x3F20;
	[sflag:s9] =	ssyncpa.u1 $0x0;
	s9 =	simm.s32 $0x40;
	s11 =	smov.u32 s6  }
.LBB2_9:
0xb: {  	p0 =	seq.s32 s10, $0x2  }
.Ltmp1:
0xc: {  	_ = 	snop;
	(pc) =	sbr.rel @p0 .LBB2_11-.Ltmp1, $1  }
0xd: {  	_ =	sdelay $0x3  }
.LBB2_10:
0xe: {  	s12 =	sadd.s32 $0x40, s11  }
0xf: {  	s13 =	smov.u32 s6;
	p0 =	slt.s32 s12, s8  }
0x10: {  	s13 =	smov.u32 @p0 s12  }
0x11: {  	s10 =	sadd.s32 $0x1, s10;
	s12 =	smov.u32 s11;
	s11 =	smov.u32 s13  }
.LBB2_1:
0x12: {  	p0 =	sne.s32 s10, $0x0  }
.Ltmp2:
0x13: {  	_ = 	snop;
	(pc) =	sbr.rel @!p0 .LBB2_2-.Ltmp2, $1  }
0x14: {  	_ =	sdelay $0x3  }
0x15: {  	s13 =	sand.u32 $0x1, s10  }
0x16: {  	p0 =	seq.s32 s13, $0x0  }
.Ltmp3:
0x17: {  	_ = 	snop;
	(pc) =	sbr.rel @p0 .LBB2_9-.Ltmp3, $1  }
0x18: {  	_ =	sdelay $0x3  }
0x19: {  	_ =	swait.ge [sflag:s5], $0x40  }
0x1a: {  	[sflag:s5] =	ssyncset.done $0x0  }
0x1b: {  	s13 =	simm.s32 $0x0;
	[sflag:s5] =	ssyncadd.s32 $0xFFFFFFC0  }
0x1c: {  	v0 =	vld.msk [tilespmem:s13+$0x40 ss:$0x1], $0xffff;
	_ =	sdelay $0x4  }
0x1d: {  	v1 =	vshll.u32 v0, $0x4  }
0x1e: {  	vm2 =	veq.s32 v0, $0x80000000;
	v0 =	vshll.u32 v0, $0x15;
	v1 =	vand.u32 $0x1FFF80, v1  }
0x1f: {  	v0 =	vand.u32 $0xE00000, v0;
	v1 =	vsel vm2, $0xFFFFFF80, v1  }
0x20: {  	v0 =	vsel vm2, $0xFFE00000, v0;
	v2 =	vand.u32 $0xFFFFFC00, v1  }
0x21: {  	v1 =	vand.u32 $0x380, v1;
	v0 =	vadd.s32 v0, v2  }
0x22: {  	v0 =	vor.u32 v1, v0  }
0x23: {  	v0 =	vshrl.u32 v0, $0x3;
	_ =	sdelay $0x3  }
0x24: {  	s13 =	simm.s32 $0x2080  }
0x25: {  	[tilespmem:s13], [sflag:$0x1] =	stream.indirect_vreg.gather [hbm:s3], $0x80, v0, vm0, $0x38;
	[tilespmem:$0x4080] =	vst v63  }
0x26: {  	s14 =	simm.s32 $0x2480;
	s31 =	simm.s32 $0x10  }
0x27: {  	[tilespmem:s14], [sflag:$0x1] =	stream.indirect_vreg.gather [hbm:s3], $0x80, v0, vm1, $0x38;
	[tilespmem:$0x4080] =	vst v63  }
0x28: {  	s14 =	simm.s32 $0x80;
	v0 =	vld.msk [tilespmem:s31+$0x40 ss:$0x1], $0xffff  }
.LBB2_5:
0x29: {  	p0 =	sne.s32 s14, $0xC0;
	_ =	sdelay $0x4  }
0x2a: {  	v1 =	vshll.u32 v0, $0x4  }
0x2b: {  	vm2 =	veq.s32 v0, $0x80000000;
	v0 =	vshll.u32 v0, $0x15;
	v1 =	vand.u32 $0x1FFF80, v1  }
0x2c: {  	v0 =	vand.u32 $0xE00000, v0;
	v1 =	vsel vm2, $0xFFFFFF80, v1  }
0x2d: {  	v0 =	vsel vm2, $0xFFE00000, v0;
	v2 =	vand.u32 $0xFFFFFC00, v1  }
0x2e: {  	v1 =	vand.u32 $0x380, v1;
	v0 =	vadd.s32 v0, v2  }
0x2f: {  	v0 =	vor.u32 v1, v0  }
0x30: {  	v0 =	vshrl.u32 v0, $0x3;
	_ =	sdelay $0x3  }
.Ltmp4:
0x31: {  	s13 =	sadd.s32 $0x800, s13;
	(pc) =	sbr.rel @p0 .LBB2_5-.Ltmp4, $4  }
0x32: {  	[tilespmem:s13], [sflag:$0x1] =	stream.indirect_vreg.gather [hbm:s3], $0x80, v0, vm0, $0x38;
	[tilespmem:$0x4080] =	vst v63  }
0x33: {  	s15 =	sshra.s32 s14, $0x2;
	s16 =	sadd.s32 $0x400, s13  }
0x34: {  	[tilespmem:s16], [sflag:$0x1] =	stream.indirect_vreg.gather [hbm:s3], $0x80, v0, vm1, $0x38;
	[tilespmem:$0x4080] =	vst v63  }
0x35: {  	s14 =	sadd.s32 $0x40, s14;
	v0 =	vld.msk [tilespmem:s15+$0x40 ss:$0x1], $0xffff  }
0x36: {  	_ =	sdelay $0x3  }
0x37: {  	v1 =	vshll.u32 v0, $0x4  }
0x38: {  	vm2 =	veq.s32 v0, $0x80000000;
	v63 =	vshll.u32 v0, $0x15;
	v1 =	vand.u32 $0x1FFF80, v1  }
0x39: {  	v0 =	vand.u32 $0xE00000, v63;
	v1 =	vsel vm2, $0xFFFFFF80, v1  }
0x3a: {  	v0 =	vsel vm2, $0xFFE00000, v0;
	v2 =	vand.u32 $0xFFFFFC00, v1  }
0x3b: {  	v1 =	vand.u32 $0x380, v1;
	v0 =	vadd.s32 v0, v2  }
0x3c: {  	v0 =	vor.u32 v1, v0  }
0x3d: {  	v0 =	vshrl.u32 v0, $0x3;
	_ =	sdelay $0x3  }
0x3e: {  	s13 =	sadd.s32 $0x800, s13  }
0x3f: {  	[tilespmem:s13], [sflag:$0x1] =	stream.indirect_vreg.gather [hbm:s3], $0x80, v0, vm0, $0x38;
	[tilespmem:$0x4080] =	vst v63  }
0x40: {  	s13 =	sadd.s32 $0x400, s13  }
0x41: {  	[tilespmem:s13], [sflag:$0x1] =	stream.indirect_vreg.gather [hbm:s3], $0x80, v0, vm1, $0x38;
	[tilespmem:$0x4080] =	vst v63  }
0x42: {  	s12 =	sshll.u32 s12, $0x4;
	s14 =	simm.s32 $0x80;
	_ =	swait.ge [sflag:s4], $0x2000  }
0x43: {  	s15 =	simm.s32 $0x2480;
	s12 =	sadd.s32 s12, s7;
	[sflag:s4] =	ssyncset.done $0x0  }
0x44: {  	s16 =	sadd.s32 $0x0, s12;
	s13 =	simm.s32 $0x2080;
	[sflag:s4] =	ssyncadd.s32 $0xFFFFE000  }
.LBB2_7:
0x45: {  	[hbm:s16] =	stream.linear.scatter [tilespmem:s13], [sflag:$0x3], $0x400, $0x38;
	[tilespmem:$0x4080] =	vst v63  }
0x46: {  	s16 =	smov.u32 s14;
	s13 =	smov.u32 s15;
	p0 =	sne.s32 s14, $0x380  }
.Ltmp5:
0x47: {  	s14 =	sadd.s32 $0x80, s14;
	(pc) =	sbr.rel @p0 .LBB2_7-.Ltmp5, $2  }
0x48: {  	_ =	sdelay $0x2  }
0x49: {  	s15 =	sadd.s32 $0x400, s15;
	s16 =	sadd.s32 s16, s12  }
.Ltmp6:
0x4a: {  	(pc) =	sbr.rel .LBB2_9-.Ltmp6, $2  }
0x4b: {  	_ =	sdelay $0x2  }
0x4c: {  	[hbm:s16] =	stream.linear.scatter [tilespmem:s13], [sflag:$0x3], $0x400, $0x38;
	[tilespmem:$0x4080] =	vst v63  }
.LBB2_2:
.Ltmp7:
0x4d: {  	(pc) =	sbr.rel .LBB2_10-.Ltmp7, $4  }
0x4e: {  	_ = 	snop  }
0x4f: {  	s12 =	sshrl.u32 s11, $0x3  }
0x50: {  	s13 =	sand.u32 $0x7, s11;
	s12 =	sadd.s32 s2, s12  }
0x51: {  	[tilespmem:s9], [sflag:$0x2] =	stream.linear.gather [hbm4b:s12+s13], $0x40, $0x38;
	[tilespmem:$0x4080] =	vst v63  }
.LBB2_11:
0x52: {  	s2 =	simm.s32 $0x3  }
0x53: {  	_ =	swait.ge [sflag:s2], $0x2000  }
0x54: {  	[sflag:s2] =	ssyncset.done $0x0  }
0x55: {  	[sflag:s2] =	ssyncadd.s32 $0xFFFFE000  }
0x56: {  	_ =	sfence.sel $0x180000  }
0x57: {  	s3 =	simm.s32 $0x2;
	[bflag:$0x0] =	sbarrier.arrive $0xFFFF  }
0x58: {  	[sflag:s3] =	ssyncpa.u1 $0x1  }
0x59: {  	s31 =	simm.s32 $0x1;
	[sflag:s2] =	ssyncpa.u1 $0x1  }
0x5a: {  	[sflag:s31] =	ssyncpa.u1 $0x1  }
0x5b: {  	p0 =	sne.s32 s1, $0x0;
	_ =	strace $0x9000005C  }
0x5c: {  	s0 =	sadd.s32 @!p0 $0x100000, s0;
	[bflag:$0x2] =	sbarrier.arrive $0xFFFF  }
0x5d: {  	[sflag:s0] =	ssyncadd.tile.s32 @!p0 $0x1;
	_ =	shalt  }
.Lfunc_end2:
_tile_overlayer_lowered:
.L_overlay_start_2:
0x5e: {  	(tag) =	ssettag $0x2  }
0x5f: {  	s0 =	rddreg [dreg:$0x0];
	s2 =	stileid.u32  }
0x60: {  	s1 =	rddreg [dreg:$0x1];
	p0 =	sne.s32 s2, $0x0  }
0x61: {  	s3 =	rddreg [dreg:$0x2];
	[bflag:$0x3] =	sbarrier.arrive $0xFFFF;
	s2 =	simm.s32 @!p0 $0x1C01  }
0x62: {  	[timem:s3], [sflag:s2] =	dma.local @!p0 [hbm:s0], s1  }
0x63: {  	s0 =	simm.s32 @!p0 $0x1  }
0x64: {  	_ =	swait.ge @!p0 [sflag:s0], s1  }
0x65: {  	s1 =	ssub.s32 @!p0 $0x0, s1;
	[sflag:s0] =	ssyncset.done @!p0 $0x0  }
0x66: {  	[sflag:s0] =	ssyncadd.s32 @!p0 s1  }
0x67: {  	[bflag:$0x3] =	sbarrier.arrive $0xFFFF  }
0x68: {  	_ =	shalt  }

// kernel: gather_offload_async_start.6
scs
__scs_entry_jumppad:
0x0: {  	(pc) =	sbr.rel $0x88, $3  }
0x1: {  	(tag) =	ssettag $0x0;
	lr =	simm.s32 $0x1  }
0x2: {  	[smem:$0x3F9F] =	sst lr;
	_ =	strace $0xD0000000  }
0x3: {  	_ = 	snop  }
0x4: {  	_ = 	snop  }
0x5: {  	_ = 	snop  }
0x6: {  	_ = 	snop  }
0x7: {  	_ = 	snop  }
__scs_overlays_trampoline_lowered:
0x8: {  	[smem:$0x3FAE] =	sst s0  }
0x9: {  	[smem:$0x3FAF] =	sst s1  }
0xa: {  	[smem:$0x3FB0] =	sst s2  }
0xb: {  	[smem:$0x3FB1] =	sst s3  }
0xc: {  	[smem:$0x3FB2] =	sst s4  }
0xd: {  	[smem:$0x3FB3] =	sst s5  }
0xe: {  	[smem:$0x3FB4] =	sst s6  }
0xf: {  	[smem:$0x3FB5] =	sst s7  }
0x10: {  	[smem:$0x3FB6] =	sst s8  }
0x11: {  	[smem:$0x3FB7] =	sst s9;
	s0 =	simm.s32 @!p0 $0x0  }
0x12: {  	s1 =	sld [smem:$0x3F9D];
	s0 =	simm.s32 @p0 $0x1  }
0x13: {  	[smem:$0x3FB8] =	sst s0;
	s0 =	simm.s32 @!p1 $0x0  }
0x14: {  	s2 =	sld [smem:$0x3F9C];
	s0 =	simm.s32 @p1 $0x1  }
0x15: {  	[smem:$0x3FB9] =	sst s0;
	s0 =	simm.s32 @!p2 $0x0  }
0x16: {  	s3 =	sld [smem:$0x3FDB];
	s0 =	simm.s32 @p2 $0x1  }
0x17: {  	s4 =	simm.s32 $0x1BF5;
	[smem:$0x3FBB] =	sst s0  }
0x18: {  	s0 =	sld [smem:$0x3F9E];
	_ =	swait.ge [sflag:s4], $0x0  }
0x19: {  	s7 =	sld [smem:$0x3F9F]  }
0x1a: {  	s8 =	sadd.s32 $0xFFFFE003, lr  }
0x1b: {  	s9 =	sadd.s32 $0xFFFFFEF7, lr;
	s5 =	simm.s32 $0xFFFFFFFF;
	p2 =	slt.u32 s8, $0xFFFFF086  }
0x1c: {  	p1 =	slt.u32 s9, $0xF7A;
	s5 =	simm.s32 @!p2 $0x0  }
0x1d: {  	s5 =	simm.s32 @p1 $0x1;
	p0 =	seq.s32 s7, s2  }
0x1e: {  	s7 =	smul.u32 @!p0 $0xF7A, s2;
	p2 =	seq.s32 @!p0 s5, $0x0  }
0x1f: {  	s9 =	smul.u32 $0xF7A, s1;
	s8 =	simm.s32 @!p0 $0x1BF5;
	p2 =	por !p2, p0  }
0x20: {  	[sflag:s8] =	ssyncset.s32 @!p0 $0xFFFFF086;
	s6 =	sadd.s32 @!p0 s3, s7;
	s7 =	simm.s32 @!p0 $0x108  }
0x21: {  	s3 =	sadd.s32 s3, s9;
	s6 =	sadd.s32 @!p0 $0x88, s6;
	s7 =	simm.s32 @p2 $0x1082  }
0x22: {  	[simem:s7], [sflag:s8] =	dma.local @!p0 [hbm:s6], $0xF7A  }
0x23: {  	s9 =	sor.u32 $0xD0000000, s2;
	s6 =	simm.s32 $0x108;
	_ =	swait.ge @!p0 [sflag:s8], $0x0  }
0x24: {  	s3 =	sadd.s32 $0x88, s3;
	s6 =	simm.s32 @!p1 $0x1082;
	[sflag:s4] =	ssyncset.s32 $0xFFFFF086  }
0x25: {  	[simem:s6], [sflag:s4] =	dma.local [hbm:s3], $0xF7A  }
0x26: {  	[smem:$0x3F9F] =	sst s1;
	(tag) =	ssettag s2;
	_ =	strace s9  }
0x27: {  	s1 =	sld [smem:$0x3FAF]  }
0x28: {  	s2 =	sld [smem:$0x3FB0]  }
0x29: {  	s4 =	sld [smem:$0x3FB2]  }
0x2a: {  	p0 =	seq.s32 s5, $0x0;
	s5 =	sld [smem:$0x3FB3]  }
0x2b: {  	s6 =	sld [smem:$0x3FB4]  }
0x2c: {  	s7 =	sld [smem:$0x3FB5]  }
0x2d: {  	s3 =	simm.s32 $0x108;
	s8 =	sld [smem:$0x3FB6]  }
0x2e: {  	s3 =	simm.s32 @!p0 $0x1082;
	s9 =	sld [smem:$0x3FB7]  }
0x2f: {  	lr =	sadd.s32 s0, s3;
	s0 =	sld [smem:$0x3FAE]  }
0x30: {  	s3 =	sld [smem:$0x3FB1]  }
0x31: {  	[smem:$0x3FBA] =	sst s10  }
0x32: {  	s10 =	sld [smem:$0x3FB8];
	_ =	sdelay $0x3  }
0x33: {  	p0 =	seq.s32 s10, $0x1;
	s10 =	sld [smem:$0x3FBA];
	_ =	sdelay $0x3  }
0x34: {  	[smem:$0x3FBA] =	sst s10  }
0x35: {  	s10 =	sld [smem:$0x3FB9];
	_ =	sdelay $0x3  }
0x36: {  	p1 =	seq.s32 s10, $0x1;
	s10 =	sld [smem:$0x3FBA];
	_ =	sdelay $0x3  }
0x37: {  	[smem:$0x3FBA] =	sst s10  }
0x38: {  	s10 =	sld [smem:$0x3FBB]  }
0x39: {  	_ = 	snop;
	(pc) =	sbr.ind lr, $3  }
0x3a: {  	_ = 	snop  }
0x3b: {  	_ = 	snop  }
0x3c: {  	p2 =	seq.s32 s10, $0x1;
	s10 =	sld [smem:$0x3FBA]  }
0x3d: {  	_ =	shalt  }
0x3e: {  	_ =	shalt  }
0x3f: {  	_ =	shalt  }
0x40: {  	_ =	shalt  }
0x41: {  	_ =	shalt  }
0x42: {  	_ =	shalt  }
0x43: {  	_ =	shalt  }
0x44: {  	_ =	shalt  }
0x45: {  	_ =	shalt  }
0x46: {  	_ =	shalt  }
0x47: {  	_ =	shalt  }
0x48: {  	_ =	shalt  }
0x49: {  	_ =	shalt  }
0x4a: {  	_ =	shalt  }
0x4b: {  	_ =	shalt  }
0x4c: {  	_ =	shalt  }
0x4d: {  	_ =	shalt  }
0x4e: {  	_ =	shalt  }
0x4f: {  	_ =	shalt  }
0x50: {  	_ =	shalt  }
0x51: {  	_ =	shalt  }
0x52: {  	_ =	shalt  }
0x53: {  	_ =	shalt  }
0x54: {  	_ =	shalt  }
0x55: {  	_ =	shalt  }
0x56: {  	_ =	shalt  }
0x57: {  	_ =	shalt  }
0x58: {  	_ =	shalt  }
0x59: {  	_ =	shalt  }
0x5a: {  	_ =	shalt  }
0x5b: {  	_ =	shalt  }
0x5c: {  	_ =	shalt  }
0x5d: {  	_ =	shalt  }
0x5e: {  	_ =	shalt  }
0x5f: {  	_ =	shalt  }
0x60: {  	_ =	shalt  }
0x61: {  	_ =	shalt  }
0x62: {  	_ =	shalt  }
0x63: {  	_ =	shalt  }
0x64: {  	_ =	shalt  }
0x65: {  	_ =	shalt  }
0x66: {  	_ =	shalt  }
0x67: {  	_ =	shalt  }
0x68: {  	_ =	shalt  }
0x69: {  	_ =	shalt  }
0x6a: {  	_ =	shalt  }
0x6b: {  	_ =	shalt  }
0x6c: {  	_ =	shalt  }
0x6d: {  	_ =	shalt  }
0x6e: {  	_ =	shalt  }
0x6f: {  	_ =	shalt  }
0x70: {  	_ =	shalt  }
0x71: {  	_ =	shalt  }
0x72: {  	_ =	shalt  }
0x73: {  	_ =	shalt  }
0x74: {  	_ =	shalt  }
0x75: {  	_ =	shalt  }
0x76: {  	_ =	shalt  }
0x77: {  	_ =	shalt  }
0x78: {  	_ =	shalt  }
0x79: {  	_ =	shalt  }
0x7a: {  	_ =	shalt  }
0x7b: {  	_ =	shalt  }
0x7c: {  	_ =	shalt  }
0x7d: {  	_ =	shalt  }
0x7e: {  	_ =	shalt  }
0x7f: {  	_ =	shalt  }
0x80: {  	_ =	shalt  }
0x81: {  	_ =	shalt  }
0x82: {  	_ =	shalt  }
0x83: {  	_ =	shalt  }
0x84: {  	_ =	shalt  }
0x85: {  	_ =	shalt  }
0x86: {  	_ =	shalt  }
0x87: {  	_ =	shalt  }
.Lfunc_end0:
.L_simem_size_0:
called_computation.8_lowered:
.L_overlay_start_0:
0x88: {  	s2 =	sld [smem:$0x3FD9]  }
0x89: {  	s3 =	sld [smem:$0x3FFE];
	_ =	sdelay $0x1  }
0x8a: {  	s1 =	srdreg.scid  }
0x8b: {  	s0 =	sand.u32 $0x1, s1  }
0x8c: {  	s15 =	sshll.u32 s0, $0xA;
	s2 =	sadd.s32 s3, s2  }
0x8d: {  	s2 =	sadd.s32 s2, s15  }
0x8e: {  	[smem:$0x3FC6] =	sst s2  }
0x8f: {  	_ = 	snop  }
0x90: {  	s2 =	sld [smem:$0x3FD0];
	_ =	sdelay $0x2  }
0x91: {  	s16 =	simm.s32 $0xC;
	s4 =	simm.s32 $0x10  }
0x92: {  	[smem:s4], [sflag:s16] =	dma.local [hbm:s2], $0x1  }
0x93: {  	_ =	swait.eq [sflag:s16], $0x1  }
0x94: {  	[sflag:s16] =	ssyncset.done $0x0  }
0x95: {  	[sflag:s16] =	ssyncadd.s32 $0xFFFFFFFF  }
0x96: {  	s17 =	sld [smem:$0x10];
	(tm) =	ssettm $0x1  }
0x97: {  	s18 =	sld [smem:$0x3FFB];
	_ =	sdelay $0x3  }
0x98: {  	_ =	strace s18  }
0x99: {  	s2 =	sld [smem:$0x3FFC];
	_ =	sdelay $0x3  }
0x9a: {  	_ =	strace s2  }
0x9b: {  	s2 =	sld [smem:$0x3FFD];
	_ =	sdelay $0x3  }
0x9c: {  	_ =	strace s2  }
0x9d: {  	_ =	strace $0x8FFFFFFF  }
0x9e: {  	s19 =	sld [smem:$0x3FDB];
	_ =	sdelay $0x1  }
0x9f: {  	s20 =	simm.s32 $_scs_section_size  }
0xa0: {  	s5 =	simm.s32 $_size__tile_overlayer_lowered;
	s6 =	simm.s32 $_tile_overlayer_lowered  }
0xa1: {  	s7 =	simm.s32 $0x1BFF;
	s21 =	sshll.u32 s6, $0x1;
	s4 =	sadd.s32 s20, s19  }
0xa2: {  	s22 =	simm.s32 $0x0;
	s5 =	sshll.u32 s5, $0x1;
	s6 =	sadd.s32 s21, s4  }
0xa3: {  	[timem:s22], [sflag:s7] =	dma.local [hbm:s6], s5  }
0xa4: {  	_ =	swait.ge [sflag:s7], s5  }
0xa5: {  	s5 =	ssub.s32 $0x0, s5;
	[sflag:s7] =	ssyncset.done $0x0  }
0xa6: {  	[sflag:s7] =	ssyncadd.s32 s5;
	_ =	sdelay $0x1  }
0xa7: {  	s23 =	simm.s32 $0x1B8B  }
0xa8: {  	_ =	swait.ge [sflag:s23], $0x1  }
0xa9: {  	[sflag:s23] =	ssyncset.done $0x0  }
0xaa: {  	[sflag:s23] =	ssyncadd.s32 $0xFFFFFFFF  }
0xab: {  	s5 =	sld [smem:$0x0]  }
0xac: {  	s6 =	sand.u32 $0xFFFFFFFE, s1  }
0xad: {  	p0 =	sne.s32 s1, s6  }
0xae: {  	s6 =	sshll.u32 @p0 s6, $0xE  }
0xaf: {  	s6 =	sadd.s32 @p0 $0x11B8D, s6;
	s7 =	sshll.u32 @p0 s5, $0x11  }
0xb0: {  	s6 =	sor.u32 @p0 s7, s6  }
0xb1: {  	[sflag:s6] =	ssyncadd.remote.s32 @p0 $0x1;
	_ =	sdelay $0x1  }
0xb2: {  	s6 =	simm.s32 @p0 $0x1B8D  }
0xb3: {  	_ =	swait.eq @p0 [sflag:s6], $0x1  }
0xb4: {  	[sflag:s6] =	ssyncadd.s32 @p0 $0xFFFFFFFF  }
0xb5: {  	s7 =	sshll.u32 @!p0 s1, $0xE  }
0xb6: {  	s7 =	sor.u32 @!p0 $0x4000, s7;
	s6 =	simm.s32 @!p0 $0x1B8D  }
0xb7: {  	s5 =	sshll.u32 @!p0 s5, $0x11;
	s7 =	sadd.s32 @!p0 $0x11B8D, s7;
	_ =	swait.eq @!p0 [sflag:s6], $0x1  }
0xb8: {  	s5 =	sor.u32 @!p0 s5, s7;
	[sflag:s6] =	ssyncadd.s32 @!p0 $0xFFFFFFFF  }
0xb9: {  	s25 =	simm.s32 $0x1B8E;
	s24 =	sld [smem:$0x3FFE];
	[sflag:s5] =	ssyncadd.remote.s32 @!p0 $0x1  }
0xba: {  	s26 =	simm.s32 $execute0_lowered;
	[smem:$0x3FD2] =	sst s25  }
0xbb: {  	s6 =	sshll.u32 s26, $0x1;
	_ =	strace $0x80000064;
	[dreg:$0x1] =	wrdreg $0xFFFFFFFF  }
0xbc: {  	s28 =	simm.s32 $_size_execute0_lowered;
	s4 =	sadd.s32 s4, s6;
	[dreg:$0x0] =	wrdreg $0x0  }
0xbd: {  	s6 =	sshll.u32 s28, $0x1;
	[dreg:$0x2] =	wrdreg s4  }
0xbe: {  	[dreg:$0x3] =	wrdreg s6  }
0xbf: {  	[dreg:$0x4] =	wrdreg $0xC0  }
0xc0: {  	_ =	task [dreg:s22], $0x5FFFF  }
0xc1: {  	[dreg:$0x1] =	wrdreg $0xFFFFFFFF  }
0xc2: {  	[dreg:$0x0] =	wrdreg $0x60  }
0xc3: {  	[dreg:$0x2] =	wrdreg s17  }
0xc4: {  	[dreg:$0x3] =	wrdreg s24  }
0xc5: {  	[dreg:$0x4] =	wrdreg $0xB  }
0xc6: {  	_ =	task.clear_ibuf [dreg:s22], $0x5FFFF;
	_ =	strace $0x90000064  }
0xc7: {  	s29 =	simm.s32 $0xB;
	_ =	strace $0x80000066  }
0xc8: {  	_ =	swait.ge [sflag:s29], $0x1  }
0xc9: {  	[sflag:s29] =	ssyncadd.s32 $0xFFFFFFFF  }
0xca: {  	_ =	strace $0x90000066  }
0xcb: {  	_ =	sfence  }
0xcc: {  	s30 =	sld [smem:$0x0];
	_ =	sdelay $0x2  }
0xcd: {  	s31 =	sshll.u32 s1, $0xD;
	s1 =	sshrl.u32 s1, $0x2  }
0xce: {  	s4 =	sand.u32 $0x4000, s31;
	s1 =	sadd.s32 s1, s30  }
0xcf: {  	s0 =	sor.u32 s4, s0;
	s1 =	sshll.u32 s1, $0x11  }
0xd0: {  	s0 =	sor.u32 s1, s0  }
0xd1: {  	s0 =	sadd.s32 $0x8F2B, s0  }
0xd2: {  	[sflag:s0] =	ssyncadd.remote.s32 $0x1  }
0xd3: {  	_ =	sfence.sel $0xFFFF  }
0xd4: {  	[dreg:$0x0] =	wrdreg $0xFFFFFFFF;
	(pc) =	sbr.abs _section_cstart, $3  }
0xd5: {  	[dreg:$0x1] =	wrdreg $0xFFFFFFFF  }
0xd6: {  	_ =	task.clear_ibuf [dreg:s22], $0x2FFFF;
	_ =	strace $0x9FFFFFFF  }
0xd7: {  	(tm) =	ssettm $0x7FFFFFFF  }
tec
execute0_lowered:
.L_overlay_start_1:
0x0: {  	(tag) =	ssettag $0x1  }
0x1: {  	s2 =	rddreg [dreg:$0x0]  }
0x2: {  	s7 =	rddreg [dreg:$0x1]  }
0x3: {  	s0 =	rddreg [dreg:$0x2]  }
0x4: {  	s1 =	srdreg.scid;
	_ =	strace $0x80000065;
	s4 =	simm.s32 $0x1  }
0x5: {  	s9 =	simm.s32 $0x3;
	s12 =	simm.s32 $0x0;
	s5 =	sshll.u32 s1, $0x4  }
.Ltmp0:
0x6: {  	s1 =	stileid.u32;
	s5 =	sand.u32 $0x10, s5;
	(pc) =	sbr.rel .LBB2_1-.Ltmp0, $4  }
0x7: {  	s10 =	simm.s32 $0x0;
	s3 =	sadd.s32 $0x34200, s7;
	s6 =	sor.u32 s1, s5  }
0x8: {  	[sflag:s4] =	ssyncpa.u1 $0x0;
	s5 =	simm.s32 $0x2;
	s6 =	sshll.u32 s6, $0x6  }
0x9: {  	s7 =	sadd.s32 $0x2C200, s7;
	[sflag:s5] =	ssyncpa.u1 $0x0;
	s8 =	sadd.s32 $0x40, s6  }
0xa: {  	vm0 =	vmmov $0xff;
	vm1 =	vcmask $0x3F20;
	[sflag:s9] =	ssyncpa.u1 $0x0;
	s9 =	simm.s32 $0x40;
	s11 =	smov.u32 s6  }
.LBB2_9:
0xb: {  	p0 =	seq.s32 s10, $0x2  }
.Ltmp1:
0xc: {  	_ = 	snop;
	(pc) =	sbr.rel @p0 .LBB2_11-.Ltmp1, $1  }
0xd: {  	_ =	sdelay $0x3  }
.LBB2_10:
0xe: {  	s12 =	sadd.s32 $0x40, s11  }
0xf: {  	s13 =	smov.u32 s6;
	p0 =	slt.s32 s12, s8  }
0x10: {  	s13 =	smov.u32 @p0 s12  }
0x11: {  	s10 =	sadd.s32 $0x1, s10;
	s12 =	smov.u32 s11;
	s11 =	smov.u32 s13  }
.LBB2_1:
0x12: {  	p0 =	sne.s32 s10, $0x0  }
.Ltmp2:
0x13: {  	_ = 	snop;
	(pc) =	sbr.rel @!p0 .LBB2_2-.Ltmp2, $1  }
0x14: {  	_ =	sdelay $0x3  }
0x15: {  	s13 =	sand.u32 $0x1, s10  }
0x16: {  	p0 =	seq.s32 s13, $0x0  }
.Ltmp3:
0x17: {  	_ = 	snop;
	(pc) =	sbr.rel @p0 .LBB2_9-.Ltmp3, $1  }
0x18: {  	_ =	sdelay $0x3  }
0x19: {  	_ =	swait.ge [sflag:s5], $0x40  }
0x1a: {  	[sflag:s5] =	ssyncset.done $0x0  }
0x1b: {  	s13 =	simm.s32 $0x0;
	[sflag:s5] =	ssyncadd.s32 $0xFFFFFFC0  }
0x1c: {  	v0 =	vld.msk [tilespmem:s13+$0x40 ss:$0x1], $0xffff;
	_ =	sdelay $0x4  }
0x1d: {  	v1 =	vshll.u32 v0, $0x4  }
0x1e: {  	vm2 =	veq.s32 v0, $0x80000000;
	v0 =	vshll.u32 v0, $0xF;
	v1 =	vand.u32 $0x7F80, v1  }
0x1f: {  	v0 =	vand.u32 $0x38000, v0;
	v1 =	vsel vm2, $0xFFFFFF80, v1  }
0x20: {  	v0 =	vsel vm2, $0xFFFF8000, v0;
	v2 =	vand.u32 $0xFFFFFC00, v1  }
0x21: {  	v1 =	vand.u32 $0x380, v1;
	v0 =	vadd.s32 v0, v2  }
0x22: {  	v0 =	vor.u32 v1, v0  }
0x23: {  	v0 =	vshrl.u32 v0, $0x3;
	_ =	sdelay $0x3  }
0x24: {  	s13 =	simm.s32 $0x2080  }
0x25: {  	[tilespmem:s13], [sflag:$0x1] =	stream.indirect_vreg.gather [hbm:s2], $0x80, v0, vm0, $0x38;
	[tilespmem:$0x4080] =	vst v63  }
0x26: {  	s14 =	simm.s32 $0x2480;
	s31 =	simm.s32 $0x10  }
0x27: {  	[tilespmem:s14], [sflag:$0x1] =	stream.indirect_vreg.gather [hbm:s2], $0x80, v0, vm1, $0x38;
	[tilespmem:$0x4080] =	vst v63  }
0x28: {  	s14 =	simm.s32 $0x80;
	v0 =	vld.msk [tilespmem:s31+$0x40 ss:$0x1], $0xffff  }
.LBB2_5:
0x29: {  	p0 =	sne.s32 s14, $0xC0;
	_ =	sdelay $0x4  }
0x2a: {  	v1 =	vshll.u32 v0, $0x4  }
0x2b: {  	vm2 =	veq.s32 v0, $0x80000000;
	v0 =	vshll.u32 v0, $0xF;
	v1 =	vand.u32 $0x7F80, v1  }
0x2c: {  	v0 =	vand.u32 $0x38000, v0;
	v1 =	vsel vm2, $0xFFFFFF80, v1  }
0x2d: {  	v0 =	vsel vm2, $0xFFFF8000, v0;
	v2 =	vand.u32 $0xFFFFFC00, v1  }
0x2e: {  	v1 =	vand.u32 $0x380, v1;
	v0 =	vadd.s32 v0, v2  }
0x2f: {  	v0 =	vor.u32 v1, v0  }
0x30: {  	v0 =	vshrl.u32 v0, $0x3;
	_ =	sdelay $0x3  }
.Ltmp4:
0x31: {  	s13 =	sadd.s32 $0x800, s13;
	(pc) =	sbr.rel @p0 .LBB2_5-.Ltmp4, $4  }
0x32: {  	[tilespmem:s13], [sflag:$0x1] =	stream.indirect_vreg.gather [hbm:s2], $0x80, v0, vm0, $0x38;
	[tilespmem:$0x4080] =	vst v63  }
0x33: {  	s15 =	sshra.s32 s14, $0x2;
	s16 =	sadd.s32 $0x400, s13  }
0x34: {  	[tilespmem:s16], [sflag:$0x1] =	stream.indirect_vreg.gather [hbm:s2], $0x80, v0, vm1, $0x38;
	[tilespmem:$0x4080] =	vst v63  }
0x35: {  	s14 =	sadd.s32 $0x40, s14;
	v0 =	vld.msk [tilespmem:s15+$0x40 ss:$0x1], $0xffff  }
0x36: {  	_ =	sdelay $0x3  }
0x37: {  	v1 =	vshll.u32 v0, $0x4  }
0x38: {  	vm2 =	veq.s32 v0, $0x80000000;
	v63 =	vshll.u32 v0, $0xF;
	v1 =	vand.u32 $0x7F80, v1  }
0x39: {  	v0 =	vand.u32 $0x38000, v63;
	v1 =	vsel vm2, $0xFFFFFF80, v1  }
0x3a: {  	v0 =	vsel vm2, $0xFFFF8000, v0;
	v2 =	vand.u32 $0xFFFFFC00, v1  }
0x3b: {  	v1 =	vand.u32 $0x380, v1;
	v0 =	vadd.s32 v0, v2  }
0x3c: {  	v0 =	vor.u32 v1, v0  }
0x3d: {  	v0 =	vshrl.u32 v0, $0x3;
	_ =	sdelay $0x3  }
0x3e: {  	s13 =	sadd.s32 $0x800, s13  }
0x3f: {  	[tilespmem:s13], [sflag:$0x1] =	stream.indirect_vreg.gather [hbm:s2], $0x80, v0, vm0, $0x38;
	[tilespmem:$0x4080] =	vst v63  }
0x40: {  	s13 =	sadd.s32 $0x400, s13  }
0x41: {  	[tilespmem:s13], [sflag:$0x1] =	stream.indirect_vreg.gather [hbm:s2], $0x80, v0, vm1, $0x38;
	[tilespmem:$0x4080] =	vst v63  }
0x42: {  	s12 =	sshll.u32 s12, $0x4;
	s14 =	simm.s32 $0x80;
	_ =	swait.ge [sflag:s4], $0x2000  }
0x43: {  	s15 =	simm.s32 $0x2480;
	s12 =	sadd.s32 s12, s7;
	[sflag:s4] =	ssyncset.done $0x0  }
0x44: {  	s16 =	sadd.s32 $0x0, s12;
	s13 =	simm.s32 $0x2080;
	[sflag:s4] =	ssyncadd.s32 $0xFFFFE000  }
.LBB2_7:
0x45: {  	[hbm:s16] =	stream.linear.scatter [tilespmem:s13], [sflag:$0x3], $0x400, $0x38;
	[tilespmem:$0x4080] =	vst v63  }
0x46: {  	s16 =	smov.u32 s14;
	s13 =	smov.u32 s15;
	p0 =	sne.s32 s14, $0x380  }
.Ltmp5:
0x47: {  	s14 =	sadd.s32 $0x80, s14;
	(pc) =	sbr.rel @p0 .LBB2_7-.Ltmp5, $2  }
0x48: {  	_ =	sdelay $0x2  }
0x49: {  	s15 =	sadd.s32 $0x400, s15;
	s16 =	sadd.s32 s16, s12  }
.Ltmp6:
0x4a: {  	(pc) =	sbr.rel .LBB2_9-.Ltmp6, $2  }
0x4b: {  	_ =	sdelay $0x2  }
0x4c: {  	[hbm:s16] =	stream.linear.scatter [tilespmem:s13], [sflag:$0x3], $0x400, $0x38;
	[tilespmem:$0x4080] =	vst v63  }
.LBB2_2:
.Ltmp7:
0x4d: {  	(pc) =	sbr.rel .LBB2_10-.Ltmp7, $4  }
0x4e: {  	_ = 	snop  }
0x4f: {  	s12 =	sshrl.u32 s11, $0x3  }
0x50: {  	s13 =	sand.u32 $0x7, s11;
	s12 =	sadd.s32 s3, s12  }
0x51: {  	[tilespmem:s9], [sflag:$0x2] =	stream.linear.gather [hbm4b:s12+s13], $0x40, $0x38;
	[tilespmem:$0x4080] =	vst v63  }
.LBB2_11:
0x52: {  	s2 =	simm.s32 $0x3  }
0x53: {  	_ =	swait.ge [sflag:s2], $0x2000  }
0x54: {  	[sflag:s2] =	ssyncset.done $0x0  }
0x55: {  	[sflag:s2] =	ssyncadd.s32 $0xFFFFE000  }
0x56: {  	_ =	sfence.sel $0x180000  }
0x57: {  	s3 =	simm.s32 $0x2;
	[bflag:$0x0] =	sbarrier.arrive $0xFFFF  }
0x58: {  	[sflag:s3] =	ssyncpa.u1 $0x1  }
0x59: {  	s31 =	simm.s32 $0x1;
	[sflag:s2] =	ssyncpa.u1 $0x1  }
0x5a: {  	[sflag:s31] =	ssyncpa.u1 $0x1  }
0x5b: {  	p0 =	sne.s32 s1, $0x0;
	_ =	strace $0x90000065  }
0x5c: {  	s0 =	sadd.s32 @!p0 $0x100000, s0;
	[bflag:$0x2] =	sbarrier.arrive $0xFFFF  }
0x5d: {  	[sflag:s0] =	ssyncadd.tile.s32 @!p0 $0x1;
	_ =	shalt  }
.Lfunc_end2:
_tile_overlayer_lowered:
.L_overlay_start_2:
0x5e: {  	(tag) =	ssettag $0x2  }
0x5f: {  	s0 =	rddreg [dreg:$0x0];
	s2 =	stileid.u32  }
0x60: {  	s1 =	rddreg [dreg:$0x1];
	p0 =	sne.s32 s2, $0x0  }
0x61: {  	s3 =	rddreg [dreg:$0x2];
	[bflag:$0x3] =	sbarrier.arrive $0xFFFF;
	s2 =	simm.s32 @!p0 $0x1C01  }
0x62: {  	[timem:s3], [sflag:s2] =	dma.local @!p0 [hbm:s0], s1  }
0x63: {  	s0 =	simm.s32 @!p0 $0x1  }
0x64: {  	_ =	swait.ge @!p0 [sflag:s0], s1  }
0x65: {  	s1 =	ssub.s32 @!p0 $0x0, s1;
	[sflag:s0] =	ssyncset.done @!p0 $0x0  }
0x66: {  	[sflag:s0] =	ssyncadd.s32 @!p0 s1  }
0x67: {  	[bflag:$0x3] =	sbarrier.arrive $0xFFFF  }
0x68: {  	_ =	shalt  }

// kernel: gather_offload_async_start.7
scs
__scs_entry_jumppad:
0x0: {  	(pc) =	sbr.rel $0x88, $3  }
0x1: {  	(tag) =	ssettag $0x0;
	lr =	simm.s32 $0x1  }
0x2: {  	[smem:$0x3F9F] =	sst lr;
	_ =	strace $0xD0000000  }
0x3: {  	_ = 	snop  }
0x4: {  	_ = 	snop  }
0x5: {  	_ = 	snop  }
0x6: {  	_ = 	snop  }
0x7: {  	_ = 	snop  }
__scs_overlays_trampoline_lowered:
0x8: {  	[smem:$0x3FAE] =	sst s0  }
0x9: {  	[smem:$0x3FAF] =	sst s1  }
0xa: {  	[smem:$0x3FB0] =	sst s2  }
0xb: {  	[smem:$0x3FB1] =	sst s3  }
0xc: {  	[smem:$0x3FB2] =	sst s4  }
0xd: {  	[smem:$0x3FB3] =	sst s5  }
0xe: {  	[smem:$0x3FB4] =	sst s6  }
0xf: {  	[smem:$0x3FB5] =	sst s7  }
0x10: {  	[smem:$0x3FB6] =	sst s8  }
0x11: {  	[smem:$0x3FB7] =	sst s9;
	s0 =	simm.s32 @!p0 $0x0  }
0x12: {  	s1 =	sld [smem:$0x3F9D];
	s0 =	simm.s32 @p0 $0x1  }
0x13: {  	[smem:$0x3FB8] =	sst s0;
	s0 =	simm.s32 @!p1 $0x0  }
0x14: {  	s2 =	sld [smem:$0x3F9C];
	s0 =	simm.s32 @p1 $0x1  }
0x15: {  	[smem:$0x3FB9] =	sst s0;
	s0 =	simm.s32 @!p2 $0x0  }
0x16: {  	s3 =	sld [smem:$0x3FDB];
	s0 =	simm.s32 @p2 $0x1  }
0x17: {  	s4 =	simm.s32 $0x1BF5;
	[smem:$0x3FBB] =	sst s0  }
0x18: {  	s0 =	sld [smem:$0x3F9E];
	_ =	swait.ge [sflag:s4], $0x0  }
0x19: {  	s7 =	sld [smem:$0x3F9F]  }
0x1a: {  	s8 =	sadd.s32 $0xFFFFE003, lr  }
0x1b: {  	s9 =	sadd.s32 $0xFFFFFEF7, lr;
	s5 =	simm.s32 $0xFFFFFFFF;
	p2 =	slt.u32 s8, $0xFFFFF086  }
0x1c: {  	p1 =	slt.u32 s9, $0xF7A;
	s5 =	simm.s32 @!p2 $0x0  }
0x1d: {  	s5 =	simm.s32 @p1 $0x1;
	p0 =	seq.s32 s7, s2  }
0x1e: {  	s7 =	smul.u32 @!p0 $0xF7A, s2;
	p2 =	seq.s32 @!p0 s5, $0x0  }
0x1f: {  	s9 =	smul.u32 $0xF7A, s1;
	s8 =	simm.s32 @!p0 $0x1BF5;
	p2 =	por !p2, p0  }
0x20: {  	[sflag:s8] =	ssyncset.s32 @!p0 $0xFFFFF086;
	s6 =	sadd.s32 @!p0 s3, s7;
	s7 =	simm.s32 @!p0 $0x108  }
0x21: {  	s3 =	sadd.s32 s3, s9;
	s6 =	sadd.s32 @!p0 $0x88, s6;
	s7 =	simm.s32 @p2 $0x1082  }
0x22: {  	[simem:s7], [sflag:s8] =	dma.local @!p0 [hbm:s6], $0xF7A  }
0x23: {  	s9 =	sor.u32 $0xD0000000, s2;
	s6 =	simm.s32 $0x108;
	_ =	swait.ge @!p0 [sflag:s8], $0x0  }
0x24: {  	s3 =	sadd.s32 $0x88, s3;
	s6 =	simm.s32 @!p1 $0x1082;
	[sflag:s4] =	ssyncset.s32 $0xFFFFF086  }
0x25: {  	[simem:s6], [sflag:s4] =	dma.local [hbm:s3], $0xF7A  }
0x26: {  	[smem:$0x3F9F] =	sst s1;
	(tag) =	ssettag s2;
	_ =	strace s9  }
0x27: {  	s1 =	sld [smem:$0x3FAF]  }
0x28: {  	s2 =	sld [smem:$0x3FB0]  }
0x29: {  	s4 =	sld [smem:$0x3FB2]  }
0x2a: {  	p0 =	seq.s32 s5, $0x0;
	s5 =	sld [smem:$0x3FB3]  }
0x2b: {  	s6 =	sld [smem:$0x3FB4]  }
0x2c: {  	s7 =	sld [smem:$0x3FB5]  }
0x2d: {  	s3 =	simm.s32 $0x108;
	s8 =	sld [smem:$0x3FB6]  }
0x2e: {  	s3 =	simm.s32 @!p0 $0x1082;
	s9 =	sld [smem:$0x3FB7]  }
0x2f: {  	lr =	sadd.s32 s0, s3;
	s0 =	sld [smem:$0x3FAE]  }
0x30: {  	s3 =	sld [smem:$0x3FB1]  }
0x31: {  	[smem:$0x3FBA] =	sst s10  }
0x32: {  	s10 =	sld [smem:$0x3FB8];
	_ =	sdelay $0x3  }
0x33: {  	p0 =	seq.s32 s10, $0x1;
	s10 =	sld [smem:$0x3FBA];
	_ =	sdelay $0x3  }
0x34: {  	[smem:$0x3FBA] =	sst s10  }
0x35: {  	s10 =	sld [smem:$0x3FB9];
	_ =	sdelay $0x3  }
0x36: {  	p1 =	seq.s32 s10, $0x1;
	s10 =	sld [smem:$0x3FBA];
	_ =	sdelay $0x3  }
0x37: {  	[smem:$0x3FBA] =	sst s10  }
0x38: {  	s10 =	sld [smem:$0x3FBB]  }
0x39: {  	_ = 	snop;
	(pc) =	sbr.ind lr, $3  }
0x3a: {  	_ = 	snop  }
0x3b: {  	_ = 	snop  }
0x3c: {  	p2 =	seq.s32 s10, $0x1;
	s10 =	sld [smem:$0x3FBA]  }
0x3d: {  	_ =	shalt  }
0x3e: {  	_ =	shalt  }
0x3f: {  	_ =	shalt  }
0x40: {  	_ =	shalt  }
0x41: {  	_ =	shalt  }
0x42: {  	_ =	shalt  }
0x43: {  	_ =	shalt  }
0x44: {  	_ =	shalt  }
0x45: {  	_ =	shalt  }
0x46: {  	_ =	shalt  }
0x47: {  	_ =	shalt  }
0x48: {  	_ =	shalt  }
0x49: {  	_ =	shalt  }
0x4a: {  	_ =	shalt  }
0x4b: {  	_ =	shalt  }
0x4c: {  	_ =	shalt  }
0x4d: {  	_ =	shalt  }
0x4e: {  	_ =	shalt  }
0x4f: {  	_ =	shalt  }
0x50: {  	_ =	shalt  }
0x51: {  	_ =	shalt  }
0x52: {  	_ =	shalt  }
0x53: {  	_ =	shalt  }
0x54: {  	_ =	shalt  }
0x55: {  	_ =	shalt  }
0x56: {  	_ =	shalt  }
0x57: {  	_ =	shalt  }
0x58: {  	_ =	shalt  }
0x59: {  	_ =	shalt  }
0x5a: {  	_ =	shalt  }
0x5b: {  	_ =	shalt  }
0x5c: {  	_ =	shalt  }
0x5d: {  	_ =	shalt  }
0x5e: {  	_ =	shalt  }
0x5f: {  	_ =	shalt  }
0x60: {  	_ =	shalt  }
0x61: {  	_ =	shalt  }
0x62: {  	_ =	shalt  }
0x63: {  	_ =	shalt  }
0x64: {  	_ =	shalt  }
0x65: {  	_ =	shalt  }
0x66: {  	_ =	shalt  }
0x67: {  	_ =	shalt  }
0x68: {  	_ =	shalt  }
0x69: {  	_ =	shalt  }
0x6a: {  	_ =	shalt  }
0x6b: {  	_ =	shalt  }
0x6c: {  	_ =	shalt  }
0x6d: {  	_ =	shalt  }
0x6e: {  	_ =	shalt  }
0x6f: {  	_ =	shalt  }
0x70: {  	_ =	shalt  }
0x71: {  	_ =	shalt  }
0x72: {  	_ =	shalt  }
0x73: {  	_ =	shalt  }
0x74: {  	_ =	shalt  }
0x75: {  	_ =	shalt  }
0x76: {  	_ =	shalt  }
0x77: {  	_ =	shalt  }
0x78: {  	_ =	shalt  }
0x79: {  	_ =	shalt  }
0x7a: {  	_ =	shalt  }
0x7b: {  	_ =	shalt  }
0x7c: {  	_ =	shalt  }
0x7d: {  	_ =	shalt  }
0x7e: {  	_ =	shalt  }
0x7f: {  	_ =	shalt  }
0x80: {  	_ =	shalt  }
0x81: {  	_ =	shalt  }
0x82: {  	_ =	shalt  }
0x83: {  	_ =	shalt  }
0x84: {  	_ =	shalt  }
0x85: {  	_ =	shalt  }
0x86: {  	_ =	shalt  }
0x87: {  	_ =	shalt  }
.Lfunc_end0:
.L_simem_size_0:
called_computation.9_lowered:
.L_overlay_start_0:
0x88: {  	s2 =	sld [smem:$0x3FD9]  }
0x89: {  	s3 =	sld [smem:$0x3FFE];
	_ =	sdelay $0x1  }
0x8a: {  	s1 =	srdreg.scid  }
0x8b: {  	s0 =	sand.u32 $0x1, s1  }
0x8c: {  	s17 =	sshll.u32 s0, $0xA;
	s2 =	sadd.s32 s3, s2  }
0x8d: {  	s2 =	sadd.s32 s2, s17  }
0x8e: {  	[smem:$0x3FC6] =	sst s2  }
0x8f: {  	_ = 	snop  }
0x90: {  	(tm) =	ssettm $0x1  }
0x91: {  	s18 =	sld [smem:$0x3FFB];
	_ =	sdelay $0x3  }
0x92: {  	_ =	strace s18  }
0x93: {  	s2 =	sld [smem:$0x3FFC];
	_ =	sdelay $0x3  }
0x94: {  	_ =	strace s2  }
0x95: {  	s2 =	sld [smem:$0x3FFD];
	_ =	sdelay $0x3  }
0x96: {  	_ =	strace s2  }
0x97: {  	_ =	strace $0x8FFFFFFF  }
0x98: {  	s19 =	sld [smem:$0x3FDB];
	_ =	sdelay $0x1  }
0x99: {  	s20 =	simm.s32 $_scs_section_size  }
0x9a: {  	s4 =	simm.s32 $_size__tile_overlayer_lowered;
	s5 =	simm.s32 $_tile_overlayer_lowered  }
0x9b: {  	s6 =	simm.s32 $0x1BFF;
	s21 =	sshll.u32 s5, $0x1;
	s3 =	sadd.s32 s20, s19  }
0x9c: {  	s22 =	simm.s32 $0x0;
	s4 =	sshll.u32 s4, $0x1;
	s5 =	sadd.s32 s21, s3  }
0x9d: {  	[timem:s22], [sflag:s6] =	dma.local [hbm:s5], s4  }
0x9e: {  	_ =	swait.ge [sflag:s6], s4  }
0x9f: {  	s4 =	ssub.s32 $0x0, s4;
	[sflag:s6] =	ssyncset.done $0x0  }
0xa0: {  	[sflag:s6] =	ssyncadd.s32 s4;
	_ =	sdelay $0x1  }
0xa1: {  	s23 =	simm.s32 $0x1B8B  }
0xa2: {  	_ =	swait.ge [sflag:s23], $0x1  }
0xa3: {  	[sflag:s23] =	ssyncset.done $0x0  }
0xa4: {  	[sflag:s23] =	ssyncadd.s32 $0xFFFFFFFF  }
0xa5: {  	s4 =	sld [smem:$0x0]  }
0xa6: {  	s5 =	sand.u32 $0xFFFFFFFE, s1  }
0xa7: {  	p0 =	sne.s32 s1, s5  }
0xa8: {  	s5 =	sshll.u32 @p0 s5, $0xE  }
0xa9: {  	s5 =	sadd.s32 @p0 $0x11B8D, s5;
	s6 =	sshll.u32 @p0 s4, $0x11  }
0xaa: {  	s5 =	sor.u32 @p0 s6, s5  }
0xab: {  	[sflag:s5] =	ssyncadd.remote.s32 @p0 $0x1;
	_ =	sdelay $0x1  }
0xac: {  	s5 =	simm.s32 @p0 $0x1B8D  }
0xad: {  	_ =	swait.eq @p0 [sflag:s5], $0x1  }
0xae: {  	[sflag:s5] =	ssyncadd.s32 @p0 $0xFFFFFFFF  }
0xaf: {  	s6 =	sshll.u32 @!p0 s1, $0xE  }
0xb0: {  	s6 =	sor.u32 @!p0 $0x4000, s6;
	s5 =	simm.s32 @!p0 $0x1B8D  }
0xb1: {  	s4 =	sshll.u32 @!p0 s4, $0x11;
	s6 =	sadd.s32 @!p0 $0x11B8D, s6;
	_ =	swait.eq @!p0 [sflag:s5], $0x1  }
0xb2: {  	s4 =	sor.u32 @!p0 s4, s6;
	[sflag:s5] =	ssyncadd.s32 @!p0 $0xFFFFFFFF  }
0xb3: {  	s25 =	simm.s32 $0x1B8E;
	s24 =	sld [smem:$0x3FFE];
	[sflag:s4] =	ssyncadd.remote.s32 @!p0 $0x1  }
0xb4: {  	s26 =	simm.s32 $execute0_lowered;
	[smem:$0x3FD2] =	sst s25  }
0xb5: {  	s5 =	sshll.u32 s26, $0x1;
	_ =	strace $0x80000061;
	[dreg:$0x1] =	wrdreg $0xFFFFFFFF  }
0xb6: {  	s28 =	simm.s32 $_size_execute0_lowered;
	s3 =	sadd.s32 s3, s5;
	[dreg:$0x0] =	wrdreg $0x0  }
0xb7: {  	s5 =	sshll.u32 s28, $0x1;
	[dreg:$0x2] =	wrdreg s3  }
0xb8: {  	[dreg:$0x3] =	wrdreg s5  }
0xb9: {  	[dreg:$0x4] =	wrdreg $0xC0  }
0xba: {  	_ =	task [dreg:s22], $0x5FFFF  }
0xbb: {  	[dreg:$0x1] =	wrdreg $0xFFFFFFFF  }
0xbc: {  	[dreg:$0x0] =	wrdreg $0x60  }
0xbd: {  	[dreg:$0x2] =	wrdreg s24  }
0xbe: {  	[dreg:$0x3] =	wrdreg $0x9  }
0xbf: {  	_ =	task.clear_ibuf [dreg:s22], $0x4FFFF;
	_ =	strace $0x90000061  }
0xc0: {  	s29 =	simm.s32 $0x9;
	_ =	strace $0x80000063  }
0xc1: {  	_ =	swait.ge [sflag:s29], $0x1  }
0xc2: {  	[sflag:s29] =	ssyncadd.s32 $0xFFFFFFFF  }
0xc3: {  	_ =	strace $0x90000063  }
0xc4: {  	_ =	sfence  }
0xc5: {  	s30 =	sld [smem:$0x0];
	_ =	sdelay $0x2  }
0xc6: {  	s31 =	sshll.u32 s1, $0xD;
	s1 =	sshrl.u32 s1, $0x2  }
0xc7: {  	s4 =	sand.u32 $0x4000, s31;
	s1 =	sadd.s32 s1, s30  }
0xc8: {  	s0 =	sor.u32 s4, s0;
	s1 =	sshll.u32 s1, $0x11  }
0xc9: {  	s0 =	sor.u32 s1, s0  }
0xca: {  	s0 =	sadd.s32 $0x8F2B, s0  }
0xcb: {  	[sflag:s0] =	ssyncadd.remote.s32 $0x1  }
0xcc: {  	_ =	sfence.sel $0xFFFF  }
0xcd: {  	[dreg:$0x0] =	wrdreg $0xFFFFFFFF;
	(pc) =	sbr.abs _section_cstart, $3  }
0xce: {  	[dreg:$0x1] =	wrdreg $0xFFFFFFFF  }
0xcf: {  	_ =	task.clear_ibuf [dreg:s22], $0x2FFFF;
	_ =	strace $0x9FFFFFFF  }
0xd0: {  	(tm) =	ssettm $0x7FFFFFFF  }
0xd1: {  	_ =	shalt  }
tec
execute0_lowered:
.L_overlay_start_1:
0x0: {  	(tag) =	ssettag $0x1  }
0x1: {  	s2 =	rddreg [dreg:$0x0]  }
0x2: {  	s0 =	rddreg [dreg:$0x1]  }
0x3: {  	s1 =	srdreg.scid;
	_ =	strace $0x80000062;
	s4 =	simm.s32 $0x1  }
0x4: {  	s9 =	simm.s32 $0x3;
	s12 =	simm.s32 $0x0;
	s5 =	sshll.u32 s1, $0x4  }
.Ltmp0:
0x5: {  	s1 =	stileid.u32;
	s5 =	sand.u32 $0x10, s5;
	(pc) =	sbr.rel .LBB2_1-.Ltmp0, $4  }
0x6: {  	s10 =	simm.s32 $0x0;
	s3 =	sadd.s32 $0x34200, s2;
	s6 =	sor.u32 s1, s5  }
0x7: {  	[sflag:s4] =	ssyncpa.u1 $0x0;
	s5 =	simm.s32 $0x2;
	s6 =	sshll.u32 s6, $0x6  }
0x8: {  	s7 =	sadd.s32 $0x24200, s2;
	[sflag:s5] =	ssyncpa.u1 $0x0;
	s8 =	sadd.s32 $0x40, s6  }
0x9: {  	vm0 =	vmmov $0xff;
	vm1 =	vcmask $0x3F20;
	[sflag:s9] =	ssyncpa.u1 $0x0;
	s9 =	simm.s32 $0x40;
	s11 =	smov.u32 s6  }
.LBB2_9:
0xa: {  	p0 =	seq.s32 s10, $0x2  }
.Ltmp1:
0xb: {  	_ = 	snop;
	(pc) =	sbr.rel @p0 .LBB2_11-.Ltmp1, $1  }
0xc: {  	_ =	sdelay $0x3  }
.LBB2_10:
0xd: {  	s12 =	sadd.s32 $0x40, s11  }
0xe: {  	s13 =	smov.u32 s6;
	p0 =	slt.s32 s12, s8  }
0xf: {  	s13 =	smov.u32 @p0 s12  }
0x10: {  	s10 =	sadd.s32 $0x1, s10;
	s12 =	smov.u32 s11;
	s11 =	smov.u32 s13  }
.LBB2_1:
0x11: {  	p0 =	sne.s32 s10, $0x0  }
.Ltmp2:
0x12: {  	_ = 	snop;
	(pc) =	sbr.rel @!p0 .LBB2_2-.Ltmp2, $1  }
0x13: {  	_ =	sdelay $0x3  }
0x14: {  	s13 =	sand.u32 $0x1, s10  }
0x15: {  	p0 =	seq.s32 s13, $0x0  }
.Ltmp3:
0x16: {  	_ = 	snop;
	(pc) =	sbr.rel @p0 .LBB2_9-.Ltmp3, $1  }
0x17: {  	_ =	sdelay $0x3  }
0x18: {  	_ =	swait.ge [sflag:s5], $0x40  }
0x19: {  	[sflag:s5] =	ssyncset.done $0x0  }
0x1a: {  	s13 =	simm.s32 $0x0;
	[sflag:s5] =	ssyncadd.s32 $0xFFFFFFC0  }
0x1b: {  	v0 =	vld.msk [tilespmem:s13+$0x40 ss:$0x1], $0xffff;
	_ =	sdelay $0x4  }
0x1c: {  	v1 =	vshll.u32 v0, $0x4  }
0x1d: {  	vm2 =	veq.s32 v0, $0x80000000;
	v0 =	vshll.u32 v0, $0xF;
	v1 =	vand.u32 $0x7F80, v1  }
0x1e: {  	v0 =	vand.u32 $0x38000, v0;
	v1 =	vsel vm2, $0xFFFFFF80, v1  }
0x1f: {  	v0 =	vsel vm2, $0xFFFF8000, v0;
	v2 =	vand.u32 $0xFFFFFC00, v1  }
0x20: {  	v1 =	vand.u32 $0x380, v1;
	v0 =	vadd.s32 v0, v2  }
0x21: {  	v0 =	vor.u32 v1, v0  }
0x22: {  	v0 =	vshrl.u32 v0, $0x3;
	_ =	sdelay $0x3  }
0x23: {  	s13 =	simm.s32 $0x2080  }
0x24: {  	[tilespmem:s13], [sflag:$0x1] =	stream.indirect_vreg.gather [hbm:s2], $0x80, v0, vm0, $0x38;
	[tilespmem:$0x4080] =	vst v63  }
0x25: {  	s14 =	simm.s32 $0x2480;
	s31 =	simm.s32 $0x10  }
0x26: {  	[tilespmem:s14], [sflag:$0x1] =	stream.indirect_vreg.gather [hbm:s2], $0x80, v0, vm1, $0x38;
	[tilespmem:$0x4080] =	vst v63  }
0x27: {  	s14 =	simm.s32 $0x80;
	v0 =	vld.msk [tilespmem:s31+$0x40 ss:$0x1], $0xffff  }
.LBB2_5:
0x28: {  	p0 =	sne.s32 s14, $0xC0;
	_ =	sdelay $0x4  }
0x29: {  	v1 =	vshll.u32 v0, $0x4  }
0x2a: {  	vm2 =	veq.s32 v0, $0x80000000;
	v0 =	vshll.u32 v0, $0xF;
	v1 =	vand.u32 $0x7F80, v1  }
0x2b: {  	v0 =	vand.u32 $0x38000, v0;
	v1 =	vsel vm2, $0xFFFFFF80, v1  }
0x2c: {  	v0 =	vsel vm2, $0xFFFF8000, v0;
	v2 =	vand.u32 $0xFFFFFC00, v1  }
0x2d: {  	v1 =	vand.u32 $0x380, v1;
	v0 =	vadd.s32 v0, v2  }
0x2e: {  	v0 =	vor.u32 v1, v0  }
0x2f: {  	v0 =	vshrl.u32 v0, $0x3;
	_ =	sdelay $0x3  }
.Ltmp4:
0x30: {  	s13 =	sadd.s32 $0x800, s13;
	(pc) =	sbr.rel @p0 .LBB2_5-.Ltmp4, $4  }
0x31: {  	[tilespmem:s13], [sflag:$0x1] =	stream.indirect_vreg.gather [hbm:s2], $0x80, v0, vm0, $0x38;
	[tilespmem:$0x4080] =	vst v63  }
0x32: {  	s15 =	sshra.s32 s14, $0x2;
	s16 =	sadd.s32 $0x400, s13  }
0x33: {  	[tilespmem:s16], [sflag:$0x1] =	stream.indirect_vreg.gather [hbm:s2], $0x80, v0, vm1, $0x38;
	[tilespmem:$0x4080] =	vst v63  }
0x34: {  	s14 =	sadd.s32 $0x40, s14;
	v0 =	vld.msk [tilespmem:s15+$0x40 ss:$0x1], $0xffff  }
0x35: {  	_ =	sdelay $0x3  }
0x36: {  	v1 =	vshll.u32 v0, $0x4  }
0x37: {  	vm2 =	veq.s32 v0, $0x80000000;
	v63 =	vshll.u32 v0, $0xF;
	v1 =	vand.u32 $0x7F80, v1  }
0x38: {  	v0 =	vand.u32 $0x38000, v63;
	v1 =	vsel vm2, $0xFFFFFF80, v1  }
0x39: {  	v0 =	vsel vm2, $0xFFFF8000, v0;
	v2 =	vand.u32 $0xFFFFFC00, v1  }
0x3a: {  	v1 =	vand.u32 $0x380, v1;
	v0 =	vadd.s32 v0, v2  }
0x3b: {  	v0 =	vor.u32 v1, v0  }
0x3c: {  	v0 =	vshrl.u32 v0, $0x3;
	_ =	sdelay $0x3  }
0x3d: {  	s13 =	sadd.s32 $0x800, s13  }
0x3e: {  	[tilespmem:s13], [sflag:$0x1] =	stream.indirect_vreg.gather [hbm:s2], $0x80, v0, vm0, $0x38;
	[tilespmem:$0x4080] =	vst v63  }
0x3f: {  	s13 =	sadd.s32 $0x400, s13  }
0x40: {  	[tilespmem:s13], [sflag:$0x1] =	stream.indirect_vreg.gather [hbm:s2], $0x80, v0, vm1, $0x38;
	[tilespmem:$0x4080] =	vst v63  }
0x41: {  	s12 =	sshll.u32 s12, $0x4;
	s14 =	simm.s32 $0x80;
	_ =	swait.ge [sflag:s4], $0x2000  }
0x42: {  	s15 =	simm.s32 $0x2480;
	s12 =	sadd.s32 s12, s7;
	[sflag:s4] =	ssyncset.done $0x0  }
0x43: {  	s16 =	sadd.s32 $0x0, s12;
	s13 =	simm.s32 $0x2080;
	[sflag:s4] =	ssyncadd.s32 $0xFFFFE000  }
.LBB2_7:
0x44: {  	[hbm:s16] =	stream.linear.scatter [tilespmem:s13], [sflag:$0x3], $0x400, $0x38;
	[tilespmem:$0x4080] =	vst v63  }
0x45: {  	s16 =	smov.u32 s14;
	s13 =	smov.u32 s15;
	p0 =	sne.s32 s14, $0x380  }
.Ltmp5:
0x46: {  	s14 =	sadd.s32 $0x80, s14;
	(pc) =	sbr.rel @p0 .LBB2_7-.Ltmp5, $2  }
0x47: {  	_ =	sdelay $0x2  }
0x48: {  	s15 =	sadd.s32 $0x400, s15;
	s16 =	sadd.s32 s16, s12  }
.Ltmp6:
0x49: {  	(pc) =	sbr.rel .LBB2_9-.Ltmp6, $2  }
0x4a: {  	_ =	sdelay $0x2  }
0x4b: {  	[hbm:s16] =	stream.linear.scatter [tilespmem:s13], [sflag:$0x3], $0x400, $0x38;
	[tilespmem:$0x4080] =	vst v63  }
.LBB2_2:
.Ltmp7:
0x4c: {  	(pc) =	sbr.rel .LBB2_10-.Ltmp7, $4  }
0x4d: {  	_ = 	snop  }
0x4e: {  	s12 =	sshrl.u32 s11, $0x3  }
0x4f: {  	s13 =	sand.u32 $0x7, s11;
	s12 =	sadd.s32 s3, s12  }
0x50: {  	[tilespmem:s9], [sflag:$0x2] =	stream.linear.gather [hbm4b:s12+s13], $0x40, $0x38;
	[tilespmem:$0x4080] =	vst v63  }
.LBB2_11:
0x51: {  	s2 =	simm.s32 $0x3  }
0x52: {  	_ =	swait.ge [sflag:s2], $0x2000  }
0x53: {  	[sflag:s2] =	ssyncset.done $0x0  }
0x54: {  	[sflag:s2] =	ssyncadd.s32 $0xFFFFE000  }
0x55: {  	_ =	sfence.sel $0x180000  }
0x56: {  	s3 =	simm.s32 $0x2;
	[bflag:$0x0] =	sbarrier.arrive $0xFFFF  }
0x57: {  	[sflag:s3] =	ssyncpa.u1 $0x1  }
0x58: {  	s31 =	simm.s32 $0x1;
	[sflag:s2] =	ssyncpa.u1 $0x1  }
0x59: {  	[sflag:s31] =	ssyncpa.u1 $0x1  }
0x5a: {  	p0 =	sne.s32 s1, $0x0;
	_ =	strace $0x90000062  }
0x5b: {  	s0 =	sadd.s32 @!p0 $0x100000, s0;
	[bflag:$0x2] =	sbarrier.arrive $0xFFFF  }
0x5c: {  	[sflag:s0] =	ssyncadd.tile.s32 @!p0 $0x1;
	_ =	shalt  }
.Lfunc_end2:
_tile_overlayer_lowered:
.L_overlay_start_2:
0x5d: {  	(tag) =	ssettag $0x2  }
0x5e: {  	s0 =	rddreg [dreg:$0x0];
	s2 =	stileid.u32  }
0x5f: {  	s1 =	rddreg [dreg:$0x1];
	p0 =	sne.s32 s2, $0x0  }
0x60: {  	s3 =	rddreg [dreg:$0x2];
	[bflag:$0x3] =	sbarrier.arrive $0xFFFF;
	s2 =	simm.s32 @!p0 $0x1C01  }
0x61: {  	[timem:s3], [sflag:s2] =	dma.local @!p0 [hbm:s0], s1  }
0x62: {  	s0 =	simm.s32 @!p0 $0x1  }
0x63: {  	_ =	swait.ge @!p0 [sflag:s0], s1  }
0x64: {  	s1 =	ssub.s32 @!p0 $0x0, s1;
	[sflag:s0] =	ssyncset.done @!p0 $0x0  }
0x65: {  	[sflag:s0] =	ssyncadd.s32 @!p0 s1  }
0x66: {  	[bflag:$0x3] =	sbarrier.arrive $0xFFFF  }
0x67: {  	_ =	shalt  }

// kernel: gather_offload_async_start.8
scs
__scs_entry_jumppad:
0x0: {  	(pc) =	sbr.rel $0x88, $3  }
0x1: {  	(tag) =	ssettag $0x0;
	lr =	simm.s32 $0x1  }
0x2: {  	[smem:$0x3F9F] =	sst lr;
	_ =	strace $0xD0000000  }
0x3: {  	_ = 	snop  }
0x4: {  	_ = 	snop  }
0x5: {  	_ = 	snop  }
0x6: {  	_ = 	snop  }
0x7: {  	_ = 	snop  }
__scs_overlays_trampoline_lowered:
0x8: {  	[smem:$0x3FAE] =	sst s0  }
0x9: {  	[smem:$0x3FAF] =	sst s1  }
0xa: {  	[smem:$0x3FB0] =	sst s2  }
0xb: {  	[smem:$0x3FB1] =	sst s3  }
0xc: {  	[smem:$0x3FB2] =	sst s4  }
0xd: {  	[smem:$0x3FB3] =	sst s5  }
0xe: {  	[smem:$0x3FB4] =	sst s6  }
0xf: {  	[smem:$0x3FB5] =	sst s7  }
0x10: {  	[smem:$0x3FB6] =	sst s8  }
0x11: {  	[smem:$0x3FB7] =	sst s9;
	s0 =	simm.s32 @!p0 $0x0  }
0x12: {  	s1 =	sld [smem:$0x3F9D];
	s0 =	simm.s32 @p0 $0x1  }
0x13: {  	[smem:$0x3FB8] =	sst s0;
	s0 =	simm.s32 @!p1 $0x0  }
0x14: {  	s2 =	sld [smem:$0x3F9C];
	s0 =	simm.s32 @p1 $0x1  }
0x15: {  	[smem:$0x3FB9] =	sst s0;
	s0 =	simm.s32 @!p2 $0x0  }
0x16: {  	s3 =	sld [smem:$0x3FDB];
	s0 =	simm.s32 @p2 $0x1  }
0x17: {  	s4 =	simm.s32 $0x1BF5;
	[smem:$0x3FBB] =	sst s0  }
0x18: {  	s0 =	sld [smem:$0x3F9E];
	_ =	swait.ge [sflag:s4], $0x0  }
0x19: {  	s7 =	sld [smem:$0x3F9F]  }
0x1a: {  	s8 =	sadd.s32 $0xFFFFE003, lr  }
0x1b: {  	s9 =	sadd.s32 $0xFFFFFEF7, lr;
	s5 =	simm.s32 $0xFFFFFFFF;
	p2 =	slt.u32 s8, $0xFFFFF086  }
0x1c: {  	p1 =	slt.u32 s9, $0xF7A;
	s5 =	simm.s32 @!p2 $0x0  }
0x1d: {  	s5 =	simm.s32 @p1 $0x1;
	p0 =	seq.s32 s7, s2  }
0x1e: {  	s7 =	smul.u32 @!p0 $0xF7A, s2;
	p2 =	seq.s32 @!p0 s5, $0x0  }
0x1f: {  	s9 =	smul.u32 $0xF7A, s1;
	s8 =	simm.s32 @!p0 $0x1BF5;
	p2 =	por !p2, p0  }
0x20: {  	[sflag:s8] =	ssyncset.s32 @!p0 $0xFFFFF086;
	s6 =	sadd.s32 @!p0 s3, s7;
	s7 =	simm.s32 @!p0 $0x108  }
0x21: {  	s3 =	sadd.s32 s3, s9;
	s6 =	sadd.s32 @!p0 $0x88, s6;
	s7 =	simm.s32 @p2 $0x1082  }
0x22: {  	[simem:s7], [sflag:s8] =	dma.local @!p0 [hbm:s6], $0xF7A  }
0x23: {  	s9 =	sor.u32 $0xD0000000, s2;
	s6 =	simm.s32 $0x108;
	_ =	swait.ge @!p0 [sflag:s8], $0x0  }
0x24: {  	s3 =	sadd.s32 $0x88, s3;
	s6 =	simm.s32 @!p1 $0x1082;
	[sflag:s4] =	ssyncset.s32 $0xFFFFF086  }
0x25: {  	[simem:s6], [sflag:s4] =	dma.local [hbm:s3], $0xF7A  }
0x26: {  	[smem:$0x3F9F] =	sst s1;
	(tag) =	ssettag s2;
	_ =	strace s9  }
0x27: {  	s1 =	sld [smem:$0x3FAF]  }
0x28: {  	s2 =	sld [smem:$0x3FB0]  }
0x29: {  	s4 =	sld [smem:$0x3FB2]  }
0x2a: {  	p0 =	seq.s32 s5, $0x0;
	s5 =	sld [smem:$0x3FB3]  }
0x2b: {  	s6 =	sld [smem:$0x3FB4]  }
0x2c: {  	s7 =	sld [smem:$0x3FB5]  }
0x2d: {  	s3 =	simm.s32 $0x108;
	s8 =	sld [smem:$0x3FB6]  }
0x2e: {  	s3 =	simm.s32 @!p0 $0x1082;
	s9 =	sld [smem:$0x3FB7]  }
0x2f: {  	lr =	sadd.s32 s0, s3;
	s0 =	sld [smem:$0x3FAE]  }
0x30: {  	s3 =	sld [smem:$0x3FB1]  }
0x31: {  	[smem:$0x3FBA] =	sst s10  }
0x32: {  	s10 =	sld [smem:$0x3FB8];
	_ =	sdelay $0x3  }
0x33: {  	p0 =	seq.s32 s10, $0x1;
	s10 =	sld [smem:$0x3FBA];
	_ =	sdelay $0x3  }
0x34: {  	[smem:$0x3FBA] =	sst s10  }
0x35: {  	s10 =	sld [smem:$0x3FB9];
	_ =	sdelay $0x3  }
0x36: {  	p1 =	seq.s32 s10, $0x1;
	s10 =	sld [smem:$0x3FBA];
	_ =	sdelay $0x3  }
0x37: {  	[smem:$0x3FBA] =	sst s10  }
0x38: {  	s10 =	sld [smem:$0x3FBB]  }
0x39: {  	_ = 	snop;
	(pc) =	sbr.ind lr, $3  }
0x3a: {  	_ = 	snop  }
0x3b: {  	_ = 	snop  }
0x3c: {  	p2 =	seq.s32 s10, $0x1;
	s10 =	sld [smem:$0x3FBA]  }
0x3d: {  	_ =	shalt  }
0x3e: {  	_ =	shalt  }
0x3f: {  	_ =	shalt  }
0x40: {  	_ =	shalt  }
0x41: {  	_ =	shalt  }
0x42: {  	_ =	shalt  }
0x43: {  	_ =	shalt  }
0x44: {  	_ =	shalt  }
0x45: {  	_ =	shalt  }
0x46: {  	_ =	shalt  }
0x47: {  	_ =	shalt  }
0x48: {  	_ =	shalt  }
0x49: {  	_ =	shalt  }
0x4a: {  	_ =	shalt  }
0x4b: {  	_ =	shalt  }
0x4c: {  	_ =	shalt  }
0x4d: {  	_ =	shalt  }
0x4e: {  	_ =	shalt  }
0x4f: {  	_ =	shalt  }
0x50: {  	_ =	shalt  }
0x51: {  	_ =	shalt  }
0x52: {  	_ =	shalt  }
0x53: {  	_ =	shalt  }
0x54: {  	_ =	shalt  }
0x55: {  	_ =	shalt  }
0x56: {  	_ =	shalt  }
0x57: {  	_ =	shalt  }
0x58: {  	_ =	shalt  }
0x59: {  	_ =	shalt  }
0x5a: {  	_ =	shalt  }
0x5b: {  	_ =	shalt  }
0x5c: {  	_ =	shalt  }
0x5d: {  	_ =	shalt  }
0x5e: {  	_ =	shalt  }
0x5f: {  	_ =	shalt  }
0x60: {  	_ =	shalt  }
0x61: {  	_ =	shalt  }
0x62: {  	_ =	shalt  }
0x63: {  	_ =	shalt  }
0x64: {  	_ =	shalt  }
0x65: {  	_ =	shalt  }
0x66: {  	_ =	shalt  }
0x67: {  	_ =	shalt  }
0x68: {  	_ =	shalt  }
0x69: {  	_ =	shalt  }
0x6a: {  	_ =	shalt  }
0x6b: {  	_ =	shalt  }
0x6c: {  	_ =	shalt  }
0x6d: {  	_ =	shalt  }
0x6e: {  	_ =	shalt  }
0x6f: {  	_ =	shalt  }
0x70: {  	_ =	shalt  }
0x71: {  	_ =	shalt  }
0x72: {  	_ =	shalt  }
0x73: {  	_ =	shalt  }
0x74: {  	_ =	shalt  }
0x75: {  	_ =	shalt  }
0x76: {  	_ =	shalt  }
0x77: {  	_ =	shalt  }
0x78: {  	_ =	shalt  }
0x79: {  	_ =	shalt  }
0x7a: {  	_ =	shalt  }
0x7b: {  	_ =	shalt  }
0x7c: {  	_ =	shalt  }
0x7d: {  	_ =	shalt  }
0x7e: {  	_ =	shalt  }
0x7f: {  	_ =	shalt  }
0x80: {  	_ =	shalt  }
0x81: {  	_ =	shalt  }
0x82: {  	_ =	shalt  }
0x83: {  	_ =	shalt  }
0x84: {  	_ =	shalt  }
0x85: {  	_ =	shalt  }
0x86: {  	_ =	shalt  }
0x87: {  	_ =	shalt  }
.Lfunc_end0:
.L_simem_size_0:
called_computation.10_lowered:
.L_overlay_start_0:
0x88: {  	s2 =	sld [smem:$0x3FD9]  }
0x89: {  	s3 =	sld [smem:$0x3FFE];
	_ =	sdelay $0x1  }
0x8a: {  	s1 =	srdreg.scid  }
0x8b: {  	s0 =	sand.u32 $0x1, s1  }
0x8c: {  	s16 =	sshll.u32 s0, $0xA;
	s2 =	sadd.s32 s3, s2  }
0x8d: {  	s2 =	sadd.s32 s2, s16  }
0x8e: {  	[smem:$0x3FC6] =	sst s2  }
0x8f: {  	_ = 	snop  }
0x90: {  	(tm) =	ssettm $0x1  }
0x91: {  	s17 =	sld [smem:$0x3FFB];
	_ =	sdelay $0x3  }
0x92: {  	_ =	strace s17  }
0x93: {  	s2 =	sld [smem:$0x3FFC];
	_ =	sdelay $0x3  }
0x94: {  	_ =	strace s2  }
0x95: {  	s2 =	sld [smem:$0x3FFD];
	_ =	sdelay $0x3  }
0x96: {  	_ =	strace s2  }
0x97: {  	_ =	strace $0x8FFFFFFF  }
0x98: {  	s18 =	sld [smem:$0x3FDB];
	_ =	sdelay $0x1  }
0x99: {  	s19 =	simm.s32 $_scs_section_size  }
0x9a: {  	s4 =	simm.s32 $_size__tile_overlayer_lowered;
	s5 =	simm.s32 $_tile_overlayer_lowered  }
0x9b: {  	s22 =	simm.s32 $0x1BFF;
	s21 =	sshll.u32 s5, $0x1;
	s2 =	sadd.s32 s19, s18  }
0x9c: {  	s6 =	simm.s32 $0x0;
	s20 =	sshll.u32 s4, $0x1;
	s4 =	sadd.s32 s21, s2  }
0x9d: {  	[timem:s6], [sflag:s22] =	dma.local [hbm:s4], s20  }
0x9e: {  	_ =	swait.ge [sflag:s22], s20  }
0x9f: {  	s3 =	ssub.s32 $0x0, s20;
	[sflag:s22] =	ssyncset.done $0x0  }
0xa0: {  	[sflag:s22] =	ssyncadd.s32 s3;
	_ =	sdelay $0x1  }
0xa1: {  	s23 =	simm.s32 $0x1B8B  }
0xa2: {  	_ =	swait.ge [sflag:s23], $0x1  }
0xa3: {  	[sflag:s23] =	ssyncset.done $0x0  }
0xa4: {  	s25 =	simm.s32 $0x1B8E;
	s24 =	sld [smem:$0x3FFE];
	[sflag:s23] =	ssyncadd.s32 $0xFFFFFFFF  }
0xa5: {  	s26 =	simm.s32 $execute0_lowered;
	[smem:$0x3FD2] =	sst s25  }
0xa6: {  	s4 =	sshll.u32 s26, $0x1;
	_ =	strace $0x8000004F;
	[dreg:$0x1] =	wrdreg $0xFFFFFFFF  }
0xa7: {  	s28 =	simm.s32 $_size_execute0_lowered;
	s2 =	sadd.s32 s2, s4;
	[dreg:$0x0] =	wrdreg $0x0  }
0xa8: {  	s4 =	sshll.u32 s28, $0x1;
	[dreg:$0x2] =	wrdreg s2  }
0xa9: {  	[dreg:$0x3] =	wrdreg s4  }
0xaa: {  	[dreg:$0x4] =	wrdreg $0xC0  }
0xab: {  	_ =	task [dreg:s6], $0x5FFFF  }
0xac: {  	[dreg:$0x1] =	wrdreg $0xFFFFFFFF  }
0xad: {  	[dreg:$0x0] =	wrdreg $0x60  }
0xae: {  	[dreg:$0x2] =	wrdreg s24  }
0xaf: {  	[dreg:$0x3] =	wrdreg $0xA  }
0xb0: {  	_ =	task.clear_ibuf [dreg:s6], $0x4FFFF;
	_ =	strace $0x9000004F  }
0xb1: {  	s29 =	simm.s32 $0xA;
	_ =	strace $0x80000051  }
0xb2: {  	_ =	swait.ge [sflag:s29], $0x1  }
0xb3: {  	[sflag:s29] =	ssyncadd.s32 $0xFFFFFFFF  }
0xb4: {  	_ =	strace $0x90000051  }
0xb5: {  	_ =	sfence  }
0xb6: {  	s30 =	sld [smem:$0x0];
	_ =	sdelay $0x2  }
0xb7: {  	s31 =	sshll.u32 s1, $0xD;
	s1 =	sshrl.u32 s1, $0x2  }
0xb8: {  	s3 =	sand.u32 $0x4000, s31;
	s1 =	sadd.s32 s1, s30  }
0xb9: {  	s0 =	sor.u32 s3, s0;
	s1 =	sshll.u32 s1, $0x11  }
0xba: {  	s0 =	sor.u32 s1, s0  }
0xbb: {  	s0 =	sadd.s32 $0x8F2B, s0  }
0xbc: {  	[sflag:s0] =	ssyncadd.remote.s32 $0x1  }
0xbd: {  	_ =	sfence.sel $0xFFFF  }
0xbe: {  	[dreg:$0x0] =	wrdreg $0xFFFFFFFF;
	(pc) =	sbr.abs _section_cstart, $3  }
0xbf: {  	[dreg:$0x1] =	wrdreg $0xFFFFFFFF  }
0xc0: {  	_ =	task.clear_ibuf [dreg:s6], $0x2FFFF;
	_ =	strace $0x9FFFFFFF  }
0xc1: {  	(tm) =	ssettm $0x7FFFFFFF  }
tec
execute0_lowered:
.L_overlay_start_1:
0x0: {  	(tag) =	ssettag $0x1  }
0x1: {  	s0 =	srdreg.scid;
	s5 =	rddreg [dreg:$0x0]  }
0x2: {  	s1 =	stileid.u32;
	s6 =	simm.s32 $0x1;
	s9 =	simm.s32 $0x1  }
0x3: {  	s10 =	simm.s32 $0x3;
	s13 =	simm.s32 $0x0;
	s2 =	sshll.u32 s0, $0xA  }
0x4: {  	s12 =	simm.s32 $0x0;
	s3 =	sshll.u32 s1, $0xB;
	s2 =	sand.u32 $0x400, s2  }
0x5: {  	s0 =	rddreg [dreg:$0x1];
	_ =	strace $0x80000050;
	s2 =	sor.u32 s3, s2  }
0x6: {  	s4 =	sadd.s32 $0x2C200, s5;
	[sflag:s6] =	ssyncpa.u1 $0x0;
	s8 =	ssub.s32 $0x10000, s2  }
.Ltmp0:
0x7: {  	s3 =	sadd.s32 $0x8200, s5;
	s7 =	sand.u32 $0x7C00, s8;
	(pc) =	sbr.rel .LBB2_1-.Ltmp0, $4  }
0x8: {  	s5 =	sadd.s32 $0x2E200, s5;
	s11 =	smov.u32 s2;
	p0 =	sne.s32 s7, $0x0  }
0x9: {  	s8 =	sshrl.u32 s8, $0xF;
	s7 =	simm.s32 $0x2;
	s9 =	simm.s32 @!p0 $0x0  }
0xa: {  	[sflag:s7] =	ssyncpa.u1 $0x0;
	p0 =	por $0x0, $0x0;
	s8 =	sadd.s32 s9, s8  }
0xb: {  	vm0 =	vmmov $0xffff;
	[sflag:s10] =	ssyncpa.u1 $0x0;
	s10 =	simm.s32 $0x0;
	s9 =	sadd.s32 $0x1, s8  }
.LBB2_4:
0xc: {  	v3 =	vshrl.u32 v0, $0x3;
	v4 =	vshrl.u32 v0, $0xB;
	v1 =	vor.u32 v1, v2  }
0xd: {  	v62 =	vshll.u32 v0, $0xD;
	v60 =	vand.u32 $0xFF, v3;
	v61 =	vand.u32 $0x1F, v4  }
0xe: {  	v0 =	vand.u32 $0xE000, v62;
	v2 =	vsel vm1, $0xFFFFFFFF, v60;
	v3 =	vsel vm1, $0xFFFFFFFF, v61  }
0xf: {  	v0 =	vsel vm1, $0xFFFFE000, v0;
	v63 =	vand.u32 $0x7F, v2;
	v5 =	vshll.u32 v3, $0x8  }
0x10: {  	v2 =	vshll.u32 v2, $0x3;
	v5 =	vand.u32 $0xFFFFF800, v5;
	v0 =	vor.u32 v0, v63  }
0x11: {  	v3 =	vshll.u32 v3, $0x7;
	v2 =	vand.u32 $0xFFFFFC00, v2;
	v0 =	vadd.s32 v5, v0  }
0x12: {  	v3 =	vand.u32 $0x380, v3;
	v0 =	vadd.s32 v2, v0  }
0x13: {  	v0 =	vor.u32 v3, v0;
	_ =	sdelay $0x1  }
0x14: {  	(ifvalue) =	ssetifvalue $0x7FFFFFFF;
	s14 =	sadd.s32 $0x10, s14  }
0x15: {  	[tilespmem:s14], [sflag:$0x1] =	stream.indirect_vreg.gather [hbm4b:s3+s10], $0x1, v1, vm0, $0x4038;
	[tilespmem:$0x1000] =	vst v63  }
0x16: {  	(ifvalue) =	ssetifvalue $0x7FFFFFFF;
	s14 =	sadd.s32 $0x10, s14  }
0x17: {  	[tilespmem:s14], [sflag:$0x1] =	stream.indirect_vreg.gather [hbm4b:s3+s10], $0x1, v0, vm0, $0x4038;
	[tilespmem:$0x1000] =	vst v63  }
0x18: {  	_ =	swait.ge [sflag:s6], $0x400  }
0x19: {  	s30 =	sshrl.u32 s13, $0x3;
	[sflag:s6] =	ssyncset.done $0x0  }
0x1a: {  	s31 =	sand.u32 $0x7, s13;
	s14 =	sadd.s32 s5, s30;
	[sflag:s6] =	ssyncadd.s32 $0xFFFFFC00  }
0x1b: {  	[hbm4b:s14+s31] =	stream.linear.scatter [tilespmem:s15], [sflag:$0x3], $0x400, $0x38;
	[tilespmem:$0x1000] =	vst v63  }
.LBB2_5:
0x1c: {  	s15 =	sadd.s32 $0x8000, s11  }
0x1d: {  	p2 =	sgt.s32 s15, $0xFFFF  }
0x1e: {  	s15 =	smov.u32 @p2 s2;
	p2 =	sne.s32 s12, s9  }
.Ltmp1:
0x1f: {  	p1 =	slt.u32 s12, $0x2;
	(pc) =	sbr.rel @!p2 .LBB2_6-.Ltmp1, $4  }
0x20: {  	s14 =	simm.s32 @!p1 $0x3  }
0x21: {  	s16 =	sadd.s32 $0x1, s12;
	_ =	swait.ge @!p1 [sflag:s14], $0x400  }
0x22: {  	s13 =	smov.u32 s11;
	p0 =	por !p0, !p0;
	[sflag:s14] =	ssyncset.done @!p1 $0x0  }
0x23: {  	s12 =	smov.u32 s16;
	s11 =	smov.u32 s15;
	[sflag:s14] =	ssyncadd.s32 @!p1 $0xFFFFFC00  }
.LBB2_1:
0x24: {  	p1 =	sge.u32 s12, s8  }
0x25: {  	s14 =	sxor.u32 @!p1 $0xFFFFFFFF, s12  }
0x26: {  	s31 =	sadd.s32 $0xFFFFFFFF, s12;
	s15 =	sshrl.u32 @!p1 s11, $0x3;
	s14 =	sshll.u32 @!p1 s14, $0xA  }
0x27: {  	s16 =	sand.u32 @!p1 $0x7, s11;
	s15 =	sadd.s32 @!p1 s4, s15;
	s14 =	sand.u32 @!p1 $0x400, s14  }
0x28: {  	[tilespmem:s14], [sflag:$0x2] =	stream.linear.gather @!p1 [hbm4b:s15+s16], $0x400, $0x38;
	[tilespmem:$0x1000] =	vst v63  }
0x29: {  	p1 =	sge.u32 s31, s8  }
.Ltmp2:
0x2a: {  	_ = 	snop;
	(pc) =	sbr.rel @p1 .LBB2_5-.Ltmp2, $1  }
0x2b: {  	_ =	sdelay $0x3  }
0x2c: {  	s14 =	simm.s32 $0x1  }
0x2d: {  	_ =	swait.ge [sflag:s7], $0x400;
	s14 =	simm.s32 @!p0 $0x0  }
0x2e: {  	[sflag:s7] =	ssyncset.done $0x0;
	s14 =	sshll.u32 s14, $0xA  }
0x2f: {  	[sflag:s7] =	ssyncadd.s32 $0xFFFFFC00;
	(ifvalue) =	ssetifvalue $0x7FFFFFFF;
	v0 =	vld.msk [tilespmem:s14+$0x0 ss:$0x1], $0xffff;
	_ =	sdelay $0x4  }
0x30: {  	s15 =	sadd.s32 $0x10, s14;
	vm1 =	veq.s32 v0, $0x80000000;
	v1 =	vshrl.u32 v0, $0x3;
	v2 =	vshrl.u32 v0, $0xB  }
0x31: {  	v3 =	vld.msk [tilespmem:s15+$0x0 ss:$0x1], $0xffff;
	v0 =	vshll.u32 v0, $0xD;
	v1 =	vand.u32 $0xFF, v1;
	v2 =	vand.u32 $0x1F, v2  }
0x32: {  	v0 =	vand.u32 $0xE000, v0;
	v1 =	vsel vm1, $0xFFFFFFFF, v1;
	v2 =	vsel vm1, $0xFFFFFFFF, v2  }
0x33: {  	v0 =	vsel vm1, $0xFFFFE000, v0;
	v4 =	vand.u32 $0x7F, v1;
	v5 =	vshll.u32 v2, $0x8  }
0x34: {  	v1 =	vshll.u32 v1, $0x3;
	v5 =	vand.u32 $0xFFFFF800, v5;
	v0 =	vor.u32 v0, v4  }
0x35: {  	v2 =	vshll.u32 v2, $0x7;
	v1 =	vand.u32 $0xFFFFFC00, v1;
	v0 =	vadd.s32 v5, v0  }
0x36: {  	v62 =	vshrl.u32 v3, $0xB;
	v2 =	vand.u32 $0x380, v2;
	v0 =	vadd.s32 v1, v0  }
0x37: {  	s17 =	sadd.s32 $0x10, s15;
	vm1 =	veq.s32 v3, $0x80000000;
	v1 =	vor.u32 v2, v0;
	v2 =	vshrl.u32 v3, $0x3  }
0x38: {  	v4 =	vand.u32 $0x1F, v62;
	v0 =	vld.msk [tilespmem:s17+$0x0 ss:$0x1], $0xffff;
	v3 =	vshll.u32 v3, $0xD;
	v2 =	vand.u32 $0xFF, v2  }
0x39: {  	v4 =	vsel vm1, $0xFFFFFFFF, v4;
	v3 =	vand.u32 $0xE000, v3;
	v2 =	vsel vm1, $0xFFFFFFFF, v2  }
0x3a: {  	s31 =	sshll.u32 s12, $0xA;
	v6 =	vshll.u32 v4, $0x8;
	v3 =	vsel vm1, $0xFFFFE000, v3;
	v63 =	vand.u32 $0x7F, v2  }
0x3b: {  	s14 =	sor.u32 $0x800, s14;
	s15 =	sand.u32 $0x400, s31;
	(ifvalue) =	ssetifvalue $0x7FFFFFFF;
	v6 =	vand.u32 $0xFFFFF800, v6;
	v2 =	vshll.u32 v2, $0x3;
	v3 =	vor.u32 v3, v63  }
0x3c: {  	v2 =	vand.u32 $0xFFFFFC00, v2;
	[tilespmem:s14], [sflag:$0x1] =	stream.indirect_vreg.gather [hbm4b:s3+s10], $0x1, v1, vm0, $0x4038;
	v1 =	vshll.u32 v4, $0x7;
	v3 =	vadd.s32 v6, v3;
	[tilespmem:$0x1000] =	vst v63  }
0x3d: {  	s16 =	simm.s32 $0x20;
	s15 =	sor.u32 $0x800, s15;
	s17 =	sadd.s32 $0x10, s17;
	vm1 =	veq.s32 v0, $0x80000000;
	v1 =	vand.u32 $0x380, v1;
	v2 =	vadd.s32 v2, v3  }
.LBB2_3:
0x3e: {  	v3 =	vld.msk [tilespmem:s17+$0x0 ss:$0x1], $0xffff;
	v4 =	vshrl.u32 v0, $0x3;
	v5 =	vshrl.u32 v0, $0xB;
	v1 =	vor.u32 v1, v2;
	s16 =	sadd.s32 $0x10, s16  }
0x3f: {  	v0 =	vshll.u32 v0, $0xD;
	v2 =	vand.u32 $0xFF, v4;
	v4 =	vand.u32 $0x1F, v5;
	p1 =	slt.u32 s16, $0x3F0  }
.Ltmp3:
0x40: {  	v0 =	vand.u32 $0xE000, v0;
	v2 =	vsel vm1, $0xFFFFFFFF, v2;
	v4 =	vsel vm1, $0xFFFFFFFF, v4;
	(pc) =	sbr.rel @p1 .LBB2_3-.Ltmp3, $4  }
0x41: {  	v0 =	vsel vm1, $0xFFFFE000, v0;
	v5 =	vand.u32 $0x7F, v2;
	v6 =	vshll.u32 v4, $0x8  }
0x42: {  	s14 =	sadd.s32 $0x10, s14;
	v2 =	vshll.u32 v2, $0x3;
	v6 =	vand.u32 $0xFFFFF800, v6;
	v7 =	vor.u32 v0, v5;
	(ifvalue) =	ssetifvalue $0x7FFFFFFF  }
0x43: {  	v4 =	vshll.u32 v4, $0x7;
	v2 =	vand.u32 $0xFFFFFC00, v2;
	v5 =	vadd.s32 v6, v7;
	[tilespmem:s14], [sflag:$0x1] =	stream.indirect_vreg.gather [hbm4b:s3+s10], $0x1, v1, vm0, $0x4038;
	[tilespmem:$0x1000] =	vst v63  }
0x44: {  	s17 =	sadd.s32 $0x10, s17;
	vm1 =	veq.s32 v3, $0x80000000;
	v1 =	vand.u32 $0x380, v4;
	v0 =	vmovc v3;
	v2 =	vadd.s32 v2, v5  }
.Ltmp4:
0x45: {  	_ = 	snop;
	(pc) =	sbr.rel .LBB2_4-.Ltmp4, $1  }
0x46: {  	_ =	sdelay $0x3  }
.LBB2_6:
0x47: {  	_ =	sfence.sel $0x180000  }
0x48: {  	s2 =	simm.s32 $0x2;
	[bflag:$0x0] =	sbarrier.arrive $0xFFFF  }
0x49: {  	s30 =	simm.s32 $0x3;
	[sflag:s2] =	ssyncpa.u1 $0x1  }
0x4a: {  	s31 =	simm.s32 $0x1;
	[sflag:s30] =	ssyncpa.u1 $0x1  }
0x4b: {  	[sflag:s31] =	ssyncpa.u1 $0x1  }
0x4c: {  	p0 =	sne.s32 s1, $0x0;
	_ =	strace $0x90000050  }
0x4d: {  	s0 =	sadd.s32 @!p0 $0x100000, s0;
	[bflag:$0x2] =	sbarrier.arrive $0xFFFF  }
0x4e: {  	[sflag:s0] =	ssyncadd.tile.s32 @!p0 $0x1;
	_ =	shalt  }
.Lfunc_end2:
_tile_overlayer_lowered:
.L_overlay_start_2:
0x4f: {  	(tag) =	ssettag $0x2  }
0x50: {  	s0 =	rddreg [dreg:$0x0];
	s2 =	stileid.u32  }
0x51: {  	s1 =	rddreg [dreg:$0x1];
	p0 =	sne.s32 s2, $0x0  }
0x52: {  	s3 =	rddreg [dreg:$0x2];
	[bflag:$0x3] =	sbarrier.arrive $0xFFFF;
	s2 =	simm.s32 @!p0 $0x1C01  }
0x53: {  	[timem:s3], [sflag:s2] =	dma.local @!p0 [hbm:s0], s1  }
0x54: {  	s0 =	simm.s32 @!p0 $0x1  }
0x55: {  	_ =	swait.ge @!p0 [sflag:s0], s1  }
0x56: {  	s1 =	ssub.s32 @!p0 $0x0, s1;
	[sflag:s0] =	ssyncset.done @!p0 $0x0  }
0x57: {  	[sflag:s0] =	ssyncadd.s32 @!p0 s1  }
0x58: {  	[bflag:$0x3] =	sbarrier.arrive $0xFFFF  }
0x59: {  	_ =	shalt  }

// kernel: gather_offload_async_start.9
scs
__scs_entry_jumppad:
0x0: {  	(pc) =	sbr.rel $0x88, $3  }
0x1: {  	(tag) =	ssettag $0x0;
	lr =	simm.s32 $0x1  }
0x2: {  	[smem:$0x3F9F] =	sst lr;
	_ =	strace $0xD0000000  }
0x3: {  	_ = 	snop  }
0x4: {  	_ = 	snop  }
0x5: {  	_ = 	snop  }
0x6: {  	_ = 	snop  }
0x7: {  	_ = 	snop  }
__scs_overlays_trampoline_lowered:
0x8: {  	[smem:$0x3FAE] =	sst s0  }
0x9: {  	[smem:$0x3FAF] =	sst s1  }
0xa: {  	[smem:$0x3FB0] =	sst s2  }
0xb: {  	[smem:$0x3FB1] =	sst s3  }
0xc: {  	[smem:$0x3FB2] =	sst s4  }
0xd: {  	[smem:$0x3FB3] =	sst s5  }
0xe: {  	[smem:$0x3FB4] =	sst s6  }
0xf: {  	[smem:$0x3FB5] =	sst s7  }
0x10: {  	[smem:$0x3FB6] =	sst s8  }
0x11: {  	[smem:$0x3FB7] =	sst s9;
	s0 =	simm.s32 @!p0 $0x0  }
0x12: {  	s1 =	sld [smem:$0x3F9D];
	s0 =	simm.s32 @p0 $0x1  }
0x13: {  	[smem:$0x3FB8] =	sst s0;
	s0 =	simm.s32 @!p1 $0x0  }
0x14: {  	s2 =	sld [smem:$0x3F9C];
	s0 =	simm.s32 @p1 $0x1  }
0x15: {  	[smem:$0x3FB9] =	sst s0;
	s0 =	simm.s32 @!p2 $0x0  }
0x16: {  	s3 =	sld [smem:$0x3FDB];
	s0 =	simm.s32 @p2 $0x1  }
0x17: {  	s4 =	simm.s32 $0x1BF5;
	[smem:$0x3FBB] =	sst s0  }
0x18: {  	s0 =	sld [smem:$0x3F9E];
	_ =	swait.ge [sflag:s4], $0x0  }
0x19: {  	s7 =	sld [smem:$0x3F9F]  }
0x1a: {  	s8 =	sadd.s32 $0xFFFFE003, lr  }
0x1b: {  	s9 =	sadd.s32 $0xFFFFFEF7, lr;
	s5 =	simm.s32 $0xFFFFFFFF;
	p2 =	slt.u32 s8, $0xFFFFF086  }
0x1c: {  	p1 =	slt.u32 s9, $0xF7A;
	s5 =	simm.s32 @!p2 $0x0  }
0x1d: {  	s5 =	simm.s32 @p1 $0x1;
	p0 =	seq.s32 s7, s2  }
0x1e: {  	s7 =	smul.u32 @!p0 $0xF7A, s2;
	p2 =	seq.s32 @!p0 s5, $0x0  }
0x1f: {  	s9 =	smul.u32 $0xF7A, s1;
	s8 =	simm.s32 @!p0 $0x1BF5;
	p2 =	por !p2, p0  }
0x20: {  	[sflag:s8] =	ssyncset.s32 @!p0 $0xFFFFF086;
	s6 =	sadd.s32 @!p0 s3, s7;
	s7 =	simm.s32 @!p0 $0x108  }
0x21: {  	s3 =	sadd.s32 s3, s9;
	s6 =	sadd.s32 @!p0 $0x88, s6;
	s7 =	simm.s32 @p2 $0x1082  }
0x22: {  	[simem:s7], [sflag:s8] =	dma.local @!p0 [hbm:s6], $0xF7A  }
0x23: {  	s9 =	sor.u32 $0xD0000000, s2;
	s6 =	simm.s32 $0x108;
	_ =	swait.ge @!p0 [sflag:s8], $0x0  }
0x24: {  	s3 =	sadd.s32 $0x88, s3;
	s6 =	simm.s32 @!p1 $0x1082;
	[sflag:s4] =	ssyncset.s32 $0xFFFFF086  }
0x25: {  	[simem:s6], [sflag:s4] =	dma.local [hbm:s3], $0xF7A  }
0x26: {  	[smem:$0x3F9F] =	sst s1;
	(tag) =	ssettag s2;
	_ =	strace s9  }
0x27: {  	s1 =	sld [smem:$0x3FAF]  }
0x28: {  	s2 =	sld [smem:$0x3FB0]  }
0x29: {  	s4 =	sld [smem:$0x3FB2]  }
0x2a: {  	p0 =	seq.s32 s5, $0x0;
	s5 =	sld [smem:$0x3FB3]  }
0x2b: {  	s6 =	sld [smem:$0x3FB4]  }
0x2c: {  	s7 =	sld [smem:$0x3FB5]  }
0x2d: {  	s3 =	simm.s32 $0x108;
	s8 =	sld [smem:$0x3FB6]  }
0x2e: {  	s3 =	simm.s32 @!p0 $0x1082;
	s9 =	sld [smem:$0x3FB7]  }
0x2f: {  	lr =	sadd.s32 s0, s3;
	s0 =	sld [smem:$0x3FAE]  }
0x30: {  	s3 =	sld [smem:$0x3FB1]  }
0x31: {  	[smem:$0x3FBA] =	sst s10  }
0x32: {  	s10 =	sld [smem:$0x3FB8];
	_ =	sdelay $0x3  }
0x33: {  	p0 =	seq.s32 s10, $0x1;
	s10 =	sld [smem:$0x3FBA];
	_ =	sdelay $0x3  }
0x34: {  	[smem:$0x3FBA] =	sst s10  }
0x35: {  	s10 =	sld [smem:$0x3FB9];
	_ =	sdelay $0x3  }
0x36: {  	p1 =	seq.s32 s10, $0x1;
	s10 =	sld [smem:$0x3FBA];
	_ =	sdelay $0x3  }
0x37: {  	[smem:$0x3FBA] =	sst s10  }
0x38: {  	s10 =	sld [smem:$0x3FBB]  }
0x39: {  	_ = 	snop;
	(pc) =	sbr.ind lr, $3  }
0x3a: {  	_ = 	snop  }
0x3b: {  	_ = 	snop  }
0x3c: {  	p2 =	seq.s32 s10, $0x1;
	s10 =	sld [smem:$0x3FBA]  }
0x3d: {  	_ =	shalt  }
0x3e: {  	_ =	shalt  }
0x3f: {  	_ =	shalt  }
0x40: {  	_ =	shalt  }
0x41: {  	_ =	shalt  }
0x42: {  	_ =	shalt  }
0x43: {  	_ =	shalt  }
0x44: {  	_ =	shalt  }
0x45: {  	_ =	shalt  }
0x46: {  	_ =	shalt  }
0x47: {  	_ =	shalt  }
0x48: {  	_ =	shalt  }
0x49: {  	_ =	shalt  }
0x4a: {  	_ =	shalt  }
0x4b: {  	_ =	shalt  }
0x4c: {  	_ =	shalt  }
0x4d: {  	_ =	shalt  }
0x4e: {  	_ =	shalt  }
0x4f: {  	_ =	shalt  }
0x50: {  	_ =	shalt  }
0x51: {  	_ =	shalt  }
0x52: {  	_ =	shalt  }
0x53: {  	_ =	shalt  }
0x54: {  	_ =	shalt  }
0x55: {  	_ =	shalt  }
0x56: {  	_ =	shalt  }
0x57: {  	_ =	shalt  }
0x58: {  	_ =	shalt  }
0x59: {  	_ =	shalt  }
0x5a: {  	_ =	shalt  }
0x5b: {  	_ =	shalt  }
0x5c: {  	_ =	shalt  }
0x5d: {  	_ =	shalt  }
0x5e: {  	_ =	shalt  }
0x5f: {  	_ =	shalt  }
0x60: {  	_ =	shalt  }
0x61: {  	_ =	shalt  }
0x62: {  	_ =	shalt  }
0x63: {  	_ =	shalt  }
0x64: {  	_ =	shalt  }
0x65: {  	_ =	shalt  }
0x66: {  	_ =	shalt  }
0x67: {  	_ =	shalt  }
0x68: {  	_ =	shalt  }
0x69: {  	_ =	shalt  }
0x6a: {  	_ =	shalt  }
0x6b: {  	_ =	shalt  }
0x6c: {  	_ =	shalt  }
0x6d: {  	_ =	shalt  }
0x6e: {  	_ =	shalt  }
0x6f: {  	_ =	shalt  }
0x70: {  	_ =	shalt  }
0x71: {  	_ =	shalt  }
0x72: {  	_ =	shalt  }
0x73: {  	_ =	shalt  }
0x74: {  	_ =	shalt  }
0x75: {  	_ =	shalt  }
0x76: {  	_ =	shalt  }
0x77: {  	_ =	shalt  }
0x78: {  	_ =	shalt  }
0x79: {  	_ =	shalt  }
0x7a: {  	_ =	shalt  }
0x7b: {  	_ =	shalt  }
0x7c: {  	_ =	shalt  }
0x7d: {  	_ =	shalt  }
0x7e: {  	_ =	shalt  }
0x7f: {  	_ =	shalt  }
0x80: {  	_ =	shalt  }
0x81: {  	_ =	shalt  }
0x82: {  	_ =	shalt  }
0x83: {  	_ =	shalt  }
0x84: {  	_ =	shalt  }
0x85: {  	_ =	shalt  }
0x86: {  	_ =	shalt  }
0x87: {  	_ =	shalt  }
.Lfunc_end0:
.L_simem_size_0:
called_computation.11_lowered:
.L_overlay_start_0:
0x88: {  	s2 =	sld [smem:$0x3FD9]  }
0x89: {  	s3 =	sld [smem:$0x3FFE];
	_ =	sdelay $0x1  }
0x8a: {  	s1 =	srdreg.scid  }
0x8b: {  	s0 =	sand.u32 $0x1, s1  }
0x8c: {  	s16 =	sshll.u32 s0, $0xA;
	s2 =	sadd.s32 s3, s2  }
0x8d: {  	s2 =	sadd.s32 s2, s16  }
0x8e: {  	[smem:$0x3FC6] =	sst s2  }
0x8f: {  	_ = 	snop  }
0x90: {  	(tm) =	ssettm $0x1  }
0x91: {  	s17 =	sld [smem:$0x3FFB];
	_ =	sdelay $0x3  }
0x92: {  	_ =	strace s17  }
0x93: {  	s2 =	sld [smem:$0x3FFC];
	_ =	sdelay $0x3  }
0x94: {  	_ =	strace s2  }
0x95: {  	s2 =	sld [smem:$0x3FFD];
	_ =	sdelay $0x3  }
0x96: {  	_ =	strace s2  }
0x97: {  	_ =	strace $0x8FFFFFFF  }
0x98: {  	s18 =	sld [smem:$0x3FDB];
	_ =	sdelay $0x1  }
0x99: {  	s19 =	simm.s32 $_scs_section_size  }
0x9a: {  	s4 =	simm.s32 $_size__tile_overlayer_lowered;
	s5 =	simm.s32 $_tile_overlayer_lowered  }
0x9b: {  	s22 =	simm.s32 $0x1BFF;
	s21 =	sshll.u32 s5, $0x1;
	s2 =	sadd.s32 s19, s18  }
0x9c: {  	s6 =	simm.s32 $0x0;
	s20 =	sshll.u32 s4, $0x1;
	s4 =	sadd.s32 s21, s2  }
0x9d: {  	[timem:s6], [sflag:s22] =	dma.local [hbm:s4], s20  }
0x9e: {  	_ =	swait.ge [sflag:s22], s20  }
0x9f: {  	s3 =	ssub.s32 $0x0, s20;
	[sflag:s22] =	ssyncset.done $0x0  }
0xa0: {  	[sflag:s22] =	ssyncadd.s32 s3;
	_ =	sdelay $0x1  }
0xa1: {  	s23 =	simm.s32 $0x1B8B  }
0xa2: {  	_ =	swait.ge [sflag:s23], $0x1  }
0xa3: {  	[sflag:s23] =	ssyncset.done $0x0  }
0xa4: {  	s25 =	simm.s32 $0x1B8E;
	s24 =	sld [smem:$0x3FFE];
	[sflag:s23] =	ssyncadd.s32 $0xFFFFFFFF  }
0xa5: {  	s26 =	simm.s32 $execute0_lowered;
	[smem:$0x3FD2] =	sst s25  }
0xa6: {  	s4 =	sshll.u32 s26, $0x1;
	_ =	strace $0x80000058;
	[dreg:$0x1] =	wrdreg $0xFFFFFFFF  }
0xa7: {  	s28 =	simm.s32 $_size_execute0_lowered;
	s2 =	sadd.s32 s2, s4;
	[dreg:$0x0] =	wrdreg $0x0  }
0xa8: {  	s4 =	sshll.u32 s28, $0x1;
	[dreg:$0x2] =	wrdreg s2  }
0xa9: {  	[dreg:$0x3] =	wrdreg s4  }
0xaa: {  	[dreg:$0x4] =	wrdreg $0xC0  }
0xab: {  	_ =	task [dreg:s6], $0x5FFFF  }
0xac: {  	[dreg:$0x1] =	wrdreg $0xFFFFFFFF  }
0xad: {  	[dreg:$0x0] =	wrdreg $0x60  }
0xae: {  	[dreg:$0x2] =	wrdreg s24  }
0xaf: {  	[dreg:$0x3] =	wrdreg $0x9  }
0xb0: {  	_ =	task.clear_ibuf [dreg:s6], $0x4FFFF;
	_ =	strace $0x90000058  }
0xb1: {  	s29 =	simm.s32 $0x9;
	_ =	strace $0x8000005A  }
0xb2: {  	_ =	swait.ge [sflag:s29], $0x1  }
0xb3: {  	[sflag:s29] =	ssyncadd.s32 $0xFFFFFFFF  }
0xb4: {  	_ =	strace $0x9000005A  }
0xb5: {  	_ =	sfence  }
0xb6: {  	s30 =	sld [smem:$0x0];
	_ =	sdelay $0x2  }
0xb7: {  	s31 =	sshll.u32 s1, $0xD;
	s1 =	sshrl.u32 s1, $0x2  }
0xb8: {  	s3 =	sand.u32 $0x4000, s31;
	s1 =	sadd.s32 s1, s30  }
0xb9: {  	s0 =	sor.u32 s3, s0;
	s1 =	sshll.u32 s1, $0x11  }
0xba: {  	s0 =	sor.u32 s1, s0  }
0xbb: {  	s0 =	sadd.s32 $0x8F2B, s0  }
0xbc: {  	[sflag:s0] =	ssyncadd.remote.s32 $0x1  }
0xbd: {  	_ =	sfence.sel $0xFFFF  }
0xbe: {  	[dreg:$0x0] =	wrdreg $0xFFFFFFFF;
	(pc) =	sbr.abs _section_cstart, $3  }
0xbf: {  	[dreg:$0x1] =	wrdreg $0xFFFFFFFF  }
0xc0: {  	_ =	task.clear_ibuf [dreg:s6], $0x2FFFF;
	_ =	strace $0x9FFFFFFF  }
0xc1: {  	(tm) =	ssettm $0x7FFFFFFF  }
tec
execute0_lowered:
.L_overlay_start_1:
0x0: {  	(tag) =	ssettag $0x1  }
0x1: {  	s0 =	srdreg.scid;
	s5 =	rddreg [dreg:$0x0]  }
0x2: {  	s1 =	stileid.u32;
	s6 =	simm.s32 $0x1;
	s9 =	simm.s32 $0x1  }
0x3: {  	s10 =	simm.s32 $0x3;
	s13 =	simm.s32 $0x0;
	s2 =	sshll.u32 s0, $0xA  }
0x4: {  	s12 =	simm.s32 $0x0;
	s3 =	sshll.u32 s1, $0xB;
	s2 =	sand.u32 $0x400, s2  }
0x5: {  	s0 =	rddreg [dreg:$0x1];
	_ =	strace $0x80000059;
	s2 =	sor.u32 s3, s2  }
0x6: {  	s4 =	sadd.s32 $0xC200, s5;
	[sflag:s6] =	ssyncpa.u1 $0x0;
	s8 =	ssub.s32 $0x10000, s2  }
.Ltmp0:
0x7: {  	s3 =	sadd.s32 $0x8200, s5;
	s7 =	sand.u32 $0x7C00, s8;
	(pc) =	sbr.rel .LBB2_1-.Ltmp0, $4  }
0x8: {  	s5 =	sadd.s32 $0xE200, s5;
	s11 =	smov.u32 s2;
	p0 =	sne.s32 s7, $0x0  }
0x9: {  	s8 =	sshrl.u32 s8, $0xF;
	s7 =	simm.s32 $0x2;
	s9 =	simm.s32 @!p0 $0x0  }
0xa: {  	[sflag:s7] =	ssyncpa.u1 $0x0;
	p0 =	por $0x0, $0x0;
	s8 =	sadd.s32 s9, s8  }
0xb: {  	vm0 =	vmmov $0xffff;
	[sflag:s10] =	ssyncpa.u1 $0x0;
	s10 =	simm.s32 $0x0;
	s9 =	sadd.s32 $0x1, s8  }
.LBB2_4:
0xc: {  	v3 =	vshrl.u32 v0, $0x3;
	v4 =	vshrl.u32 v0, $0xB;
	v1 =	vor.u32 v1, v2  }
0xd: {  	v62 =	vshll.u32 v0, $0xD;
	v60 =	vand.u32 $0xFF, v3;
	v61 =	vand.u32 $0x1F, v4  }
0xe: {  	v0 =	vand.u32 $0xE000, v62;
	v2 =	vsel vm1, $0xFFFFFFFF, v60;
	v3 =	vsel vm1, $0xFFFFFFFF, v61  }
0xf: {  	v0 =	vsel vm1, $0xFFFFE000, v0;
	v63 =	vand.u32 $0x7F, v2;
	v5 =	vshll.u32 v3, $0x8  }
0x10: {  	v2 =	vshll.u32 v2, $0x3;
	v5 =	vand.u32 $0xFFFFF800, v5;
	v0 =	vor.u32 v0, v63  }
0x11: {  	v3 =	vshll.u32 v3, $0x7;
	v2 =	vand.u32 $0xFFFFFC00, v2;
	v0 =	vadd.s32 v5, v0  }
0x12: {  	v3 =	vand.u32 $0x380, v3;
	v0 =	vadd.s32 v2, v0  }
0x13: {  	v0 =	vor.u32 v3, v0;
	_ =	sdelay $0x1  }
0x14: {  	(ifvalue) =	ssetifvalue $0x7FFFFFFF;
	s14 =	sadd.s32 $0x10, s14  }
0x15: {  	[tilespmem:s14], [sflag:$0x1] =	stream.indirect_vreg.gather [hbm4b:s3+s10], $0x1, v1, vm0, $0x4038;
	[tilespmem:$0x1000] =	vst v63  }
0x16: {  	(ifvalue) =	ssetifvalue $0x7FFFFFFF;
	s14 =	sadd.s32 $0x10, s14  }
0x17: {  	[tilespmem:s14], [sflag:$0x1] =	stream.indirect_vreg.gather [hbm4b:s3+s10], $0x1, v0, vm0, $0x4038;
	[tilespmem:$0x1000] =	vst v63  }
0x18: {  	_ =	swait.ge [sflag:s6], $0x400  }
0x19: {  	s30 =	sshrl.u32 s13, $0x3;
	[sflag:s6] =	ssyncset.done $0x0  }
0x1a: {  	s31 =	sand.u32 $0x7, s13;
	s14 =	sadd.s32 s5, s30;
	[sflag:s6] =	ssyncadd.s32 $0xFFFFFC00  }
0x1b: {  	[hbm4b:s14+s31] =	stream.linear.scatter [tilespmem:s15], [sflag:$0x3], $0x400, $0x38;
	[tilespmem:$0x1000] =	vst v63  }
.LBB2_5:
0x1c: {  	s15 =	sadd.s32 $0x8000, s11  }
0x1d: {  	p2 =	sgt.s32 s15, $0xFFFF  }
0x1e: {  	s15 =	smov.u32 @p2 s2;
	p2 =	sne.s32 s12, s9  }
.Ltmp1:
0x1f: {  	p1 =	slt.u32 s12, $0x2;
	(pc) =	sbr.rel @!p2 .LBB2_6-.Ltmp1, $4  }
0x20: {  	s14 =	simm.s32 @!p1 $0x3  }
0x21: {  	s16 =	sadd.s32 $0x1, s12;
	_ =	swait.ge @!p1 [sflag:s14], $0x400  }
0x22: {  	s13 =	smov.u32 s11;
	p0 =	por !p0, !p0;
	[sflag:s14] =	ssyncset.done @!p1 $0x0  }
0x23: {  	s12 =	smov.u32 s16;
	s11 =	smov.u32 s15;
	[sflag:s14] =	ssyncadd.s32 @!p1 $0xFFFFFC00  }
.LBB2_1:
0x24: {  	p1 =	sge.u32 s12, s8  }
0x25: {  	s14 =	sxor.u32 @!p1 $0xFFFFFFFF, s12  }
0x26: {  	s31 =	sadd.s32 $0xFFFFFFFF, s12;
	s15 =	sshrl.u32 @!p1 s11, $0x3;
	s14 =	sshll.u32 @!p1 s14, $0xA  }
0x27: {  	s16 =	sand.u32 @!p1 $0x7, s11;
	s15 =	sadd.s32 @!p1 s4, s15;
	s14 =	sand.u32 @!p1 $0x400, s14  }
0x28: {  	[tilespmem:s14], [sflag:$0x2] =	stream.linear.gather @!p1 [hbm4b:s15+s16], $0x400, $0x38;
	[tilespmem:$0x1000] =	vst v63  }
0x29: {  	p1 =	sge.u32 s31, s8  }
.Ltmp2:
0x2a: {  	_ = 	snop;
	(pc) =	sbr.rel @p1 .LBB2_5-.Ltmp2, $1  }
0x2b: {  	_ =	sdelay $0x3  }
0x2c: {  	s14 =	simm.s32 $0x1  }
0x2d: {  	_ =	swait.ge [sflag:s7], $0x400;
	s14 =	simm.s32 @!p0 $0x0  }
0x2e: {  	[sflag:s7] =	ssyncset.done $0x0;
	s14 =	sshll.u32 s14, $0xA  }
0x2f: {  	[sflag:s7] =	ssyncadd.s32 $0xFFFFFC00;
	(ifvalue) =	ssetifvalue $0x7FFFFFFF;
	v0 =	vld.msk [tilespmem:s14+$0x0 ss:$0x1], $0xffff;
	_ =	sdelay $0x4  }
0x30: {  	s15 =	sadd.s32 $0x10, s14;
	vm1 =	veq.s32 v0, $0x80000000;
	v1 =	vshrl.u32 v0, $0x3;
	v2 =	vshrl.u32 v0, $0xB  }
0x31: {  	v3 =	vld.msk [tilespmem:s15+$0x0 ss:$0x1], $0xffff;
	v0 =	vshll.u32 v0, $0xD;
	v1 =	vand.u32 $0xFF, v1;
	v2 =	vand.u32 $0x1F, v2  }
0x32: {  	v0 =	vand.u32 $0xE000, v0;
	v1 =	vsel vm1, $0xFFFFFFFF, v1;
	v2 =	vsel vm1, $0xFFFFFFFF, v2  }
0x33: {  	v0 =	vsel vm1, $0xFFFFE000, v0;
	v4 =	vand.u32 $0x7F, v1;
	v5 =	vshll.u32 v2, $0x8  }
0x34: {  	v1 =	vshll.u32 v1, $0x3;
	v5 =	vand.u32 $0xFFFFF800, v5;
	v0 =	vor.u32 v0, v4  }
0x35: {  	v2 =	vshll.u32 v2, $0x7;
	v1 =	vand.u32 $0xFFFFFC00, v1;
	v0 =	vadd.s32 v5, v0  }
0x36: {  	v62 =	vshrl.u32 v3, $0xB;
	v2 =	vand.u32 $0x380, v2;
	v0 =	vadd.s32 v1, v0  }
0x37: {  	s17 =	sadd.s32 $0x10, s15;
	vm1 =	veq.s32 v3, $0x80000000;
	v1 =	vor.u32 v2, v0;
	v2 =	vshrl.u32 v3, $0x3  }
0x38: {  	v4 =	vand.u32 $0x1F, v62;
	v0 =	vld.msk [tilespmem:s17+$0x0 ss:$0x1], $0xffff;
	v3 =	vshll.u32 v3, $0xD;
	v2 =	vand.u32 $0xFF, v2  }
0x39: {  	v4 =	vsel vm1, $0xFFFFFFFF, v4;
	v3 =	vand.u32 $0xE000, v3;
	v2 =	vsel vm1, $0xFFFFFFFF, v2  }
0x3a: {  	s31 =	sshll.u32 s12, $0xA;
	v6 =	vshll.u32 v4, $0x8;
	v3 =	vsel vm1, $0xFFFFE000, v3;
	v63 =	vand.u32 $0x7F, v2  }
0x3b: {  	s14 =	sor.u32 $0x800, s14;
	s15 =	sand.u32 $0x400, s31;
	(ifvalue) =	ssetifvalue $0x7FFFFFFF;
	v6 =	vand.u32 $0xFFFFF800, v6;
	v2 =	vshll.u32 v2, $0x3;
	v3 =	vor.u32 v3, v63  }
0x3c: {  	v2 =	vand.u32 $0xFFFFFC00, v2;
	[tilespmem:s14], [sflag:$0x1] =	stream.indirect_vreg.gather [hbm4b:s3+s10], $0x1, v1, vm0, $0x4038;
	v1 =	vshll.u32 v4, $0x7;
	v3 =	vadd.s32 v6, v3;
	[tilespmem:$0x1000] =	vst v63  }
0x3d: {  	s16 =	simm.s32 $0x20;
	s15 =	sor.u32 $0x800, s15;
	s17 =	sadd.s32 $0x10, s17;
	vm1 =	veq.s32 v0, $0x80000000;
	v1 =	vand.u32 $0x380, v1;
	v2 =	vadd.s32 v2, v3  }
.LBB2_3:
0x3e: {  	v3 =	vld.msk [tilespmem:s17+$0x0 ss:$0x1], $0xffff;
	v4 =	vshrl.u32 v0, $0x3;
	v5 =	vshrl.u32 v0, $0xB;
	v1 =	vor.u32 v1, v2;
	s16 =	sadd.s32 $0x10, s16  }
0x3f: {  	v0 =	vshll.u32 v0, $0xD;
	v2 =	vand.u32 $0xFF, v4;
	v4 =	vand.u32 $0x1F, v5;
	p1 =	slt.u32 s16, $0x3F0  }
.Ltmp3:
0x40: {  	v0 =	vand.u32 $0xE000, v0;
	v2 =	vsel vm1, $0xFFFFFFFF, v2;
	v4 =	vsel vm1, $0xFFFFFFFF, v4;
	(pc) =	sbr.rel @p1 .LBB2_3-.Ltmp3, $4  }
0x41: {  	v0 =	vsel vm1, $0xFFFFE000, v0;
	v5 =	vand.u32 $0x7F, v2;
	v6 =	vshll.u32 v4, $0x8  }
0x42: {  	s14 =	sadd.s32 $0x10, s14;
	v2 =	vshll.u32 v2, $0x3;
	v6 =	vand.u32 $0xFFFFF800, v6;
	v7 =	vor.u32 v0, v5;
	(ifvalue) =	ssetifvalue $0x7FFFFFFF  }
0x43: {  	v4 =	vshll.u32 v4, $0x7;
	v2 =	vand.u32 $0xFFFFFC00, v2;
	v5 =	vadd.s32 v6, v7;
	[tilespmem:s14], [sflag:$0x1] =	stream.indirect_vreg.gather [hbm4b:s3+s10], $0x1, v1, vm0, $0x4038;
	[tilespmem:$0x1000] =	vst v63  }
0x44: {  	s17 =	sadd.s32 $0x10, s17;
	vm1 =	veq.s32 v3, $0x80000000;
	v1 =	vand.u32 $0x380, v4;
	v0 =	vmovc v3;
	v2 =	vadd.s32 v2, v5  }
.Ltmp4:
0x45: {  	_ = 	snop;
	(pc) =	sbr.rel .LBB2_4-.Ltmp4, $1  }
0x46: {  	_ =	sdelay $0x3  }
.LBB2_6:
0x47: {  	_ =	sfence.sel $0x180000  }
0x48: {  	s2 =	simm.s32 $0x2;
	[bflag:$0x0] =	sbarrier.arrive $0xFFFF  }
0x49: {  	s30 =	simm.s32 $0x3;
	[sflag:s2] =	ssyncpa.u1 $0x1  }
0x4a: {  	s31 =	simm.s32 $0x1;
	[sflag:s30] =	ssyncpa.u1 $0x1  }
0x4b: {  	[sflag:s31] =	ssyncpa.u1 $0x1  }
0x4c: {  	p0 =	sne.s32 s1, $0x0;
	_ =	strace $0x90000059  }
0x4d: {  	s0 =	sadd.s32 @!p0 $0x100000, s0;
	[bflag:$0x2] =	sbarrier.arrive $0xFFFF  }
0x4e: {  	[sflag:s0] =	ssyncadd.tile.s32 @!p0 $0x1;
	_ =	shalt  }
.Lfunc_end2:
_tile_overlayer_lowered:
.L_overlay_start_2:
0x4f: {  	(tag) =	ssettag $0x2  }
0x50: {  	s0 =	rddreg [dreg:$0x0];
	s2 =	stileid.u32  }
0x51: {  	s1 =	rddreg [dreg:$0x1];
	p0 =	sne.s32 s2, $0x0  }
0x52: {  	s3 =	rddreg [dreg:$0x2];
	[bflag:$0x3] =	sbarrier.arrive $0xFFFF;
	s2 =	simm.s32 @!p0 $0x1C01  }
0x53: {  	[timem:s3], [sflag:s2] =	dma.local @!p0 [hbm:s0], s1  }
0x54: {  	s0 =	simm.s32 @!p0 $0x1  }
0x55: {  	_ =	swait.ge @!p0 [sflag:s0], s1  }
0x56: {  	s1 =	ssub.s32 @!p0 $0x0, s1;
	[sflag:s0] =	ssyncset.done @!p0 $0x0  }
0x57: {  	[sflag:s0] =	ssyncadd.s32 @!p0 s1  }
0x58: {  	[bflag:$0x3] =	sbarrier.arrive $0xFFFF  }
0x59: {  	_ =	shalt  }

// kernel: gather_offload_async_start
scs
__scs_entry_jumppad:
0x0: {  	(pc) =	sbr.rel $0x88, $3  }
0x1: {  	(tag) =	ssettag $0x0;
	lr =	simm.s32 $0x1  }
0x2: {  	[smem:$0x3F9F] =	sst lr;
	_ =	strace $0xD0000000  }
0x3: {  	_ = 	snop  }
0x4: {  	_ = 	snop  }
0x5: {  	_ = 	snop  }
0x6: {  	_ = 	snop  }
0x7: {  	_ = 	snop  }
__scs_overlays_trampoline_lowered:
0x8: {  	[smem:$0x3FAE] =	sst s0  }
0x9: {  	[smem:$0x3FAF] =	sst s1  }
0xa: {  	[smem:$0x3FB0] =	sst s2  }
0xb: {  	[smem:$0x3FB1] =	sst s3  }
0xc: {  	[smem:$0x3FB2] =	sst s4  }
0xd: {  	[smem:$0x3FB3] =	sst s5  }
0xe: {  	[smem:$0x3FB4] =	sst s6  }
0xf: {  	[smem:$0x3FB5] =	sst s7  }
0x10: {  	[smem:$0x3FB6] =	sst s8  }
0x11: {  	[smem:$0x3FB7] =	sst s9;
	s0 =	simm.s32 @!p0 $0x0  }
0x12: {  	s1 =	sld [smem:$0x3F9D];
	s0 =	simm.s32 @p0 $0x1  }
0x13: {  	[smem:$0x3FB8] =	sst s0;
	s0 =	simm.s32 @!p1 $0x0  }
0x14: {  	s2 =	sld [smem:$0x3F9C];
	s0 =	simm.s32 @p1 $0x1  }
0x15: {  	[smem:$0x3FB9] =	sst s0;
	s0 =	simm.s32 @!p2 $0x0  }
0x16: {  	s3 =	sld [smem:$0x3FDB];
	s0 =	simm.s32 @p2 $0x1  }
0x17: {  	s4 =	simm.s32 $0x1BF5;
	[smem:$0x3FBB] =	sst s0  }
0x18: {  	s0 =	sld [smem:$0x3F9E];
	_ =	swait.ge [sflag:s4], $0x0  }
0x19: {  	s7 =	sld [smem:$0x3F9F]  }
0x1a: {  	s8 =	sadd.s32 $0xFFFFE003, lr  }
0x1b: {  	s9 =	sadd.s32 $0xFFFFFEF7, lr;
	s5 =	simm.s32 $0xFFFFFFFF;
	p2 =	slt.u32 s8, $0xFFFFF086  }
0x1c: {  	p1 =	slt.u32 s9, $0xF7A;
	s5 =	simm.s32 @!p2 $0x0  }
0x1d: {  	s5 =	simm.s32 @p1 $0x1;
	p0 =	seq.s32 s7, s2  }
0x1e: {  	s7 =	smul.u32 @!p0 $0xF7A, s2;
	p2 =	seq.s32 @!p0 s5, $0x0  }
0x1f: {  	s9 =	smul.u32 $0xF7A, s1;
	s8 =	simm.s32 @!p0 $0x1BF5;
	p2 =	por !p2, p0  }
0x20: {  	[sflag:s8] =	ssyncset.s32 @!p0 $0xFFFFF086;
	s6 =	sadd.s32 @!p0 s3, s7;
	s7 =	simm.s32 @!p0 $0x108  }
0x21: {  	s3 =	sadd.s32 s3, s9;
	s6 =	sadd.s32 @!p0 $0x88, s6;
	s7 =	simm.s32 @p2 $0x1082  }
0x22: {  	[simem:s7], [sflag:s8] =	dma.local @!p0 [hbm:s6], $0xF7A  }
0x23: {  	s9 =	sor.u32 $0xD0000000, s2;
	s6 =	simm.s32 $0x108;
	_ =	swait.ge @!p0 [sflag:s8], $0x0  }
0x24: {  	s3 =	sadd.s32 $0x88, s3;
	s6 =	simm.s32 @!p1 $0x1082;
	[sflag:s4] =	ssyncset.s32 $0xFFFFF086  }
0x25: {  	[simem:s6], [sflag:s4] =	dma.local [hbm:s3], $0xF7A  }
0x26: {  	[smem:$0x3F9F] =	sst s1;
	(tag) =	ssettag s2;
	_ =	strace s9  }
0x27: {  	s1 =	sld [smem:$0x3FAF]  }
0x28: {  	s2 =	sld [smem:$0x3FB0]  }
0x29: {  	s4 =	sld [smem:$0x3FB2]  }
0x2a: {  	p0 =	seq.s32 s5, $0x0;
	s5 =	sld [smem:$0x3FB3]  }
0x2b: {  	s6 =	sld [smem:$0x3FB4]  }
0x2c: {  	s7 =	sld [smem:$0x3FB5]  }
0x2d: {  	s3 =	simm.s32 $0x108;
	s8 =	sld [smem:$0x3FB6]  }
0x2e: {  	s3 =	simm.s32 @!p0 $0x1082;
	s9 =	sld [smem:$0x3FB7]  }
0x2f: {  	lr =	sadd.s32 s0, s3;
	s0 =	sld [smem:$0x3FAE]  }
0x30: {  	s3 =	sld [smem:$0x3FB1]  }
0x31: {  	[smem:$0x3FBA] =	sst s10  }
0x32: {  	s10 =	sld [smem:$0x3FB8];
	_ =	sdelay $0x3  }
0x33: {  	p0 =	seq.s32 s10, $0x1;
	s10 =	sld [smem:$0x3FBA];
	_ =	sdelay $0x3  }
0x34: {  	[smem:$0x3FBA] =	sst s10  }
0x35: {  	s10 =	sld [smem:$0x3FB9];
	_ =	sdelay $0x3  }
0x36: {  	p1 =	seq.s32 s10, $0x1;
	s10 =	sld [smem:$0x3FBA];
	_ =	sdelay $0x3  }
0x37: {  	[smem:$0x3FBA] =	sst s10  }
0x38: {  	s10 =	sld [smem:$0x3FBB]  }
0x39: {  	_ = 	snop;
	(pc) =	sbr.ind lr, $3  }
0x3a: {  	_ = 	snop  }
0x3b: {  	_ = 	snop  }
0x3c: {  	p2 =	seq.s32 s10, $0x1;
	s10 =	sld [smem:$0x3FBA]  }
0x3d: {  	_ =	shalt  }
0x3e: {  	_ =	shalt  }
0x3f: {  	_ =	shalt  }
0x40: {  	_ =	shalt  }
0x41: {  	_ =	shalt  }
0x42: {  	_ =	shalt  }
0x43: {  	_ =	shalt  }
0x44: {  	_ =	shalt  }
0x45: {  	_ =	shalt  }
0x46: {  	_ =	shalt  }
0x47: {  	_ =	shalt  }
0x48: {  	_ =	shalt  }
0x49: {  	_ =	shalt  }
0x4a: {  	_ =	shalt  }
0x4b: {  	_ =	shalt  }
0x4c: {  	_ =	shalt  }
0x4d: {  	_ =	shalt  }
0x4e: {  	_ =	shalt  }
0x4f: {  	_ =	shalt  }
0x50: {  	_ =	shalt  }
0x51: {  	_ =	shalt  }
0x52: {  	_ =	shalt  }
0x53: {  	_ =	shalt  }
0x54: {  	_ =	shalt  }
0x55: {  	_ =	shalt  }
0x56: {  	_ =	shalt  }
0x57: {  	_ =	shalt  }
0x58: {  	_ =	shalt  }
0x59: {  	_ =	shalt  }
0x5a: {  	_ =	shalt  }
0x5b: {  	_ =	shalt  }
0x5c: {  	_ =	shalt  }
0x5d: {  	_ =	shalt  }
0x5e: {  	_ =	shalt  }
0x5f: {  	_ =	shalt  }
0x60: {  	_ =	shalt  }
0x61: {  	_ =	shalt  }
0x62: {  	_ =	shalt  }
0x63: {  	_ =	shalt  }
0x64: {  	_ =	shalt  }
0x65: {  	_ =	shalt  }
0x66: {  	_ =	shalt  }
0x67: {  	_ =	shalt  }
0x68: {  	_ =	shalt  }
0x69: {  	_ =	shalt  }
0x6a: {  	_ =	shalt  }
0x6b: {  	_ =	shalt  }
0x6c: {  	_ =	shalt  }
0x6d: {  	_ =	shalt  }
0x6e: {  	_ =	shalt  }
0x6f: {  	_ =	shalt  }
0x70: {  	_ =	shalt  }
0x71: {  	_ =	shalt  }
0x72: {  	_ =	shalt  }
0x73: {  	_ =	shalt  }
0x74: {  	_ =	shalt  }
0x75: {  	_ =	shalt  }
0x76: {  	_ =	shalt  }
0x77: {  	_ =	shalt  }
0x78: {  	_ =	shalt  }
0x79: {  	_ =	shalt  }
0x7a: {  	_ =	shalt  }
0x7b: {  	_ =	shalt  }
0x7c: {  	_ =	shalt  }
0x7d: {  	_ =	shalt  }
0x7e: {  	_ =	shalt  }
0x7f: {  	_ =	shalt  }
0x80: {  	_ =	shalt  }
0x81: {  	_ =	shalt  }
0x82: {  	_ =	shalt  }
0x83: {  	_ =	shalt  }
0x84: {  	_ =	shalt  }
0x85: {  	_ =	shalt  }
0x86: {  	_ =	shalt  }
0x87: {  	_ =	shalt  }
.Lfunc_end0:
.L_simem_size_0:
called_computation.2_lowered:
.L_overlay_start_0:
0x88: {  	s2 =	sld [smem:$0x3FD9]  }
0x89: {  	s3 =	sld [smem:$0x3FFE];
	_ =	sdelay $0x1  }
0x8a: {  	s1 =	srdreg.scid  }
0x8b: {  	s0 =	sand.u32 $0x1, s1  }
0x8c: {  	s17 =	sshll.u32 s0, $0xA;
	s2 =	sadd.s32 s3, s2  }
0x8d: {  	s2 =	sadd.s32 s2, s17  }
0x8e: {  	[smem:$0x3FC6] =	sst s2  }
0x8f: {  	_ = 	snop  }
0x90: {  	(tm) =	ssettm $0x1  }
0x91: {  	s18 =	sld [smem:$0x3FFB];
	_ =	sdelay $0x3  }
0x92: {  	_ =	strace s18  }
0x93: {  	s2 =	sld [smem:$0x3FFC];
	_ =	sdelay $0x3  }
0x94: {  	_ =	strace s2  }
0x95: {  	s2 =	sld [smem:$0x3FFD];
	_ =	sdelay $0x3  }
0x96: {  	_ =	strace s2  }
0x97: {  	_ =	strace $0x8FFFFFFF  }
0x98: {  	s19 =	sld [smem:$0x3FDB];
	_ =	sdelay $0x1  }
0x99: {  	s20 =	simm.s32 $_scs_section_size  }
0x9a: {  	s4 =	simm.s32 $_size__tile_overlayer_lowered;
	s5 =	simm.s32 $_tile_overlayer_lowered  }
0x9b: {  	s6 =	simm.s32 $0x1BFF;
	s21 =	sshll.u32 s5, $0x1;
	s3 =	sadd.s32 s20, s19  }
0x9c: {  	s22 =	simm.s32 $0x0;
	s4 =	sshll.u32 s4, $0x1;
	s5 =	sadd.s32 s21, s3  }
0x9d: {  	[timem:s22], [sflag:s6] =	dma.local [hbm:s5], s4  }
0x9e: {  	_ =	swait.ge [sflag:s6], s4  }
0x9f: {  	s4 =	ssub.s32 $0x0, s4;
	[sflag:s6] =	ssyncset.done $0x0  }
0xa0: {  	[sflag:s6] =	ssyncadd.s32 s4;
	_ =	sdelay $0x1  }
0xa1: {  	s23 =	simm.s32 $0x1B8B  }
0xa2: {  	_ =	swait.ge [sflag:s23], $0x1  }
0xa3: {  	[sflag:s23] =	ssyncset.done $0x0  }
0xa4: {  	[sflag:s23] =	ssyncadd.s32 $0xFFFFFFFF  }
0xa5: {  	s4 =	sld [smem:$0x0]  }
0xa6: {  	s5 =	sand.u32 $0xFFFFFFFE, s1  }
0xa7: {  	p0 =	sne.s32 s1, s5  }
0xa8: {  	s5 =	sshll.u32 @p0 s5, $0xE  }
0xa9: {  	s5 =	sadd.s32 @p0 $0x11B8D, s5;
	s6 =	sshll.u32 @p0 s4, $0x11  }
0xaa: {  	s5 =	sor.u32 @p0 s6, s5  }
0xab: {  	[sflag:s5] =	ssyncadd.remote.s32 @p0 $0x1;
	_ =	sdelay $0x1  }
0xac: {  	s5 =	simm.s32 @p0 $0x1B8D  }
0xad: {  	_ =	swait.eq @p0 [sflag:s5], $0x1  }
0xae: {  	[sflag:s5] =	ssyncadd.s32 @p0 $0xFFFFFFFF  }
0xaf: {  	s6 =	sshll.u32 @!p0 s1, $0xE  }
0xb0: {  	s6 =	sor.u32 @!p0 $0x4000, s6;
	s5 =	simm.s32 @!p0 $0x1B8D  }
0xb1: {  	s4 =	sshll.u32 @!p0 s4, $0x11;
	s6 =	sadd.s32 @!p0 $0x11B8D, s6;
	_ =	swait.eq @!p0 [sflag:s5], $0x1  }
0xb2: {  	s4 =	sor.u32 @!p0 s4, s6;
	[sflag:s5] =	ssyncadd.s32 @!p0 $0xFFFFFFFF  }
0xb3: {  	s25 =	simm.s32 $0x1B8E;
	s24 =	sld [smem:$0x3FFE];
	[sflag:s4] =	ssyncadd.remote.s32 @!p0 $0x1  }
0xb4: {  	s26 =	simm.s32 $execute0_lowered;
	[smem:$0x3FD2] =	sst s25  }
0xb5: {  	s5 =	sshll.u32 s26, $0x1;
	_ =	strace $0x80000067;
	[dreg:$0x1] =	wrdreg $0xFFFFFFFF  }
0xb6: {  	s28 =	simm.s32 $_size_execute0_lowered;
	s3 =	sadd.s32 s3, s5;
	[dreg:$0x0] =	wrdreg $0x0  }
0xb7: {  	s5 =	sshll.u32 s28, $0x1;
	[dreg:$0x2] =	wrdreg s3  }
0xb8: {  	[dreg:$0x3] =	wrdreg s5  }
0xb9: {  	[dreg:$0x4] =	wrdreg $0xC0  }
0xba: {  	_ =	task [dreg:s22], $0x5FFFF  }
0xbb: {  	[dreg:$0x1] =	wrdreg $0xFFFFFFFF  }
0xbc: {  	[dreg:$0x0] =	wrdreg $0x60  }
0xbd: {  	[dreg:$0x2] =	wrdreg s24  }
0xbe: {  	[dreg:$0x3] =	wrdreg $0xA  }
0xbf: {  	_ =	task.clear_ibuf [dreg:s22], $0x4FFFF;
	_ =	strace $0x90000067  }
0xc0: {  	s29 =	simm.s32 $0xA;
	_ =	strace $0x80000069  }
0xc1: {  	_ =	swait.ge [sflag:s29], $0x1  }
0xc2: {  	[sflag:s29] =	ssyncadd.s32 $0xFFFFFFFF  }
0xc3: {  	_ =	strace $0x90000069  }
0xc4: {  	_ =	sfence  }
0xc5: {  	s30 =	sld [smem:$0x0];
	_ =	sdelay $0x2  }
0xc6: {  	s31 =	sshll.u32 s1, $0xD;
	s1 =	sshrl.u32 s1, $0x2  }
0xc7: {  	s4 =	sand.u32 $0x4000, s31;
	s1 =	sadd.s32 s1, s30  }
0xc8: {  	s0 =	sor.u32 s4, s0;
	s1 =	sshll.u32 s1, $0x11  }
0xc9: {  	s0 =	sor.u32 s1, s0  }
0xca: {  	s0 =	sadd.s32 $0x8F2B, s0  }
0xcb: {  	[sflag:s0] =	ssyncadd.remote.s32 $0x1  }
0xcc: {  	_ =	sfence.sel $0xFFFF  }
0xcd: {  	[dreg:$0x0] =	wrdreg $0xFFFFFFFF;
	(pc) =	sbr.abs _section_cstart, $3  }
0xce: {  	[dreg:$0x1] =	wrdreg $0xFFFFFFFF  }
0xcf: {  	_ =	task.clear_ibuf [dreg:s22], $0x2FFFF;
	_ =	strace $0x9FFFFFFF  }
0xd0: {  	(tm) =	ssettm $0x7FFFFFFF  }
0xd1: {  	_ =	shalt  }
tec
execute0_lowered:
.L_overlay_start_1:
0x0: {  	(tag) =	ssettag $0x1  }
0x1: {  	s7 =	rddreg [dreg:$0x0]  }
0x2: {  	s0 =	rddreg [dreg:$0x1];
	_ =	strace $0x80000068  }
0x3: {  	s1 =	srdreg.scid;
	s4 =	simm.s32 $0x1;
	s9 =	simm.s32 $0x3  }
0x4: {  	s11 =	simm.s32 $0x0;
	p0 =	por $0x0, $0x0;
	s5 =	sshll.u32 s1, $0x4  }
.Ltmp0:
0x5: {  	s1 =	stileid.u32;
	s5 =	sand.u32 $0x10, s5;
	(pc) =	sbr.rel .LBB2_1-.Ltmp0, $4  }
0x6: {  	s2 =	sadd.s32 $0x600400, s7;
	s3 =	sadd.s32 $0x8200, s7;
	s6 =	sor.u32 s1, s5  }
0x7: {  	[sflag:s4] =	ssyncpa.u1 $0x0;
	s5 =	simm.s32 $0x2;
	s6 =	sshll.u32 s6, $0xB  }
0x8: {  	s7 =	sadd.s32 $0x34400, s7;
	[sflag:s5] =	ssyncpa.u1 $0x0;
	s8 =	sadd.s32 $0x800, s6  }
0x9: {  	vm0 =	vmmov $0xff;
	vm1 =	vcmask $0x3F20;
	[sflag:s9] =	ssyncpa.u1 $0x0;
	s10 =	smov.u32 s6;
	s9 =	simm.s32 $0x0  }
.LBB2_7:
0xa: {  	p1 =	slt.u32 s9, $0x2;
	s11 =	sadd.s32 $0x100, s10  }
0xb: {  	s13 =	smov.u32 s6;
	s9 =	sadd.s32 $0x1, s9;
	p2 =	slt.s32 s11, s8  }
0xc: {  	s13 =	smov.u32 @p2 s11;
	p2 =	sne.s32 s9, $0xA  }
.Ltmp1:
0xd: {  	_ = 	snop;
	(pc) =	sbr.rel @!p2 .LBB2_8-.Ltmp1, $4  }
0xe: {  	s12 =	simm.s32 @!p1 $0x3  }
0xf: {  	_ =	swait.ge @!p1 [sflag:s12], $0x8000  }
0x10: {  	p0 =	por !p0, !p0;
	[sflag:s12] =	ssyncset.done @!p1 $0x0  }
0x11: {  	s11 =	smov.u32 s10;
	s10 =	smov.u32 s13;
	[sflag:s12] =	ssyncadd.s32 @!p1 $0xFFFF8000  }
.LBB2_1:
0x12: {  	p1 =	sgt.u32 s9, $0x7  }
0x13: {  	s12 =	sxor.u32 @!p1 $0xFFFFFFFF, s9  }
0x14: {  	s13 =	sshrl.u32 @!p1 s10, $0x3;
	s12 =	sshll.u32 @!p1 s12, $0x8  }
0x15: {  	s14 =	sand.u32 @!p1 $0x7, s10;
	s13 =	sadd.s32 @!p1 s3, s13;
	s12 =	sand.u32 @!p1 $0x100, s12  }
0x16: {  	[tilespmem:s12], [sflag:$0x2] =	stream.linear.gather @!p1 [hbm4b:s13+s14], $0x100, $0x38;
	[tilespmem:$0x10200] =	vst v63  }
0x17: {  	p1 =	seq.s32 s9, $0x0  }
0x18: {  	p2 =	seq.s32 @!p1 s9, $0x9  }
0x19: {  	p1 =	por p1, p2  }
.Ltmp2:
0x1a: {  	_ = 	snop;
	(pc) =	sbr.rel @p1 .LBB2_7-.Ltmp2, $1  }
0x1b: {  	_ =	sdelay $0x3  }
0x1c: {  	s12 =	simm.s32 $0x1  }
0x1d: {  	_ =	swait.ge [sflag:s5], $0x100;
	s12 =	simm.s32 @!p0 $0x0  }
0x1e: {  	[sflag:s5] =	ssyncset.done $0x0;
	s14 =	sshll.u32 s12, $0x8  }
0x1f: {  	[sflag:s5] =	ssyncadd.s32 $0xFFFFFF00;
	s13 =	sadd.s32 $0x0, s14  }
0x20: {  	v0 =	vld.msk [tilespmem:s13+$0x0 ss:$0x1], $0xffff;
	_ =	sdelay $0x4  }
0x21: {  	v1 =	vshll.u32 v0, $0x4  }
0x22: {  	vm2 =	veq.s32 v0, $0x80000000;
	v0 =	vshll.u32 v0, $0x15;
	v1 =	vand.u32 $0x1FFF80, v1  }
0x23: {  	v0 =	vand.u32 $0xE00000, v0;
	v1 =	vsel vm2, $0xFFFFFF80, v1  }
0x24: {  	v0 =	vsel vm2, $0xFFE00000, v0;
	v2 =	vand.u32 $0xFFFFFC00, v1  }
0x25: {  	v1 =	vand.u32 $0x380, v1;
	v0 =	vadd.s32 v0, v2  }
0x26: {  	v0 =	vor.u32 v1, v0  }
0x27: {  	v0 =	vshrl.u32 v0, $0x3;
	_ =	sdelay $0x2  }
0x28: {  	s12 =	sshll.u32 s12, $0xF  }
0x29: {  	s12 =	sor.u32 $0x200, s12  }
0x2a: {  	[tilespmem:s12], [sflag:$0x1] =	stream.indirect_vreg.gather [hbm:s2], $0x80, v0, vm0, $0x38;
	[tilespmem:$0x10200] =	vst v63  }
0x2b: {  	s15 =	sadd.s32 $0x10, s14;
	s13 =	sadd.s32 $0x400, s12  }
0x2c: {  	[tilespmem:s13], [sflag:$0x1] =	stream.indirect_vreg.gather [hbm:s2], $0x80, v0, vm1, $0x38;
	[tilespmem:$0x10200] =	vst v63  }
0x2d: {  	s16 =	simm.s32 $0x80;
	v0 =	vld.msk [tilespmem:s15+$0x0 ss:$0x1], $0xffff;
	s15 =	smov.u32 s12  }
.LBB2_3:
0x2e: {  	p1 =	sne.s32 s16, $0x3C0;
	_ =	sdelay $0x4  }
0x2f: {  	v1 =	vshll.u32 v0, $0x4  }
0x30: {  	vm2 =	veq.s32 v0, $0x80000000;
	v0 =	vshll.u32 v0, $0x15;
	v1 =	vand.u32 $0x1FFF80, v1  }
0x31: {  	v0 =	vand.u32 $0xE00000, v0;
	v1 =	vsel vm2, $0xFFFFFF80, v1  }
0x32: {  	v0 =	vsel vm2, $0xFFE00000, v0;
	v2 =	vand.u32 $0xFFFFFC00, v1  }
0x33: {  	v1 =	vand.u32 $0x380, v1;
	v0 =	vadd.s32 v0, v2  }
0x34: {  	v0 =	vor.u32 v1, v0  }
0x35: {  	v0 =	vshrl.u32 v0, $0x3;
	_ =	sdelay $0x3  }
.Ltmp3:
0x36: {  	s17 =	sshra.s32 s16, $0x2;
	s15 =	sadd.s32 $0x800, s15;
	(pc) =	sbr.rel @p1 .LBB2_3-.Ltmp3, $4  }
0x37: {  	[tilespmem:s15], [sflag:$0x1] =	stream.indirect_vreg.gather [hbm:s2], $0x80, v0, vm0, $0x38;
	[tilespmem:$0x10200] =	vst v63  }
0x38: {  	s17 =	sadd.s32 s17, s14;
	s18 =	sadd.s32 $0x400, s15  }
0x39: {  	[tilespmem:s18], [sflag:$0x1] =	stream.indirect_vreg.gather [hbm:s2], $0x80, v0, vm1, $0x38;
	[tilespmem:$0x10200] =	vst v63  }
0x3a: {  	s16 =	sadd.s32 $0x40, s16;
	v0 =	vld.msk [tilespmem:s17+$0x0 ss:$0x1], $0xffff  }
0x3b: {  	_ =	sdelay $0x3  }
0x3c: {  	v1 =	vshll.u32 v0, $0x4  }
0x3d: {  	vm2 =	veq.s32 v0, $0x80000000;
	v63 =	vshll.u32 v0, $0x15;
	v1 =	vand.u32 $0x1FFF80, v1  }
0x3e: {  	v0 =	vand.u32 $0xE00000, v63;
	v1 =	vsel vm2, $0xFFFFFF80, v1  }
0x3f: {  	v0 =	vsel vm2, $0xFFE00000, v0;
	v2 =	vand.u32 $0xFFFFFC00, v1  }
0x40: {  	v1 =	vand.u32 $0x380, v1;
	v0 =	vadd.s32 v0, v2  }
0x41: {  	v0 =	vor.u32 v1, v0  }
0x42: {  	v0 =	vshrl.u32 v0, $0x3;
	_ =	sdelay $0x3  }
0x43: {  	s14 =	sadd.s32 $0x800, s15  }
0x44: {  	[tilespmem:s14], [sflag:$0x1] =	stream.indirect_vreg.gather [hbm:s2], $0x80, v0, vm0, $0x38;
	[tilespmem:$0x10200] =	vst v63  }
0x45: {  	s14 =	sadd.s32 $0x400, s14  }
0x46: {  	[tilespmem:s14], [sflag:$0x1] =	stream.indirect_vreg.gather [hbm:s2], $0x80, v0, vm1, $0x38;
	[tilespmem:$0x10200] =	vst v63  }
0x47: {  	s11 =	sshll.u32 s11, $0x4;
	_ =	swait.ge [sflag:s4], $0x8000  }
0x48: {  	s11 =	sadd.s32 s11, s7;
	[sflag:s4] =	ssyncset.done $0x0  }
0x49: {  	s15 =	sadd.s32 $0x0, s11;
	s14 =	simm.s32 $0x80;
	[sflag:s4] =	ssyncadd.s32 $0xFFFF8000  }
.LBB2_5:
0x4a: {  	[hbm:s15] =	stream.linear.scatter [tilespmem:s12], [sflag:$0x3], $0x400, $0x38;
	[tilespmem:$0x10200] =	vst v63  }
0x4b: {  	s15 =	smov.u32 s14;
	s12 =	smov.u32 s13;
	p1 =	sne.s32 s14, $0xF80  }
.Ltmp4:
0x4c: {  	s14 =	sadd.s32 $0x80, s14;
	(pc) =	sbr.rel @p1 .LBB2_5-.Ltmp4, $2  }
0x4d: {  	_ =	sdelay $0x2  }
0x4e: {  	s13 =	sadd.s32 $0x400, s13;
	s15 =	sadd.s32 s15, s11  }
.Ltmp5:
0x4f: {  	(pc) =	sbr.rel .LBB2_7-.Ltmp5, $2  }
0x50: {  	_ =	sdelay $0x2  }
0x51: {  	[hbm:s15] =	stream.linear.scatter [tilespmem:s12], [sflag:$0x3], $0x400, $0x38;
	[tilespmem:$0x10200] =	vst v63  }
.LBB2_8:
0x52: {  	_ =	sfence.sel $0x180000  }
0x53: {  	s2 =	simm.s32 $0x2;
	[bflag:$0x0] =	sbarrier.arrive $0xFFFF  }
0x54: {  	s30 =	simm.s32 $0x3;
	[sflag:s2] =	ssyncpa.u1 $0x1  }
0x55: {  	s31 =	simm.s32 $0x1;
	[sflag:s30] =	ssyncpa.u1 $0x1  }
0x56: {  	[sflag:s31] =	ssyncpa.u1 $0x1  }
0x57: {  	p0 =	sne.s32 s1, $0x0;
	_ =	strace $0x90000068  }
0x58: {  	s0 =	sadd.s32 @!p0 $0x100000, s0;
	[bflag:$0x2] =	sbarrier.arrive $0xFFFF  }
0x59: {  	[sflag:s0] =	ssyncadd.tile.s32 @!p0 $0x1;
	_ =	shalt  }
.Lfunc_end2:
_tile_overlayer_lowered:
.L_overlay_start_2:
0x5a: {  	(tag) =	ssettag $0x2  }
0x5b: {  	s0 =	rddreg [dreg:$0x0];
	s2 =	stileid.u32  }
0x5c: {  	s1 =	rddreg [dreg:$0x1];
	p0 =	sne.s32 s2, $0x0  }
0x5d: {  	s3 =	rddreg [dreg:$0x2];
	[bflag:$0x3] =	sbarrier.arrive $0xFFFF;
	s2 =	simm.s32 @!p0 $0x1C01  }
0x5e: {  	[timem:s3], [sflag:s2] =	dma.local @!p0 [hbm:s0], s1  }
0x5f: {  	s0 =	simm.s32 @!p0 $0x1  }
0x60: {  	_ =	swait.ge @!p0 [sflag:s0], s1  }
0x61: {  	s1 =	ssub.s32 @!p0 $0x0, s1;
	[sflag:s0] =	ssyncset.done @!p0 $0x0  }
0x62: {  	[sflag:s0] =	ssyncadd.s32 @!p0 s1  }
0x63: {  	[bflag:$0x3] =	sbarrier.arrive $0xFFFF  }
0x64: {  	_ =	shalt  }

// kernel: sparse-core-data-format-call.1.cloned.1.call-start
scs
called_computation.1_lowered:
.L_overlay_start_0:
0x0: {  	s1 =	sld [smem:$0x3FD9]  }
0x1: {  	s2 =	sld [smem:$0x3FFE];
	_ =	sdelay $0x1  }
0x2: {  	s3 =	srdreg.scid  }
0x3: {  	s0 =	sand.u32 $0x1, s3  }
0x4: {  	s17 =	sshll.u32 s0, $0xA;
	s1 =	sadd.s32 s2, s1  }
0x5: {  	s1 =	sadd.s32 s1, s17  }
0x6: {  	[smem:$0x3FC6] =	sst s1  }
0x7: {  	_ = 	snop  }
0x8: {  	(tm) =	ssettm $0x1  }
0x9: {  	s18 =	sld [smem:$0x3FFB];
	_ =	sdelay $0x3  }
0xa: {  	_ =	strace s18  }
0xb: {  	s1 =	sld [smem:$0x3FFC];
	_ =	sdelay $0x3  }
0xc: {  	_ =	strace s1  }
0xd: {  	s1 =	sld [smem:$0x3FFD];
	_ =	sdelay $0x3  }
0xe: {  	_ =	strace s1  }
0xf: {  	_ =	strace $0x8FFFFFFF  }
0x10: {  	s19 =	sld [smem:$0x3FDB];
	_ =	sdelay $0x1  }
0x11: {  	s20 =	simm.s32 $_scs_section_size  }
0x12: {  	s4 =	simm.s32 $_size__tile_overlayer_lowered;
	s5 =	simm.s32 $_tile_overlayer_lowered  }
0x13: {  	s23 =	simm.s32 $0x1BFF;
	s22 =	sshll.u32 s5, $0x1;
	s1 =	sadd.s32 s20, s19  }
0x14: {  	s6 =	simm.s32 $0x0;
	s21 =	sshll.u32 s4, $0x1;
	s4 =	sadd.s32 s22, s1  }
0x15: {  	[timem:s6], [sflag:s23] =	dma.local [hbm:s4], s21  }
0x16: {  	_ =	swait.ge [sflag:s23], s21  }
0x17: {  	s2 =	ssub.s32 $0x0, s21;
	[sflag:s23] =	ssyncset.done $0x0  }
0x18: {  	[sflag:s23] =	ssyncadd.s32 s2;
	_ =	sdelay $0x1  }
0x19: {  	s24 =	simm.s32 $0x1B8B  }
0x1a: {  	_ =	swait.ge [sflag:s24], $0x1  }
0x1b: {  	[sflag:s24] =	ssyncset.done $0x0  }
0x1c: {  	s26 =	simm.s32 $0x1B8E;
	s25 =	sld [smem:$0x3FFE];
	[sflag:s24] =	ssyncadd.s32 $0xFFFFFFFF  }
0x1d: {  	s27 =	simm.s32 $execute0_lowered;
	[smem:$0x3FD2] =	sst s26  }
0x1e: {  	s4 =	sshll.u32 s27, $0x1;
	_ =	strace $0x80000049;
	[dreg:$0x1] =	wrdreg $0xFFFFFFFF  }
0x1f: {  	s28 =	simm.s32 $_size_execute0_lowered;
	s1 =	sadd.s32 s1, s4;
	[dreg:$0x0] =	wrdreg $0x0  }
0x20: {  	s4 =	sshll.u32 s28, $0x1;
	[dreg:$0x2] =	wrdreg s1  }
0x21: {  	[dreg:$0x3] =	wrdreg s4  }
0x22: {  	[dreg:$0x4] =	wrdreg $0xC0  }
0x23: {  	_ =	task [dreg:s6], $0x5FFFF  }
0x24: {  	[dreg:$0x1] =	wrdreg $0xFFFFFFFF  }
0x25: {  	[dreg:$0x0] =	wrdreg $0x60  }
0x26: {  	[dreg:$0x2] =	wrdreg s25  }
0x27: {  	[dreg:$0x3] =	wrdreg $0x9  }
0x28: {  	_ =	task.clear_ibuf [dreg:s6], $0x4FFFF;
	_ =	strace $0x90000049  }
0x29: {  	s29 =	simm.s32 $0x9;
	_ =	strace $0x8000004B  }
0x2a: {  	_ =	swait.ge [sflag:s29], $0x1  }
0x2b: {  	[sflag:s29] =	ssyncadd.s32 $0xFFFFFFFF  }
0x2c: {  	_ =	strace $0x9000004B  }
0x2d: {  	_ =	sfence  }
0x2e: {  	s30 =	sld [smem:$0x0];
	_ =	sdelay $0x2  }
0x2f: {  	s31 =	sshll.u32 s3, $0xD;
	s3 =	sshrl.u32 s3, $0x2  }
0x30: {  	s2 =	sand.u32 $0x4000, s31;
	s1 =	sadd.s32 s3, s30  }
0x31: {  	s0 =	sor.u32 s2, s0;
	s1 =	sshll.u32 s1, $0x11  }
0x32: {  	s0 =	sor.u32 s1, s0  }
0x33: {  	s0 =	sadd.s32 $0x8F2B, s0  }
0x34: {  	[sflag:s0] =	ssyncadd.remote.s32 $0x1  }
0x35: {  	_ =	sfence.sel $0xFFFF  }
0x36: {  	[dreg:$0x0] =	wrdreg $0xFFFFFFFF;
	(pc) =	sbr.abs _section_cstart, $3  }
0x37: {  	[dreg:$0x1] =	wrdreg $0xFFFFFFFF  }
0x38: {  	_ =	task.clear_ibuf [dreg:s6], $0x2FFFF;
	_ =	strace $0x9FFFFFFF  }
0x39: {  	(tm) =	ssettm $0x7FFFFFFF  }
tec
execute0_lowered:
.L_overlay_start_1:
0x0: {  	(tag) =	ssettag $0x1  }
0x1: {  	s0 =	stileid.u32;
	s1 =	srdreg.scid  }
0x2: {  	s7 =	rddreg [dreg:$0x0];
	s9 =	simm.s32 $0x2;
	s17 =	simm.s32 $0x0  }
0x3: {  	p0 =	por $0x0, $0x0;
	s10 =	simm.s32 $0x800;
	s15 =	simm.s32 $0x0  }
0x4: {  	s16 =	simm.s32 $0x0;
	s2 =	sshll.u32 s0, $0x4;
	s1 =	sshll.u32 s1, $0x7  }
0x5: {  	s14 =	simm.s32 $0x0;
	s2 =	sand.u32 $0x80, s2;
	s3 =	sand.u32 $0x80, s1  }
0x6: {  	s1 =	rddreg [dreg:$0x1];
	_ =	strace $0x8000004A;
	s4 =	ssub.s32 $0x100, s2  }
0x7: {  	s5 =	ssub.s32 $0x4000, s3;
	s11 =	smov.u32 s3;
	s6 =	sshrl.u32 s4, $0x8  }
0x8: {  	s4 =	sshrl.u32 s4, $0x7;
	s8 =	sshrl.u32 s5, $0x7;
	s5 =	sshrl.u32 s5, $0x8  }
.Ltmp0:
0x9: {  	s4 =	sand.u32 $0x1, s4;
	s8 =	sand.u32 $0x1, s8;
	(pc) =	sbr.rel .LBB1_1-.Ltmp0, $4  }
0xa: {  	s12 =	smov.u32 s2;
	s6 =	sadd.s32 s6, s4;
	s8 =	sadd.s32 s5, s8  }
0xb: {  	s4 =	sadd.s32 $0x200400, s7;
	s5 =	simm.s32 $0x1;
	s6 =	smul.u32 s6, s8  }
0xc: {  	s7 =	sadd.s32 $0x600400, s7;
	[sflag:s5] =	ssyncpa.u1 $0x0;
	s8 =	sand.u32 $0x7, s0  }
0xd: {  	[sflag:s9] =	ssyncpa.u1 $0x0;
	s13 =	smov.u32 s8;
	s9 =	sadd.s32 $0x1, s6  }
.LBB1_4:
0xe: {  	v5 =	vld [tilespmem:s21+$0xFFFFFFD0]  }
0xf: {  	[tilespmem:s19+$0x2040 ss:$0x81] =	vst.msk $0xffff, v1;
	v58 =	vld [tilespmem:s21+$0xFFFFFFE0]  }
0x10: {  	[tilespmem:s19+$0x2850 ss:$0x81] =	vst.msk $0xffff, v2;
	v59 =	vld [tilespmem:s21+$0xFFFFFFF0]  }
0x11: {  	s22 =	sshra.s32 s22, $0x2;
	[tilespmem:s19+$0x3060 ss:$0x81] =	vst.msk $0xffff, v3;
	v60 =	vld [tilespmem:s21+$0x0]  }
0x12: {  	v61 =	vld [tilespmem:s21+$0x10];
	[tilespmem:s19+$0x0 ss:$0x81] =	vst.msk $0xffff, v0;
	s20 =	sadd.s32 s22, s20  }
0x13: {  	s25 =	sshll.u32 s17, $0x8;
	v62 =	vld [tilespmem:s21+$0x20];
	[tilespmem:s20+$0x3870 ss:$0x81] =	vst.msk $0xffff, v4  }
0x14: {  	s23 =	sshll.u32 s15, $0x3;
	v63 =	vld [tilespmem:s21+$0xFFFFFFC0];
	s30 =	sand.u32 $0x78, s15;
	s16 =	sshll.u32 s16, $0x13;
	[tilespmem:s20+$0x810 ss:$0x81] =	vst.msk $0xffff, v5  }
0x15: {  	s28 =	sshll.u32 s17, $0x7;
	s26 =	sand.u32 $0x3FF800, s25;
	s27 =	sand.u32 $0x3FFC00, s23;
	[tilespmem:s20+$0x1020 ss:$0x81] =	vst.msk $0xffff, v58  }
0x16: {  	s29 =	sand.u32 $0x300, s28;
	s17 =	sand.u32 $0x80, s28;
	s19 =	sadd.s32 s27, s26;
	[tilespmem:s20+$0x1830 ss:$0x81] =	vst.msk $0xffff, v59  }
0x17: {  	s31 =	sand.u32 $0x7, s15;
	s17 =	sor.u32 s30, s17;
	s19 =	sor.u32 s29, s19;
	[tilespmem:s20+$0x2040 ss:$0x81] =	vst.msk $0xffff, v60  }
0x18: {  	s16 =	sadd.s32 s7, s16;
	s17 =	sshrl.u32 s17, $0x3;
	s19 =	sshrl.u32 s19, $0x3;
	[tilespmem:s20+$0x2850 ss:$0x81] =	vst.msk $0xffff, v61  }
0x19: {  	s15 =	sshll.u32 s31, $0x12;
	s16 =	sadd.s32 s17, s16;
	[tilespmem:s20+$0x3060 ss:$0x81] =	vst.msk $0xffff, v62;
	s19 =	sand.u32 $0x7FFE0, s19  }
0x1a: {  	s15 =	sor.u32 $0x400, s15;
	[tilespmem:s20+$0x0 ss:$0x81] =	vst.msk $0xffff, v63;
	s16 =	sadd.s32 s19, s16  }
0x1b: {  	[hbm4b:s16+s15] =	stream.strided.scatter [tilespmem:s18], [sflag:$0x2], $0x4000, s10, s15, $0x20;
	[tilespmem:$0x10100] =	vst v63  }
.LBB1_5:
0x1c: {  	s18 =	sadd.s32 $0x100, s11  }
0x1d: {  	s15 =	sadd.s32 $0x100, s12;
	s19 =	smov.u32 s12;
	p2 =	sgt.s32 s18, $0x3FFF  }
0x1e: {  	s19 =	smov.u32 @p2 s15  }
0x1f: {  	s21 =	smov.u32 s13;
	s15 =	sadd.s32 $0x8, s13;
	p3 =	sgt.s32 s19, $0xFF  }
0x20: {  	s21 =	smov.u32 @p3 s15  }
0x21: {  	s18 =	smov.u32 @p2 s3;
	p2 =	sgt.s32 s21, $0x7  }
0x22: {  	p1 =	slt.u32 s14, $0x2;
	s21 =	smov.u32 @p2 s8;
	p2 =	sne.s32 s14, s9  }
.Ltmp1:
0x23: {  	s20 =	simm.s32 @!p1 $0x2;
	(pc) =	sbr.rel @!p2 .LBB1_6-.Ltmp1, $4  }
0x24: {  	s17 =	smov.u32 s11;
	s16 =	smov.u32 s13;
	_ =	swait.ge @!p1 [sflag:s20], $0x4000  }
0x25: {  	p0 =	por !p0, !p0;
	[sflag:s20] =	ssyncset.done @!p1 $0x0;
	s11 =	smov.u32 s18  }
0x26: {  	s19 =	smov.u32 @p3 s2;
	s15 =	smov.u32 s12;
	[sflag:s20] =	ssyncadd.s32 @!p1 $0xFFFFC000  }
0x27: {  	s12 =	smov.u32 s19;
	s14 =	sadd.s32 $0x1, s14;
	s13 =	smov.u32 s21  }
.LBB1_1:
0x28: {  	p1 =	sge.u32 s14, s6;
	s31 =	sadd.s32 $0xFFFFFFFF, s14  }
0x29: {  	s18 =	sxor.u32 @!p1 $0xFFFFFFFF, s14;
	s19 =	sand.u32 @!p1 $0x78, s11;
	s20 =	sshll.u32 @!p1 s12, $0xE  }
0x2a: {  	s21 =	sshll.u32 @!p1 s12, $0x7;
	s22 =	sshll.u32 @!p1 s11, $0x3;
	s18 =	sshll.u32 @!p1 s18, $0xE  }
0x2b: {  	s20 =	sand.u32 @!p1 $0x3E0000, s20;
	s21 =	sand.u32 @!p1 $0x380, s21;
	s18 =	sand.u32 @!p1 $0x4000, s18  }
0x2c: {  	s20 =	sadd.s32 @!p1 s20, s22;
	s22 =	sand.u32 @!p1 $0x3C00, s22;
	s19 =	sor.u32 @!p1 s21, s19  }
0x2d: {  	s21 =	sshll.u32 @!p1 s13, $0x13;
	s19 =	sor.u32 @!p1 s22, s19;
	s20 =	sshrl.u32 @!p1 s20, $0x3  }
0x2e: {  	s21 =	sadd.s32 @!p1 s4, s21;
	s22 =	sand.u32 @!p1 $0x7, s11;
	s20 =	sand.u32 @!p1 $0x7F800, s20  }
0x2f: {  	s19 =	sshrl.u32 @!p1 s19, $0x3;
	s20 =	sadd.s32 @!p1 s20, s21;
	s21 =	sshll.u32 @!p1 s22, $0x12  }
0x30: {  	s19 =	sadd.s32 @!p1 s19, s20;
	s20 =	sor.u32 @!p1 $0x400, s21;
	s21 =	simm.s32 @!p1 $0x20000  }
0x31: {  	[tilespmem:s18], [sflag:$0x1] =	stream.strided.gather @!p1 [hbm4b:s19+s20], $0x4000, s21, s20, $0x38;
	[tilespmem:$0x10100] =	vst v63  }
0x32: {  	p1 =	sge.u32 s31, s6  }
.Ltmp2:
0x33: {  	_ = 	snop;
	(pc) =	sbr.rel @p1 .LBB1_5-.Ltmp2, $1  }
0x34: {  	_ =	sdelay $0x3  }
0x35: {  	s18 =	simm.s32 $0x1  }
0x36: {  	_ =	swait.ge [sflag:s5], $0x4000;
	s18 =	simm.s32 @!p0 $0x0  }
0x37: {  	[sflag:s5] =	ssyncset.done $0x0;
	s19 =	sshll.u32 s18, $0xE  }
0x38: {  	[sflag:s5] =	ssyncadd.s32 $0xFFFFC000;
	s21 =	sor.u32 $0x40, s19  }
0x39: {  	s18 =	smul.u32 $0x10200, s18;
	v0 =	vld [tilespmem:s21+$0x30]  }
0x3a: {  	v3 =	vld [tilespmem:s21+$0xFFFFFFD0]  }
0x3b: {  	s18 =	sshrl.u32 s18, $0x2;
	v4 =	vld [tilespmem:s21+$0xFFFFFFE0]  }
0x3c: {  	v5 =	vld [tilespmem:s21+$0xFFFFFFF0];
	s20 =	sor.u32 $0x8000, s18  }
0x3d: {  	s31 =	sand.u32 $0x1, s14;
	v1 =	vld [tilespmem:s21+$0x0];
	s19 =	sadd.s32 $0x0, s20  }
0x3e: {  	v2 =	vld [tilespmem:s21+$0x10];
	s18 =	smul.u32 $0x10200, s31;
	[tilespmem:s19+$0x3870 ss:$0x81] =	vst.msk $0xffff, v0  }
0x3f: {  	[tilespmem:s19+$0x810 ss:$0x81] =	vst.msk $0xffff, v3;
	v3 =	vld [tilespmem:s21+$0x20]  }
0x40: {  	s18 =	sshrl.u32 s18, $0x2;
	v0 =	vld [tilespmem:s21+$0xFFFFFFC0];
	[tilespmem:s19+$0x1020 ss:$0x81] =	vst.msk $0xffff, v4;
	s21 =	sadd.s32 $0x80, s21  }
0x41: {  	s22 =	simm.s32 $0x4;
	s23 =	simm.s32 $0x8;
	s18 =	sor.u32 $0x8000, s18;
	[tilespmem:s19+$0x1830 ss:$0x81] =	vst.msk $0xffff, v5;
	v4 =	vld [tilespmem:s21+$0x30]  }
.LBB1_3:
0x42: {  	p1 =	sne.s32 s23, $0x1FC;
	v5 =	vld [tilespmem:s21+$0xFFFFFFD0];
	[tilespmem:s19+$0x2040 ss:$0x81] =	vst.msk $0xffff, v1  }
0x43: {  	v6 =	vld [tilespmem:s21+$0xFFFFFFE0];
	[tilespmem:s19+$0x2850 ss:$0x81] =	vst.msk $0xffff, v2  }
0x44: {  	s24 =	sshra.s32 s22, $0x2;
	s22 =	smov.u32 s23;
	v7 =	vld [tilespmem:s21+$0xFFFFFFF0];
	[tilespmem:s19+$0x3060 ss:$0x81] =	vst.msk $0xffff, v3  }
.Ltmp3:
0x45: {  	v1 =	vld [tilespmem:s21+$0x0];
	[tilespmem:s19+$0x0 ss:$0x81] =	vst.msk $0xffff, v0;
	s19 =	sadd.s32 s24, s20;
	(pc) =	sbr.rel @p1 .LBB1_3-.Ltmp3, $4  }
0x46: {  	v2 =	vld [tilespmem:s21+$0x10];
	[tilespmem:s19+$0x3870 ss:$0x81] =	vst.msk $0xffff, v4  }
0x47: {  	[tilespmem:s19+$0x810 ss:$0x81] =	vst.msk $0xffff, v5;
	v3 =	vld [tilespmem:s21+$0x20]  }
0x48: {  	v0 =	vld [tilespmem:s21+$0xFFFFFFC0];
	[tilespmem:s19+$0x1020 ss:$0x81] =	vst.msk $0xffff, v6;
	s21 =	sadd.s32 $0x80, s21  }
0x49: {  	s23 =	sadd.s32 $0x4, s23;
	v4 =	vld [tilespmem:s21+$0x30];
	[tilespmem:s19+$0x1830 ss:$0x81] =	vst.msk $0xffff, v7  }
.Ltmp4:
0x4a: {  	_ = 	snop;
	(pc) =	sbr.rel .LBB1_4-.Ltmp4, $1  }
0x4b: {  	_ =	sdelay $0x3  }
.LBB1_6:
0x4c: {  	_ =	sfence.sel $0x180000  }
0x4d: {  	s2 =	simm.s32 $0x1;
	[bflag:$0x0] =	sbarrier.arrive $0xFFFF  }
0x4e: {  	s31 =	simm.s32 $0x2;
	[sflag:s2] =	ssyncpa.u1 $0x1  }
0x4f: {  	[sflag:s31] =	ssyncpa.u1 $0x1  }
0x50: {  	p0 =	sne.s32 s0, $0x0;
	_ =	strace $0x9000004A  }
0x51: {  	s0 =	sadd.s32 @!p0 $0x100000, s1;
	[bflag:$0x2] =	sbarrier.arrive $0xFFFF  }
0x52: {  	[sflag:s0] =	ssyncadd.tile.s32 @!p0 $0x1;
	_ =	shalt  }
.Lfunc_end1:
_tile_overlayer_lowered:
.L_overlay_start_2:
0x53: {  	(tag) =	ssettag $0x2  }
0x54: {  	s0 =	rddreg [dreg:$0x0];
	s2 =	stileid.u32  }
0x55: {  	s1 =	rddreg [dreg:$0x1];
	p0 =	sne.s32 s2, $0x0  }
0x56: {  	s3 =	rddreg [dreg:$0x2];
	[bflag:$0x3] =	sbarrier.arrive $0xFFFF;
	s2 =	simm.s32 @!p0 $0x1C01  }
0x57: {  	[timem:s3], [sflag:s2] =	dma.local @!p0 [hbm:s0], s1  }
0x58: {  	s0 =	simm.s32 @!p0 $0x1  }
0x59: {  	_ =	swait.ge @!p0 [sflag:s0], s1  }
0x5a: {  	s1 =	ssub.s32 @!p0 $0x0, s1;
	[sflag:s0] =	ssyncset.done @!p0 $0x0  }
0x5b: {  	[sflag:s0] =	ssyncadd.s32 @!p0 s1  }
0x5c: {  	[bflag:$0x3] =	sbarrier.arrive $0xFFFF  }
0x5d: {  	_ =	shalt  }

// kernel: sparse-core-data-format-call.cloned.1.call-start
scs
called_computation_lowered:
.L_overlay_start_0:
0x0: {  	s2 =	sld [smem:$0x3FD9]  }
0x1: {  	s3 =	sld [smem:$0x3FFE];
	_ =	sdelay $0x1  }
0x2: {  	s1 =	srdreg.scid  }
0x3: {  	s0 =	sand.u32 $0x1, s1  }
0x4: {  	s18 =	sshll.u32 s0, $0xA;
	s2 =	sadd.s32 s3, s2  }
0x5: {  	s2 =	sadd.s32 s2, s18  }
0x6: {  	[smem:$0x3FC6] =	sst s2  }
0x7: {  	_ = 	snop  }
0x8: {  	(tm) =	ssettm $0x1  }
0x9: {  	s19 =	sld [smem:$0x3FFB];
	_ =	sdelay $0x3  }
0xa: {  	_ =	strace s19  }
0xb: {  	s2 =	sld [smem:$0x3FFC];
	_ =	sdelay $0x3  }
0xc: {  	_ =	strace s2  }
0xd: {  	s2 =	sld [smem:$0x3FFD];
	_ =	sdelay $0x3  }
0xe: {  	_ =	strace s2  }
0xf: {  	_ =	strace $0x8FFFFFFF  }
0x10: {  	s20 =	sld [smem:$0x3FDB];
	_ =	sdelay $0x1  }
0x11: {  	s21 =	simm.s32 $_scs_section_size  }
0x12: {  	s4 =	simm.s32 $_size__tile_overlayer_lowered;
	s5 =	simm.s32 $_tile_overlayer_lowered  }
0x13: {  	s6 =	simm.s32 $0x1BFF;
	s22 =	sshll.u32 s5, $0x1;
	s3 =	sadd.s32 s21, s20  }
0x14: {  	s23 =	simm.s32 $0x0;
	s4 =	sshll.u32 s4, $0x1;
	s5 =	sadd.s32 s22, s3  }
0x15: {  	[timem:s23], [sflag:s6] =	dma.local [hbm:s5], s4  }
0x16: {  	_ =	swait.ge [sflag:s6], s4  }
0x17: {  	s4 =	ssub.s32 $0x0, s4;
	[sflag:s6] =	ssyncset.done $0x0  }
0x18: {  	[sflag:s6] =	ssyncadd.s32 s4;
	_ =	sdelay $0x1  }
0x19: {  	s24 =	simm.s32 $0x1B8B  }
0x1a: {  	_ =	swait.ge [sflag:s24], $0x1  }
0x1b: {  	[sflag:s24] =	ssyncset.done $0x0  }
0x1c: {  	[sflag:s24] =	ssyncadd.s32 $0xFFFFFFFF  }
0x1d: {  	s4 =	sld [smem:$0x0]  }
0x1e: {  	s5 =	sand.u32 $0xFFFFFFFE, s1  }
0x1f: {  	p0 =	sne.s32 s1, s5  }
0x20: {  	s5 =	sshll.u32 @p0 s5, $0xE  }
0x21: {  	s5 =	sadd.s32 @p0 $0x11B8D, s5;
	s6 =	sshll.u32 @p0 s4, $0x11  }
0x22: {  	s5 =	sor.u32 @p0 s6, s5  }
0x23: {  	[sflag:s5] =	ssyncadd.remote.s32 @p0 $0x1;
	_ =	sdelay $0x1  }
0x24: {  	s5 =	simm.s32 @p0 $0x1B8D  }
0x25: {  	_ =	swait.eq @p0 [sflag:s5], $0x1  }
0x26: {  	[sflag:s5] =	ssyncadd.s32 @p0 $0xFFFFFFFF  }
0x27: {  	s6 =	sshll.u32 @!p0 s1, $0xE  }
0x28: {  	s6 =	sor.u32 @!p0 $0x4000, s6;
	s5 =	simm.s32 @!p0 $0x1B8D  }
0x29: {  	s4 =	sshll.u32 @!p0 s4, $0x11;
	s6 =	sadd.s32 @!p0 $0x11B8D, s6;
	_ =	swait.eq @!p0 [sflag:s5], $0x1  }
0x2a: {  	s4 =	sor.u32 @!p0 s4, s6;
	[sflag:s5] =	ssyncadd.s32 @!p0 $0xFFFFFFFF  }
0x2b: {  	s26 =	simm.s32 $0x1B8E;
	s25 =	sld [smem:$0x3FFE];
	[sflag:s4] =	ssyncadd.remote.s32 @!p0 $0x1  }
0x2c: {  	s27 =	simm.s32 $execute0_lowered;
	[smem:$0x3FD2] =	sst s26  }
0x2d: {  	s5 =	sshll.u32 s27, $0x1;
	_ =	strace $0x80000052;
	[dreg:$0x1] =	wrdreg $0xFFFFFFFF  }
0x2e: {  	s28 =	simm.s32 $_size_execute0_lowered;
	s3 =	sadd.s32 s3, s5;
	[dreg:$0x0] =	wrdreg $0x0  }
0x2f: {  	s5 =	sshll.u32 s28, $0x1;
	[dreg:$0x2] =	wrdreg s3  }
0x30: {  	[dreg:$0x3] =	wrdreg s5  }
0x31: {  	[dreg:$0x4] =	wrdreg $0xC0  }
0x32: {  	_ =	task [dreg:s23], $0x5FFFF  }
0x33: {  	[dreg:$0x1] =	wrdreg $0xFFFFFFFF  }
0x34: {  	[dreg:$0x0] =	wrdreg $0x60  }
0x35: {  	[dreg:$0x2] =	wrdreg s25  }
0x36: {  	[dreg:$0x3] =	wrdreg $0x9  }
0x37: {  	_ =	task.clear_ibuf [dreg:s23], $0x4FFFF;
	_ =	strace $0x90000052  }
0x38: {  	s29 =	simm.s32 $0x9;
	_ =	strace $0x80000054  }
0x39: {  	_ =	swait.ge [sflag:s29], $0x1  }
0x3a: {  	[sflag:s29] =	ssyncadd.s32 $0xFFFFFFFF  }
0x3b: {  	_ =	strace $0x90000054  }
0x3c: {  	_ =	sfence  }
0x3d: {  	s30 =	sld [smem:$0x0];
	_ =	sdelay $0x2  }
0x3e: {  	s31 =	sshll.u32 s1, $0xD;
	s1 =	sshrl.u32 s1, $0x2  }
0x3f: {  	s4 =	sand.u32 $0x4000, s31;
	s1 =	sadd.s32 s1, s30  }
0x40: {  	s0 =	sor.u32 s4, s0;
	s1 =	sshll.u32 s1, $0x11  }
0x41: {  	s0 =	sor.u32 s1, s0  }
0x42: {  	s0 =	sadd.s32 $0x8F2B, s0  }
0x43: {  	[sflag:s0] =	ssyncadd.remote.s32 $0x1  }
0x44: {  	_ =	sfence.sel $0xFFFF  }
0x45: {  	[dreg:$0x0] =	wrdreg $0xFFFFFFFF;
	(pc) =	sbr.abs _section_cstart, $3  }
0x46: {  	[dreg:$0x1] =	wrdreg $0xFFFFFFFF  }
0x47: {  	_ =	task.clear_ibuf [dreg:s23], $0x2FFFF;
	_ =	strace $0x9FFFFFFF  }
0x48: {  	(tm) =	ssettm $0x7FFFFFFF  }
0x49: {  	_ =	shalt  }
tec
execute0_lowered:
.L_overlay_start_1:
0x0: {  	(tag) =	ssettag $0x1  }
0x1: {  	s0 =	stileid.u32  }
0x2: {  	s1 =	srdreg.scid;
	s4 =	rddreg [dreg:$0x0];
	s6 =	simm.s32 $0x1  }
0x3: {  	s8 =	simm.s32 $0x2;
	s15 =	simm.s32 $0x0;
	s9 =	simm.s32 $0x4000  }
0x4: {  	s18 =	simm.s32 $0x0;
	s2 =	sshll.u32 s0, $0x4;
	s1 =	sshll.u32 s1, $0x8  }
0x5: {  	s16 =	simm.s32 $0x0;
	s17 =	simm.s32 $0x0;
	s1 =	sor.u32 s2, s1  }
0x6: {  	s10 =	simm.s32 $0x0;
	s11 =	simm.s32 $0x0;
	s2 =	sand.u32 $0x180, s1  }
0x7: {  	s14 =	simm.s32 $0x0;
	s1 =	rddreg [dreg:$0x1];
	s5 =	ssub.s32 $0x400, s2  }
0x8: {  	_ =	strace $0x80000053;
	s12 =	smov.u32 s2;
	s3 =	sand.u32 $0x180, s5  }
.Ltmp0:
0x9: {  	s7 =	sshrl.u32 s5, $0x9;
	p0 =	sne.s32 s3, $0x0;
	(pc) =	sbr.rel .LBB1_1-.Ltmp0, $4  }
0xa: {  	s5 =	simm.s32 $0x1;
	s3 =	sadd.s32 $0x600400, s4;
	s6 =	simm.s32 @!p0 $0x0  }
0xb: {  	s4 =	sadd.s32 $0x200400, s4;
	[sflag:s5] =	ssyncpa.u1 $0x0;
	s6 =	sadd.s32 s6, s7  }
0xc: {  	[sflag:s8] =	ssyncpa.u1 $0x0;
	s7 =	sand.u32 $0x7, s0;
	s6 =	sshll.u32 s6, $0x5  }
0xd: {  	p0 =	por $0x0, $0x0;
	s13 =	smov.u32 s7;
	s8 =	sor.u32 $0x1, s6  }
.LBB1_4:
0xe: {  	v5 =	vld [tilespmem:s21+$0xFFFFFFD0];
	[tilespmem:s22+$0x2040 ss:$0x81] =	vst.msk $0xffff, v1  }
0xf: {  	v58 =	vld [tilespmem:s21+$0xFFFFFFE0];
	[tilespmem:s22+$0x2850 ss:$0x81] =	vst.msk $0xffff, v2  }
0x10: {  	s23 =	sshra.s32 s23, $0x2;
	v59 =	vld [tilespmem:s21+$0xFFFFFFF0];
	[tilespmem:s22+$0x3060 ss:$0x81] =	vst.msk $0xffff, v3  }
0x11: {  	v60 =	vld [tilespmem:s21+$0x0];
	[tilespmem:s22+$0x0 ss:$0x81] =	vst.msk $0xffff, v0;
	s20 =	sadd.s32 s23, s20  }
0x12: {  	v61 =	vld [tilespmem:s21+$0x10];
	s25 =	sand.u32 $0x78, s16;
	[tilespmem:s20+$0x3870 ss:$0x81] =	vst.msk $0xffff, v4  }
0x13: {  	v62 =	vld [tilespmem:s21+$0x20];
	s26 =	sshll.u32 s18, $0xA;
	s24 =	sshll.u32 s16, $0x3;
	s27 =	sshll.u32 s18, $0x7;
	[tilespmem:s20+$0x810 ss:$0x81] =	vst.msk $0xffff, v5  }
0x14: {  	v63 =	vld [tilespmem:s21+$0xFFFFFFC0];
	s17 =	sshll.u32 s17, $0x13;
	s15 =	sshll.u32 s15, $0xB;
	s30 =	sand.u32 $0x7, s16;
	[tilespmem:s20+$0x1020 ss:$0x81] =	vst.msk $0xffff, v58  }
0x15: {  	s28 =	sand.u32 $0x2000, s26;
	s29 =	sand.u32 $0x3C00, s24;
	s18 =	sand.u32 $0x380, s27;
	[tilespmem:s20+$0x1830 ss:$0x81] =	vst.msk $0xffff, v59  }
0x16: {  	s17 =	sadd.s32 s4, s17;
	s21 =	sadd.s32 s29, s28;
	s18 =	sor.u32 s25, s18;
	[tilespmem:s20+$0x2040 ss:$0x81] =	vst.msk $0xffff, v60  }
0x17: {  	s15 =	sadd.s32 s15, s17;
	s21 =	sshrl.u32 s21, $0x3;
	s18 =	sshrl.u32 s18, $0x3;
	[tilespmem:s20+$0x2850 ss:$0x81] =	vst.msk $0xffff, v61  }
0x18: {  	s16 =	sshll.u32 s30, $0x12;
	s31 =	sand.u32 $0x780, s21;
	s15 =	sadd.s32 s18, s15;
	[tilespmem:s20+$0x3060 ss:$0x81] =	vst.msk $0xffff, v62  }
0x19: {  	s16 =	sor.u32 $0x80, s16;
	[tilespmem:s20+$0x0 ss:$0x81] =	vst.msk $0xffff, v63;
	s15 =	sadd.s32 s31, s15  }
0x1a: {  	[hbm4b:s15+s16] =	stream.strided.scatter [tilespmem:s19], [sflag:$0x2], $0x4000, s9, s16, $0x20;
	[tilespmem:$0x10100] =	vst v63  }
.LBB1_5:
0x1b: {  	s19 =	sadd.s32 $0x80, s10  }
0x1c: {  	s15 =	simm.s32 $0x1;
	p2 =	sgt.s32 s19, $0xFF  }
0x1d: {  	s15 =	simm.s32 @!p2 $0x0  }
0x1e: {  	s20 =	sadd.s32 s15, s11  }
0x1f: {  	s21 =	smov.u32 s12;
	s15 =	sadd.s32 $0x200, s12;
	p3 =	sgt.s32 s20, $0xF  }
0x20: {  	s21 =	smov.u32 @p3 s15  }
0x21: {  	s22 =	smov.u32 s13;
	s15 =	sadd.s32 $0x8, s13;
	p4 =	sgt.s32 s21, $0x3FF  }
0x22: {  	p1 =	slt.u32 s14, $0x2;
	s22 =	smov.u32 @p4 s15  }
0x23: {  	s18 =	smov.u32 s11;
	s19 =	simm.s32 @p2 $0x0;
	p2 =	sgt.s32 s22, $0x7  }
0x24: {  	s23 =	simm.s32 @!p1 $0x2;
	s22 =	smov.u32 @p2 s7;
	p2 =	sne.s32 s14, s8  }
.Ltmp1:
0x25: {  	s16 =	smov.u32 s12;
	_ =	swait.ge @!p1 [sflag:s23], $0x4000;
	(pc) =	sbr.rel @!p2 .LBB1_6-.Ltmp1, $4  }
0x26: {  	s17 =	smov.u32 s13;
	[sflag:s23] =	ssyncset.done @!p1 $0x0;
	s20 =	simm.s32 @p3 $0x0  }
0x27: {  	p0 =	por !p0, !p0;
	[sflag:s23] =	ssyncadd.s32 @!p1 $0xFFFFC000;
	s11 =	smov.u32 s20  }
0x28: {  	s21 =	smov.u32 @p4 s2;
	s15 =	smov.u32 s10;
	s10 =	smov.u32 s19  }
0x29: {  	s12 =	smov.u32 s21;
	s14 =	sadd.s32 $0x1, s14;
	s13 =	smov.u32 s22  }
.LBB1_1:
0x2a: {  	p1 =	sge.u32 s14, s6;
	s31 =	sadd.s32 $0xFFFFFFFF, s14  }
0x2b: {  	s19 =	sxor.u32 @!p1 $0xFFFFFFFF, s14;
	s20 =	sand.u32 @!p1 $0x78, s10;
	s21 =	sshll.u32 @!p1 s11, $0x8  }
0x2c: {  	s22 =	sshll.u32 @!p1 s10, $0x3;
	s23 =	sshll.u32 @!p1 s11, $0x7;
	s19 =	sshll.u32 @!p1 s19, $0xE  }
0x2d: {  	s21 =	sand.u32 @!p1 $0x800, s21;
	s22 =	sand.u32 @!p1 $0xC00, s22;
	s19 =	sand.u32 @!p1 $0x4000, s19  }
0x2e: {  	s21 =	sadd.s32 @!p1 s21, s22;
	s22 =	sand.u32 @!p1 $0x300, s23;
	s23 =	sand.u32 @!p1 $0x80, s23  }
0x2f: {  	s21 =	sor.u32 @!p1 s22, s21;
	s20 =	sor.u32 @!p1 s20, s23;
	s22 =	sshll.u32 @!p1 s13, $0x13  }
0x30: {  	s23 =	sshll.u32 @!p1 s12, $0x9;
	s21 =	sshrl.u32 @!p1 s21, $0x3;
	s22 =	sadd.s32 @!p1 s3, s22  }
0x31: {  	s20 =	sshrl.u32 @!p1 s20, $0x3;
	s22 =	sadd.s32 @!p1 s23, s22;
	s23 =	sand.u32 @!p1 $0x7, s10  }
0x32: {  	s21 =	sand.u32 @!p1 $0x1E0, s21;
	s20 =	sadd.s32 @!p1 s20, s22;
	s22 =	sshll.u32 @!p1 s23, $0x12  }
0x33: {  	s20 =	sadd.s32 @!p1 s21, s20;
	s21 =	sor.u32 @!p1 $0x80, s22;
	s22 =	simm.s32 @!p1 $0x1000  }
0x34: {  	[tilespmem:s19], [sflag:$0x1] =	stream.strided.gather @!p1 [hbm4b:s20+s21], $0x4000, s22, s21, $0x38;
	[tilespmem:$0x10100] =	vst v63  }
0x35: {  	p1 =	sge.u32 s31, s6  }
.Ltmp2:
0x36: {  	_ = 	snop;
	(pc) =	sbr.rel @p1 .LBB1_5-.Ltmp2, $1  }
0x37: {  	_ =	sdelay $0x3  }
0x38: {  	s19 =	simm.s32 $0x1  }
0x39: {  	_ =	swait.ge [sflag:s5], $0x4000;
	s19 =	simm.s32 @!p0 $0x0  }
0x3a: {  	[sflag:s5] =	ssyncset.done $0x0;
	s20 =	sshll.u32 s19, $0xE  }
0x3b: {  	[sflag:s5] =	ssyncadd.s32 $0xFFFFC000;
	s21 =	sor.u32 $0x40, s20  }
0x3c: {  	s19 =	smul.u32 $0x10200, s19;
	v0 =	vld [tilespmem:s21+$0x30]  }
0x3d: {  	v3 =	vld [tilespmem:s21+$0xFFFFFFD0]  }
0x3e: {  	s19 =	sshrl.u32 s19, $0x2;
	v4 =	vld [tilespmem:s21+$0xFFFFFFE0]  }
0x3f: {  	v5 =	vld [tilespmem:s21+$0xFFFFFFF0];
	s20 =	sor.u32 $0x8000, s19  }
0x40: {  	s31 =	sand.u32 $0x1, s14;
	v1 =	vld [tilespmem:s21+$0x0];
	s22 =	sadd.s32 $0x0, s20  }
0x41: {  	v2 =	vld [tilespmem:s21+$0x10];
	s19 =	smul.u32 $0x10200, s31;
	[tilespmem:s22+$0x3870 ss:$0x81] =	vst.msk $0xffff, v0  }
0x42: {  	[tilespmem:s22+$0x810 ss:$0x81] =	vst.msk $0xffff, v3;
	v3 =	vld [tilespmem:s21+$0x20]  }
0x43: {  	s19 =	sshrl.u32 s19, $0x2;
	v0 =	vld [tilespmem:s21+$0xFFFFFFC0];
	[tilespmem:s22+$0x1020 ss:$0x81] =	vst.msk $0xffff, v4;
	s21 =	sadd.s32 $0x80, s21  }
0x44: {  	s23 =	simm.s32 $0x4;
	s24 =	simm.s32 $0x8;
	s19 =	sor.u32 $0x8000, s19;
	[tilespmem:s22+$0x1830 ss:$0x81] =	vst.msk $0xffff, v5;
	v4 =	vld [tilespmem:s21+$0x30]  }
.LBB1_3:
0x45: {  	p1 =	sne.s32 s24, $0x1FC;
	v5 =	vld [tilespmem:s21+$0xFFFFFFD0];
	[tilespmem:s22+$0x2040 ss:$0x81] =	vst.msk $0xffff, v1  }
0x46: {  	v6 =	vld [tilespmem:s21+$0xFFFFFFE0];
	[tilespmem:s22+$0x2850 ss:$0x81] =	vst.msk $0xffff, v2  }
0x47: {  	s25 =	sshra.s32 s23, $0x2;
	s23 =	smov.u32 s24;
	v7 =	vld [tilespmem:s21+$0xFFFFFFF0];
	[tilespmem:s22+$0x3060 ss:$0x81] =	vst.msk $0xffff, v3  }
.Ltmp3:
0x48: {  	v1 =	vld [tilespmem:s21+$0x0];
	[tilespmem:s22+$0x0 ss:$0x81] =	vst.msk $0xffff, v0;
	s22 =	sadd.s32 s25, s20;
	(pc) =	sbr.rel @p1 .LBB1_3-.Ltmp3, $4  }
0x49: {  	v2 =	vld [tilespmem:s21+$0x10];
	[tilespmem:s22+$0x3870 ss:$0x81] =	vst.msk $0xffff, v4  }
0x4a: {  	[tilespmem:s22+$0x810 ss:$0x81] =	vst.msk $0xffff, v5;
	v3 =	vld [tilespmem:s21+$0x20]  }
0x4b: {  	v0 =	vld [tilespmem:s21+$0xFFFFFFC0];
	[tilespmem:s22+$0x1020 ss:$0x81] =	vst.msk $0xffff, v6;
	s21 =	sadd.s32 $0x80, s21  }
0x4c: {  	s24 =	sadd.s32 $0x4, s24;
	v4 =	vld [tilespmem:s21+$0x30];
	[tilespmem:s22+$0x1830 ss:$0x81] =	vst.msk $0xffff, v7  }
.Ltmp4:
0x4d: {  	_ = 	snop;
	(pc) =	sbr.rel .LBB1_4-.Ltmp4, $1  }
0x4e: {  	_ =	sdelay $0x3  }
.LBB1_6:
0x4f: {  	_ =	sfence.sel $0x180000  }
0x50: {  	s2 =	simm.s32 $0x1;
	[bflag:$0x0] =	sbarrier.arrive $0xFFFF  }
0x51: {  	s31 =	simm.s32 $0x2;
	[sflag:s2] =	ssyncpa.u1 $0x1  }
0x52: {  	[sflag:s31] =	ssyncpa.u1 $0x1  }
0x53: {  	p0 =	sne.s32 s0, $0x0;
	_ =	strace $0x90000053  }
0x54: {  	s0 =	sadd.s32 @!p0 $0x100000, s1;
	[bflag:$0x2] =	sbarrier.arrive $0xFFFF  }
0x55: {  	[sflag:s0] =	ssyncadd.tile.s32 @!p0 $0x1;
	_ =	shalt  }
.Lfunc_end1:
_tile_overlayer_lowered:
.L_overlay_start_2:
0x56: {  	(tag) =	ssettag $0x2  }
0x57: {  	s0 =	rddreg [dreg:$0x0];
	s2 =	stileid.u32  }
0x58: {  	s1 =	rddreg [dreg:$0x1];
	p0 =	sne.s32 s2, $0x0  }
0x59: {  	s3 =	rddreg [dreg:$0x2];
	[bflag:$0x3] =	sbarrier.arrive $0xFFFF;
	s2 =	simm.s32 @!p0 $0x1C01  }
0x5a: {  	[timem:s3], [sflag:s2] =	dma.local @!p0 [hbm:s0], s1  }
0x5b: {  	s0 =	simm.s32 @!p0 $0x1  }
0x5c: {  	_ =	swait.ge @!p0 [sflag:s0], s1  }
0x5d: {  	s1 =	ssub.s32 @!p0 $0x0, s1;
	[sflag:s0] =	ssyncset.done @!p0 $0x0  }
0x5e: {  	[sflag:s0] =	ssyncadd.s32 @!p0 s1  }
0x5f: {  	[bflag:$0x3] =	sbarrier.arrive $0xFFFF  }
0x60: {  	_ =	shalt  }

</sc_bundles>
